<compile_context>
chip_gen: v7x
topology: tpu7x:2x2x1
jax: 0.10.2.dev20260603
libtpu: 0.0.44.dev20260713+nightly
codegen_flags: <defaults>
</compile_context>

<pallas_src>
import jax
import jax.numpy as jnp
from jax import lax
from jax.experimental import pallas as pl
from jax.experimental.pallas import tpu as pltpu
from jax.experimental.pallas import tpu_sc as plsc

N = 10000
E = 320000
D = 128
NC = 2
NS = 16
NW = NC * NS
CHUNK = 128
CPT = 80
NCHUNKS = NW * CPT
EPAD = NCHUNKS * CHUNK
NPAD = 10112
RPT = NPAD // NS
HALF = CPT // 2
CNPAD = 10240
CRPT = CNPAD // NS

_mesh = plsc.VectorSubcoreMesh(
    core_axis_name="c", subcore_axis_name="s", num_cores=NC, num_subcores=NS)


def _make_agg(with_cnt):

  def body(y_hbm, srcs_hbm, dsts_hbm, *refs):
    if with_cnt:
      (out_hbm, cnt0_hbm, cnt1_hbm, idx_s, idx_d, rows0, rows1, ones_v, acc,
       cacc, sem0, sem1) = refs
    else:
      out_hbm, idx_s, idx_d, rows0, rows1, acc, sem0, sem1 = refs
    cid = lax.axis_index("c")
    sid = lax.axis_index("s")
    wid = cid * NS + sid

    pltpu.sync_copy(srcs_hbm.at[pl.ds(wid * CPT, CPT)], idx_s.at[pl.ds(0, CPT)])
    pltpu.sync_copy(dsts_hbm.at[pl.ds(wid * CPT, HALF)], idx_d)
    izeros16 = jnp.zeros((16,), jnp.int32)
    for j in range(CHUNK // 16):
      idx_s[CPT, pl.ds(j * 16, 16)] = izeros16

    zeros16 = jnp.zeros((16,), jnp.float32)

    def zrow(i, carry):
      for j in range(D // 16):
        rows0[i, pl.ds(j * 16, 16)] = zeros16
      return carry

    lax.fori_loop(0, CHUNK, zrow, 0)
    if with_cnt:
      for j in range(CHUNK // 16):
        ones_v[pl.ds(j * 16, 16)] = jnp.full((16,), 1.0, jnp.float32)
    for i in range(4):
      pltpu.sync_copy(rows0, acc.at[pl.ds(sid * RPT + i * CHUNK, CHUNK)])
    pltpu.sync_copy(rows0, acc.at[pl.ds(sid * RPT + RPT - CHUNK, CHUNK)])
    if with_cnt:
      for i in range(CRPT // CHUNK):
        pltpu.sync_copy(rows0.at[0], cacc.at[pl.ds(sid * CRPT + i * CHUNK, CHUNK)])
    plsc.subcore_barrier()

    pltpu.async_copy(y_hbm.at[idx_s.at[0]], rows0, sem0)

    def make_step(doff):
      def step2(p, carry):
        c0 = 2 * p
        pltpu.async_copy(y_hbm.at[idx_s.at[c0 + 1]], rows1, sem1)
        pltpu.make_async_copy(y_hbm.at[idx_s.at[c0]], rows0, sem0).wait()
        pltpu.sync_copy(rows0, acc.at[idx_d.at[c0 - doff]], add=True)
        if with_cnt:
          pltpu.sync_copy(ones_v, cacc.at[idx_d.at[c0 - doff]], add=True)
        pltpu.async_copy(y_hbm.at[idx_s.at[c0 + 2]], rows0, sem0)
        pltpu.make_async_copy(y_hbm.at[idx_s.at[c0 + 1]], rows1, sem1).wait()
        pltpu.sync_copy(rows1, acc.at[idx_d.at[c0 + 1 - doff]], add=True)
        if with_cnt:
          pltpu.sync_copy(ones_v, cacc.at[idx_d.at[c0 + 1 - doff]], add=True)
        return carry
      return step2

    lax.fori_loop(0, HALF // 2, make_step(0), 0)
    pltpu.sync_copy(dsts_hbm.at[pl.ds(wid * CPT + HALF, HALF)], idx_d)
    lax.fori_loop(HALF // 2, CPT // 2, make_step(HALF), 0)
    pltpu.make_async_copy(y_hbm.at[idx_s.at[CPT]], rows0, sem0).wait()
    plsc.subcore_barrier()

    pltpu.sync_copy(acc.at[pl.ds(sid * RPT, RPT)],
                    out_hbm.at[cid, pl.ds(sid * RPT, RPT)])
    if with_cnt:
      @pl.when(cid == 0)
      def _():
        pltpu.sync_copy(cacc.at[pl.ds(sid * CRPT, CRPT)],
                        cnt0_hbm.at[pl.ds(sid * CRPT, CRPT)])

      @pl.when(cid == 1)
      def _():
        pltpu.sync_copy(cacc.at[pl.ds(sid * CRPT, CRPT)],
                        cnt1_hbm.at[pl.ds(sid * CRPT, CRPT)])

  out_type = [jax.ShapeDtypeStruct((NC, NPAD, D), jnp.float32)]
  scratch = [
      pltpu.VMEM((CPT + 1, CHUNK), jnp.int32),
      pltpu.VMEM((HALF, CHUNK), jnp.int32),
      pltpu.VMEM((CHUNK, D), jnp.float32),
      pltpu.VMEM((CHUNK, D), jnp.float32),
  ]
  if with_cnt:
    out_type.append(jax.ShapeDtypeStruct((CNPAD,), jnp.float32))
    out_type.append(jax.ShapeDtypeStruct((CNPAD,), jnp.float32))
    scratch += [
        pltpu.VMEM((CHUNK,), jnp.float32),
    ]
  scratch.append(pltpu.VMEM_SHARED((NPAD, D), jnp.float32))
  if with_cnt:
    scratch.append(pltpu.VMEM_SHARED((CNPAD,), jnp.float32))
  scratch += [pltpu.SemaphoreType.DMA, pltpu.SemaphoreType.DMA]

  return pl.kernel(body, out_type=out_type, mesh=_mesh, scratch_types=scratch)


_agg_cnt = _make_agg(True)
_agg = _make_agg(False)

_GRID = 10
_BR = 1024


def _k1_body(x_ref, wl_ref, wr_ref, b_ref, y_ref, z_ref):
  xb = x_ref[...]
  y_ref[...] = jnp.dot(xb, wl_ref[...], preferred_element_type=jnp.float32)
  z_ref[...] = jnp.dot(xb, wr_ref[...], preferred_element_type=jnp.float32) + b_ref[...]


def _k1(x, wl, wr, b):
  return pl.pallas_call(
      _k1_body,
      grid=(_GRID,),
      in_specs=[
          pl.BlockSpec((_BR, D), lambda i: (i, 0)),
          pl.BlockSpec((D, D), lambda i: (0, 0)),
          pl.BlockSpec((D, D), lambda i: (0, 0)),
          pl.BlockSpec((1, D), lambda i: (0, 0)),
      ],
      out_specs=[
          pl.BlockSpec((_BR, D), lambda i: (i, 0)),
          pl.BlockSpec((_BR, D), lambda i: (i, 0)),
      ],
      out_shape=[
          jax.ShapeDtypeStruct((N, D), jnp.float32),
          jax.ShapeDtypeStruct((N, D), jnp.float32),
      ],
  )(x, wl, wr, b)


def _k2_body(s_ref, cnt_ref, z1_ref, wl_ref, wr_ref, b_ref,
             y2_ref, z2_ref, ci_ref):
  cnt = cnt_ref[0:1, :] + cnt_ref[1:2, :]
  ci = jnp.transpose(1.0 / jnp.maximum(cnt, 1.0), (1, 0))
  s = s_ref[0] + s_ref[1]
  h = jax.nn.relu(s * ci + z1_ref[...])
  y2_ref[...] = jnp.dot(h, wl_ref[...], preferred_element_type=jnp.float32)
  z2_ref[...] = jnp.dot(h, wr_ref[...], preferred_element_type=jnp.float32) + b_ref[...]
  ci_ref[...] = jnp.broadcast_to(ci, (_BR, D))


def _k2(s1, cnt, z1, wl, wr, b):
  return pl.pallas_call(
      _k2_body,
      grid=(_GRID,),
      in_specs=[
          pl.BlockSpec((NC, _BR, D), lambda i: (0, i, 0)),
          pl.BlockSpec((NC, _BR), lambda i: (0, i)),
          pl.BlockSpec((_BR, D), lambda i: (i, 0)),
          pl.BlockSpec((D, D), lambda i: (0, 0)),
          pl.BlockSpec((D, D), lambda i: (0, 0)),
          pl.BlockSpec((1, D), lambda i: (0, 0)),
      ],
      out_specs=[
          pl.BlockSpec((_BR, D), lambda i: (i, 0)),
          pl.BlockSpec((_BR, D), lambda i: (i, 0)),
          pl.BlockSpec((_BR, D), lambda i: (i, 0)),
      ],
      out_shape=[
          jax.ShapeDtypeStruct((N, D), jnp.float32),
          jax.ShapeDtypeStruct((N, D), jnp.float32),
          jax.ShapeDtypeStruct((N, D), jnp.float32),
      ],
  )(s1, cnt, z1, wl, wr, b)


def _k3_body(s_ref, z2_ref, ci_ref, out_ref):
  out_ref[...] = (s_ref[0] + s_ref[1]) * ci_ref[...] + z2_ref[...]


def _k3(s2, z2, cinv):
  return pl.pallas_call(
      _k3_body,
      grid=(_GRID,),
      in_specs=[
          pl.BlockSpec((NC, _BR, D), lambda i: (0, i, 0)),
          pl.BlockSpec((_BR, D), lambda i: (i, 0)),
          pl.BlockSpec((_BR, D), lambda i: (i, 0)),
      ],
      out_specs=pl.BlockSpec((_BR, D), lambda i: (i, 0)),
      out_shape=jax.ShapeDtypeStruct((N, D), jnp.float32),
  )(s2, z2, cinv)


def kernel(x, edge_index, W1_l, b1_l, W1_r, W2_l, b2_l, W2_r):
  src = edge_index[0].astype(jnp.int32)
  dst = edge_index[1].astype(jnp.int32)
  pad = jnp.arange(EPAD - E, dtype=jnp.int32)
  srcs = jnp.concatenate([src, pad % N]).reshape(NCHUNKS, CHUNK)
  dsts = jnp.concatenate([dst, N + pad % (NPAD - N)]).reshape(NCHUNKS, CHUNK)

  y1, z1 = _k1(x, W1_l, W1_r, b1_l.reshape(1, D))
  s1, cnt0, cnt1 = _agg_cnt(y1, srcs, dsts)
  cnt = jnp.stack([cnt0, cnt1])
  y2, z2, cinv = _k2(s1, cnt, z1, W2_l, W2_r, b2_l.reshape(1, D))
  (s2,) = _agg(y2, srcs, dsts)
  return _k3(s2, z2, cinv)

# --- scband reference (transcript-rebuilt; emitter-appended) ---
"""Pipeline reference for scband-sage-37160057045597 (READ-ONLY COPY).

The authoritative reference and input builder live on the scoring server;
editing this copy changes nothing except your own understanding.
"""

import jax, jax.numpy as jnp
import numpy as np

N_NODES = 10000
N_EDGES = 320000
D_IN = 128
D_HID = 128
D_OUT = 128


def setup_inputs(seed: int = 0) -> dict:
    key = jax.random.key(seed)
    ks = jax.random.split(key, 8)
    x = jax.random.normal(ks[0], (N_NODES, D_IN), dtype=jnp.float32)
    edge_index = jax.random.randint(ks[1], (2, N_EDGES), 0, N_NODES, dtype=jnp.int64)
    s1 = 1.0 / np.sqrt(D_IN)
    s2 = 1.0 / np.sqrt(D_HID)
    W1_l = jax.random.uniform(ks[2], (D_IN, D_HID), jnp.float32, -s1, s1)
    b1_l = jnp.zeros((D_HID,), jnp.float32)
    W1_r = jax.random.uniform(ks[3], (D_IN, D_HID), jnp.float32, -s1, s1)
    W2_l = jax.random.uniform(ks[4], (D_HID, D_OUT), jnp.float32, -s2, s2)
    b2_l = jnp.zeros((D_OUT,), jnp.float32)
    W2_r = jax.random.uniform(ks[5], (D_HID, D_OUT), jnp.float32, -s2, s2)
    return {"x": x, "edge_index": edge_index, "W1_l": W1_l, "b1_l": b1_l, "W1_r": W1_r, "W2_l": W2_l, "b2_l": b2_l, "W2_r": W2_r}


def _sage_conv(x, edge_index, W_l, b_l, W_r):
    # PyG-style SAGEConv with mean aggregation:
    # out = lin_l(mean_{j in N(i)} x_j) + lin_r(x_i)
    src = edge_index[0]
    dst = edge_index[1]
    msgs = jnp.take(x, src, axis=0)
    summed = jax.ops.segment_sum(msgs, dst, num_segments=N_NODES)
    cnt = jax.ops.segment_sum(jnp.ones((edge_index.shape[1],), jnp.float32), dst, num_segments=N_NODES)
    mean = summed / jnp.clip(cnt, 1.0, None)[:, None]
    return mean @ W_l + b_l + x @ W_r


def reference(x, edge_index, W1_l, b1_l, W1_r, W2_l, b2_l, W2_r):
    h = _sage_conv(x, edge_index, W1_l, b1_l, W1_r)
    h = jax.nn.relu(h)
    # dropout is identity in eval mode
    h = _sage_conv(h, edge_index, W2_l, b2_l, W2_r)
    return h

if __name__ == "__main__":
    import jax
    _d = setup_inputs()
    print(jax.jit(kernel)(*tuple(_d.values())))

</pallas_src>

<mosaic_0001>
#map = affine_map<(d0, d1) -> (0, 0)>
#map1 = affine_map<(d0, d1) -> (0, 0, 0)>
module attributes {stable_mosaic.version = 14 : i64} {
  func.func @body(%arg0: i32, %arg1: i32, %arg2: memref<10000x128xf32, #tpu.memory_space<hbm>>, %arg3: memref<2560x128xi32, #tpu.memory_space<hbm>>, %arg4: memref<2560x128xi32, #tpu.memory_space<hbm>>, %arg5: memref<2x10112x128xf32, #tpu.memory_space<hbm>>, %arg6: memref<81x128xi32, #tpu.memory_space<vmem>>, %arg7: memref<40x128xi32, #tpu.memory_space<vmem>>, %arg8: memref<128x128xf32, #tpu.memory_space<vmem>>, %arg9: memref<128x128xf32, #tpu.memory_space<vmem>>, %arg10: memref<10112x128xf32, #tpu.memory_space<vmem_shared>>, %arg11: memref<!tpu.dma_semaphore, #tpu.memory_space<semaphore_mem>>, %arg12: memref<!tpu.dma_semaphore, #tpu.memory_space<semaphore_mem>>) attributes {dimension_semantics = [#tpu.dimension_semantics<core_parallel>, #tpu.dimension_semantics<subcore_parallel>], iteration_bounds = array<i64: 2, 16>, scalar_prefetch = 0 : i64, scratch_operands = 7 : i64, tpu.core_type = #tpu.core_type<sc_vector_subcore>, window_params = [{transform_indices = #map}, {transform_indices = #map}, {transform_indices = #map}, {transform_indices = #map1}]} {
    %mul3A = arith.constant 16 : i32
    %mul3A_0 = arith.muli %arg0, %mul3A : i32
    %add3A = arith.addi %mul3A_0, %arg1 : i32
    %mul3A_1 = arith.constant 80 : i32
    %mul3A_2 = arith.muli %add3A, %mul3A_1 : i32
    "tpu.region"() ({
      %run_scoped3A = tpu.sem_alloc : memref<!tpu.dma_semaphore, #tpu.memory_space<semaphore_mem>>
      %dma_start3A_114 = arith.constant 0 : i32
      %dma_start3A_115 = arith.constant 0 : i32
      %dma_start3A_116 = tpu.memref_slice %arg6[%dma_start3A_114, %dma_start3A_115] : memref<81x128xi32, #tpu.memory_space<vmem>> -> memref<80x128xi32, #tpu.memory_space<vmem>>
      %dma_start3A_117 = arith.constant 0 : i32
      %dma_start3A_118 = tpu.memref_slice %arg3[%mul3A_2, %dma_start3A_117] : memref<2560x128xi32, #tpu.memory_space<hbm>> -> memref<80x128xi32, #tpu.memory_space<hbm>>
      %dma_start3A_119 = arith.constant 0 : i32
      %dma_start3A_120 = arith.constant 0 : i32
      %dma_start3A_121 = tpu.memref_slice %arg6[%dma_start3A_119, %dma_start3A_120] : memref<81x128xi32, #tpu.memory_space<vmem>> -> memref<80x128xi32, #tpu.memory_space<vmem>>
      %dma_start3A_122 = arith.constant 0 : i32
      %dma_start3A_123 = tpu.memref_slice %arg3[%mul3A_2, %dma_start3A_122] : memref<2560x128xi32, #tpu.memory_space<hbm>> -> memref<80x128xi32, #tpu.memory_space<hbm>>
      tpu.enqueue_dma source(%dma_start3A_123 : memref<80x128xi32, #tpu.memory_space<hbm>>) target(%dma_start3A_121 : memref<80x128xi32, #tpu.memory_space<vmem>>) target_semaphore(%run_scoped3A : memref<!tpu.dma_semaphore, #tpu.memory_space<semaphore_mem>>)
      %dma_wait3A_124 = arith.constant 0 : i32
      %dma_wait3A_125 = arith.constant 0 : i32
      %dma_wait3A_126 = tpu.memref_slice %arg6[%dma_wait3A_124, %dma_wait3A_125] : memref<81x128xi32, #tpu.memory_space<vmem>> -> memref<80x128xi32, #tpu.memory_space<vmem>>
      %dma_wait3A_127 = arith.constant 0 : i32
      %dma_wait3A_128 = tpu.memref_slice %arg3[%mul3A_2, %dma_wait3A_127] : memref<2560x128xi32, #tpu.memory_space<hbm>> -> memref<80x128xi32, #tpu.memory_space<hbm>>
      %dma_wait3A_129 = arith.constant 0 : i32
      %dma_wait3A_130 = arith.constant 0 : i32
      %dma_wait3A_131 = tpu.memref_slice %arg6[%dma_wait3A_129, %dma_wait3A_130] : memref<81x128xi32, #tpu.memory_space<vmem>> -> memref<80x128xi32, #tpu.memory_space<vmem>>
      %dma_wait3A_132 = arith.constant 0 : i32
      %dma_wait3A_133 = tpu.memref_slice %arg3[%mul3A_2, %dma_wait3A_132] : memref<2560x128xi32, #tpu.memory_space<hbm>> -> memref<80x128xi32, #tpu.memory_space<hbm>>
      tpu.wait_dma2 semaphore(%run_scoped3A : memref<!tpu.dma_semaphore, #tpu.memory_space<semaphore_mem>>) src(%dma_wait3A_133 : memref<80x128xi32, #tpu.memory_space<hbm>>) dst(%dma_wait3A_131 : memref<80x128xi32, #tpu.memory_space<vmem>>)
      tpu.yield
    }) : () -> ()
    %mul3A_3 = arith.constant 80 : i32
    %mul3A_4 = arith.muli %add3A, %mul3A_3 : i32
    "tpu.region"() ({
      %run_scoped3A = tpu.sem_alloc : memref<!tpu.dma_semaphore, #tpu.memory_space<semaphore_mem>>
      %dma_start3A_114 = arith.constant 0 : i32
      %dma_start3A_115 = tpu.memref_slice %arg4[%mul3A_4, %dma_start3A_114] : memref<2560x128xi32, #tpu.memory_space<hbm>> -> memref<40x128xi32, #tpu.memory_space<hbm>>
      %dma_start3A_116 = arith.constant 0 : i32
      %dma_start3A_117 = tpu.memref_slice %arg4[%mul3A_4, %dma_start3A_116] : memref<2560x128xi32, #tpu.memory_space<hbm>> -> memref<40x128xi32, #tpu.memory_space<hbm>>
      tpu.enqueue_dma source(%dma_start3A_117 : memref<40x128xi32, #tpu.memory_space<hbm>>) target(%arg7 : memref<40x128xi32, #tpu.memory_space<vmem>>) target_semaphore(%run_scoped3A : memref<!tpu.dma_semaphore, #tpu.memory_space<semaphore_mem>>)
      %dma_wait3A_118 = arith.constant 0 : i32
      %dma_wait3A_119 = tpu.memref_slice %arg4[%mul3A_4, %dma_wait3A_118] : memref<2560x128xi32, #tpu.memory_space<hbm>> -> memref<40x128xi32, #tpu.memory_space<hbm>>
      %dma_wait3A_120 = arith.constant 0 : i32
      %dma_wait3A_121 = tpu.memref_slice %arg4[%mul3A_4, %dma_wait3A_120] : memref<2560x128xi32, #tpu.memory_space<hbm>> -> memref<40x128xi32, #tpu.memory_space<hbm>>
      tpu.wait_dma2 semaphore(%run_scoped3A : memref<!tpu.dma_semaphore, #tpu.memory_space<semaphore_mem>>) src(%dma_wait3A_121 : memref<40x128xi32, #tpu.memory_space<hbm>>) dst(%arg7 : memref<40x128xi32, #tpu.memory_space<vmem>>)
      tpu.yield
    }) : () -> ()
    %broadcast_in_dim3A = arith.constant 0 : i32
    %broadcast_in_dim3A_5 = vector.broadcast %broadcast_in_dim3A : i32 to vector<16xi32>
    %swap3A = arith.constant 80 : i32
    %swap3A_6 = arith.index_cast %swap3A : i32 to index
    %swap3A_7 = arith.constant 0 : index
    %swap3A_8 = tpu.vector_load %arg6[%swap3A_6, %swap3A_7] {strides = array<i32>} : memref<81x128xi32, #tpu.memory_space<vmem>>, vector<1x16xi32>,
    %swap3A_9 = vector.shape_cast %swap3A_8 : vector<1x16xi32> to vector<16xi32>
    %swap3A_10 = vector.shape_cast %broadcast_in_dim3A_5 : vector<16xi32> to vector<1x16xi32>
    tpu.vector_store %arg6[%swap3A_6, %swap3A_7], %swap3A_10 {strides = array<i32>} : memref<81x128xi32, #tpu.memory_space<vmem>>, vector<1x16xi32>,
    %swap3A_11 = arith.constant 80 : i32
    %swap3A_12 = arith.index_cast %swap3A_11 : i32 to index
    %swap3A_13 = arith.constant 16 : index
    %swap3A_14 = tpu.vector_load %arg6[%swap3A_12, %swap3A_13] {strides = array<i32>} : memref<81x128xi32, #tpu.memory_space<vmem>>, vector<1x16xi32>,
    %swap3A_15 = vector.shape_cast %swap3A_14 : vector<1x16xi32> to vector<16xi32>
    %swap3A_16 = vector.shape_cast %broadcast_in_dim3A_5 : vector<16xi32> to vector<1x16xi32>
    tpu.vector_store %arg6[%swap3A_12, %swap3A_13], %swap3A_16 {strides = array<i32>} : memref<81x128xi32, #tpu.memory_space<vmem>>, vector<1x16xi32>,
    %swap3A_17 = arith.constant 80 : i32
    %swap3A_18 = arith.index_cast %swap3A_17 : i32 to index
    %swap3A_19 = arith.constant 32 : index
    %swap3A_20 = tpu.vector_load %arg6[%swap3A_18, %swap3A_19] {strides = array<i32>} : memref<81x128xi32, #tpu.memory_space<vmem>>, vector<1x16xi32>,
    %swap3A_21 = vector.shape_cast %swap3A_20 : vector<1x16xi32> to vector<16xi32>
    %swap3A_22 = vector.shape_cast %broadcast_in_dim3A_5 : vector<16xi32> to vector<1x16xi32>
    tpu.vector_store %arg6[%swap3A_18, %swap3A_19], %swap3A_22 {strides = array<i32>} : memref<81x128xi32, #tpu.memory_space<vmem>>, vector<1x16xi32>,
    %swap3A_23 = arith.constant 80 : i32
    %swap3A_24 = arith.index_cast %swap3A_23 : i32 to index
    %swap3A_25 = arith.constant 48 : index
    %swap3A_26 = tpu.vector_load %arg6[%swap3A_24, %swap3A_25] {strides = array<i32>} : memref<81x128xi32, #tpu.memory_space<vmem>>, vector<1x16xi32>,
    %swap3A_27 = vector.shape_cast %swap3A_26 : vector<1x16xi32> to vector<16xi32>
    %swap3A_28 = vector.shape_cast %broadcast_in_dim3A_5 : vector<16xi32> to vector<1x16xi32>
    tpu.vector_store %arg6[%swap3A_24, %swap3A_25], %swap3A_28 {strides = array<i32>} : memref<81x128xi32, #tpu.memory_space<vmem>>, vector<1x16xi32>,
    %swap3A_29 = arith.constant 80 : i32
    %swap3A_30 = arith.index_cast %swap3A_29 : i32 to index
    %swap3A_31 = arith.constant 64 : index
    %swap3A_32 = tpu.vector_load %arg6[%swap3A_30, %swap3A_31] {strides = array<i32>} : memref<81x128xi32, #tpu.memory_space<vmem>>, vector<1x16xi32>,
    %swap3A_33 = vector.shape_cast %swap3A_32 : vector<1x16xi32> to vector<16xi32>
    %swap3A_34 = vector.shape_cast %broadcast_in_dim3A_5 : vector<16xi32> to vector<1x16xi32>
    tpu.vector_store %arg6[%swap3A_30, %swap3A_31], %swap3A_34 {strides = array<i32>} : memref<81x128xi32, #tpu.memory_space<vmem>>, vector<1x16xi32>,
    %swap3A_35 = arith.constant 80 : i32
    %swap3A_36 = arith.index_cast %swap3A_35 : i32 to index
    %swap3A_37 = arith.constant 80 : index
    %swap3A_38 = tpu.vector_load %arg6[%swap3A_36, %swap3A_37] {strides = array<i32>} : memref<81x128xi32, #tpu.memory_space<vmem>>, vector<1x16xi32>,
    %swap3A_39 = vector.shape_cast %swap3A_38 : vector<1x16xi32> to vector<16xi32>
    %swap3A_40 = vector.shape_cast %broadcast_in_dim3A_5 : vector<16xi32> to vector<1x16xi32>
    tpu.vector_store %arg6[%swap3A_36, %swap3A_37], %swap3A_40 {strides = array<i32>} : memref<81x128xi32, #tpu.memory_space<vmem>>, vector<1x16xi32>,
    %swap3A_41 = arith.constant 80 : i32
    %swap3A_42 = arith.index_cast %swap3A_41 : i32 to index
    %swap3A_43 = arith.constant 96 : index
    %swap3A_44 = tpu.vector_load %arg6[%swap3A_42, %swap3A_43] {strides = array<i32>} : memref<81x128xi32, #tpu.memory_space<vmem>>, vector<1x16xi32>,
    %swap3A_45 = vector.shape_cast %swap3A_44 : vector<1x16xi32> to vector<16xi32>
    %swap3A_46 = vector.shape_cast %broadcast_in_dim3A_5 : vector<16xi32> to vector<1x16xi32>
    tpu.vector_store %arg6[%swap3A_42, %swap3A_43], %swap3A_46 {strides = array<i32>} : memref<81x128xi32, #tpu.memory_space<vmem>>, vector<1x16xi32>,
    %swap3A_47 = arith.constant 80 : i32
    %swap3A_48 = arith.index_cast %swap3A_47 : i32 to index
    %swap3A_49 = arith.constant 112 : index
    %swap3A_50 = tpu.vector_load %arg6[%swap3A_48, %swap3A_49] {strides = array<i32>} : memref<81x128xi32, #tpu.memory_space<vmem>>, vector<1x16xi32>,
    %swap3A_51 = vector.shape_cast %swap3A_50 : vector<1x16xi32> to vector<16xi32>
    %swap3A_52 = vector.shape_cast %broadcast_in_dim3A_5 : vector<16xi32> to vector<1x16xi32>
    tpu.vector_store %arg6[%swap3A_48, %swap3A_49], %swap3A_52 {strides = array<i32>} : memref<81x128xi32, #tpu.memory_space<vmem>>, vector<1x16xi32>,
    %broadcast_in_dim3A_53 = arith.constant 0.000000e+00 : f32
    %broadcast_in_dim3A_54 = vector.broadcast %broadcast_in_dim3A_53 : f32 to vector<16xf32>
    %scan3A = arith.constant 0 : i32
    %scan3A_55 = arith.constant 0 : i32
    %scan3A_56 = arith.constant 128 : i32
    %scan3A_57 = arith.addi %scan3A_55, %scan3A_56 : i32
    %scan3A_58 = arith.constant 1 : i32
    scf.for %scan3A_114 = %scan3A_55 to %scan3A_57 step %scan3A_58  : i32 {
      %swap3A_115 = arith.index_cast %scan3A_114 : i32 to index
      %swap3A_116 = arith.constant 0 : index
      %swap3A_117 = tpu.vector_load %arg8[%swap3A_115, %swap3A_116] {strides = array<i32>} : memref<128x128xf32, #tpu.memory_space<vmem>>, vector<1x16xf32>,
      %swap3A_118 = vector.shape_cast %swap3A_117 : vector<1x16xf32> to vector<16xf32>
      %swap3A_119 = vector.shape_cast %broadcast_in_dim3A_54 : vector<16xf32> to vector<1x16xf32>
      tpu.vector_store %arg8[%swap3A_115, %swap3A_116], %swap3A_119 {strides = array<i32>} : memref<128x128xf32, #tpu.memory_space<vmem>>, vector<1x16xf32>,
      %swap3A_120 = arith.index_cast %scan3A_114 : i32 to index
      %swap3A_121 = arith.constant 16 : index
      %swap3A_122 = tpu.vector_load %arg8[%swap3A_120, %swap3A_121] {strides = array<i32>} : memref<128x128xf32, #tpu.memory_space<vmem>>, vector<1x16xf32>,
      %swap3A_123 = vector.shape_cast %swap3A_122 : vector<1x16xf32> to vector<16xf32>
      %swap3A_124 = vector.shape_cast %broadcast_in_dim3A_54 : vector<16xf32> to vector<1x16xf32>
      tpu.vector_store %arg8[%swap3A_120, %swap3A_121], %swap3A_124 {strides = array<i32>} : memref<128x128xf32, #tpu.memory_space<vmem>>, vector<1x16xf32>,
      %swap3A_125 = arith.index_cast %scan3A_114 : i32 to index
      %swap3A_126 = arith.constant 32 : index
      %swap3A_127 = tpu.vector_load %arg8[%swap3A_125, %swap3A_126] {strides = array<i32>} : memref<128x128xf32, #tpu.memory_space<vmem>>, vector<1x16xf32>,
      %swap3A_128 = vector.shape_cast %swap3A_127 : vector<1x16xf32> to vector<16xf32>
      %swap3A_129 = vector.shape_cast %broadcast_in_dim3A_54 : vector<16xf32> to vector<1x16xf32>
      tpu.vector_store %arg8[%swap3A_125, %swap3A_126], %swap3A_129 {strides = array<i32>} : memref<128x128xf32, #tpu.memory_space<vmem>>, vector<1x16xf32>,
      %swap3A_130 = arith.index_cast %scan3A_114 : i32 to index
      %swap3A_131 = arith.constant 48 : index
      %swap3A_132 = tpu.vector_load %arg8[%swap3A_130, %swap3A_131] {strides = array<i32>} : memref<128x128xf32, #tpu.memory_space<vmem>>, vector<1x16xf32>,
      %swap3A_133 = vector.shape_cast %swap3A_132 : vector<1x16xf32> to vector<16xf32>
      %swap3A_134 = vector.shape_cast %broadcast_in_dim3A_54 : vector<16xf32> to vector<1x16xf32>
      tpu.vector_store %arg8[%swap3A_130, %swap3A_131], %swap3A_134 {strides = array<i32>} : memref<128x128xf32, #tpu.memory_space<vmem>>, vector<1x16xf32>,
      %swap3A_135 = arith.index_cast %scan3A_114 : i32 to index
      %swap3A_136 = arith.constant 64 : index
      %swap3A_137 = tpu.vector_load %arg8[%swap3A_135, %swap3A_136] {strides = array<i32>} : memref<128x128xf32, #tpu.memory_space<vmem>>, vector<1x16xf32>,
      %swap3A_138 = vector.shape_cast %swap3A_137 : vector<1x16xf32> to vector<16xf32>
      %swap3A_139 = vector.shape_cast %broadcast_in_dim3A_54 : vector<16xf32> to vector<1x16xf32>
      tpu.vector_store %arg8[%swap3A_135, %swap3A_136], %swap3A_139 {strides = array<i32>} : memref<128x128xf32, #tpu.memory_space<vmem>>, vector<1x16xf32>,
      %swap3A_140 = arith.index_cast %scan3A_114 : i32 to index
      %swap3A_141 = arith.constant 80 : index
      %swap3A_142 = tpu.vector_load %arg8[%swap3A_140, %swap3A_141] {strides = array<i32>} : memref<128x128xf32, #tpu.memory_space<vmem>>, vector<1x16xf32>,
      %swap3A_143 = vector.shape_cast %swap3A_142 : vector<1x16xf32> to vector<16xf32>
      %swap3A_144 = vector.shape_cast %broadcast_in_dim3A_54 : vector<16xf32> to vector<1x16xf32>
      tpu.vector_store %arg8[%swap3A_140, %swap3A_141], %swap3A_144 {strides = array<i32>} : memref<128x128xf32, #tpu.memory_space<vmem>>, vector<1x16xf32>,
      %swap3A_145 = arith.index_cast %scan3A_114 : i32 to index
      %swap3A_146 = arith.constant 96 : index
      %swap3A_147 = tpu.vector_load %arg8[%swap3A_145, %swap3A_146] {strides = array<i32>} : memref<128x128xf32, #tpu.memory_space<vmem>>, vector<1x16xf32>,
      %swap3A_148 = vector.shape_cast %swap3A_147 : vector<1x16xf32> to vector<16xf32>
      %swap3A_149 = vector.shape_cast %broadcast_in_dim3A_54 : vector<16xf32> to vector<1x16xf32>
      tpu.vector_store %arg8[%swap3A_145, %swap3A_146], %swap3A_149 {strides = array<i32>} : memref<128x128xf32, #tpu.memory_space<vmem>>, vector<1x16xf32>,
      %swap3A_150 = arith.index_cast %scan3A_114 : i32 to index
      %swap3A_151 = arith.constant 112 : index
      %swap3A_152 = tpu.vector_load %arg8[%swap3A_150, %swap3A_151] {strides = array<i32>} : memref<128x128xf32, #tpu.memory_space<vmem>>, vector<1x16xf32>,
      %swap3A_153 = vector.shape_cast %swap3A_152 : vector<1x16xf32> to vector<16xf32>
      %swap3A_154 = vector.shape_cast %broadcast_in_dim3A_54 : vector<16xf32> to vector<1x16xf32>
      tpu.vector_store %arg8[%swap3A_150, %swap3A_151], %swap3A_154 {strides = array<i32>} : memref<128x128xf32, #tpu.memory_space<vmem>>, vector<1x16xf32>,
    }
    %scan3A_59 = arith.constant 128 : i32
    %mul3A_60 = arith.constant 632 : i32
    %mul3A_61 = arith.muli %arg1, %mul3A_60 : i32
    %add3A_62 = arith.constant 0 : i32
    %add3A_63 = arith.addi %mul3A_61, %add3A_62 : i32
    "tpu.region"() ({
      %run_scoped3A = tpu.sem_alloc : memref<!tpu.dma_semaphore, #tpu.memory_space<semaphore_mem>>
      %dma_start3A_114 = arith.constant 0 : i32
      %dma_start3A_115 = tpu.memref_slice %arg10[%add3A_63, %dma_start3A_114] : memref<10112x128xf32, #tpu.memory_space<vmem_shared>> -> memref<128x128xf32, #tpu.memory_space<vmem_shared>>
      %dma_start3A_116 = arith.constant 0 : i32
      %dma_start3A_117 = tpu.memref_slice %arg10[%add3A_63, %dma_start3A_116] : memref<10112x128xf32, #tpu.memory_space<vmem_shared>> -> memref<128x128xf32, #tpu.memory_space<vmem_shared>>
      tpu.enqueue_dma source(%arg8 : memref<128x128xf32, #tpu.memory_space<vmem>>) target(%dma_start3A_117 : memref<128x128xf32, #tpu.memory_space<vmem_shared>>) target_semaphore(%run_scoped3A : memref<!tpu.dma_semaphore, #tpu.memory_space<semaphore_mem>>)
      %dma_wait3A_118 = arith.constant 0 : i32
      %dma_wait3A_119 = tpu.memref_slice %arg10[%add3A_63, %dma_wait3A_118] : memref<10112x128xf32, #tpu.memory_space<vmem_shared>> -> memref<128x128xf32, #tpu.memory_space<vmem_shared>>
      %dma_wait3A_120 = arith.constant 0 : i32
      %dma_wait3A_121 = tpu.memref_slice %arg10[%add3A_63, %dma_wait3A_120] : memref<10112x128xf32, #tpu.memory_space<vmem_shared>> -> memref<128x128xf32, #tpu.memory_space<vmem_shared>>
      tpu.wait_dma2 semaphore(%run_scoped3A : memref<!tpu.dma_semaphore, #tpu.memory_space<semaphore_mem>>) src(%arg8 : memref<128x128xf32, #tpu.memory_space<vmem>>) dst(%dma_wait3A_121 : memref<128x128xf32, #tpu.memory_space<vmem_shared>>)
      tpu.yield
    }) : () -> ()
    %mul3A_64 = arith.constant 632 : i32
    %mul3A_65 = arith.muli %arg1, %mul3A_64 : i32
    %add3A_66 = arith.constant 128 : i32
    %add3A_67 = arith.addi %mul3A_65, %add3A_66 : i32
    "tpu.region"() ({
      %run_scoped3A = tpu.sem_alloc : memref<!tpu.dma_semaphore, #tpu.memory_space<semaphore_mem>>
      %dma_start3A_114 = arith.constant 0 : i32
      %dma_start3A_115 = tpu.memref_slice %arg10[%add3A_67, %dma_start3A_114] : memref<10112x128xf32, #tpu.memory_space<vmem_shared>> -> memref<128x128xf32, #tpu.memory_space<vmem_shared>>
      %dma_start3A_116 = arith.constant 0 : i32
      %dma_start3A_117 = tpu.memref_slice %arg10[%add3A_67, %dma_start3A_116] : memref<10112x128xf32, #tpu.memory_space<vmem_shared>> -> memref<128x128xf32, #tpu.memory_space<vmem_shared>>
      tpu.enqueue_dma source(%arg8 : memref<128x128xf32, #tpu.memory_space<vmem>>) target(%dma_start3A_117 : memref<128x128xf32, #tpu.memory_space<vmem_shared>>) target_semaphore(%run_scoped3A : memref<!tpu.dma_semaphore, #tpu.memory_space<semaphore_mem>>)
      %dma_wait3A_118 = arith.constant 0 : i32
      %dma_wait3A_119 = tpu.memref_slice %arg10[%add3A_67, %dma_wait3A_118] : memref<10112x128xf32, #tpu.memory_space<vmem_shared>> -> memref<128x128xf32, #tpu.memory_space<vmem_shared>>
      %dma_wait3A_120 = arith.constant 0 : i32
      %dma_wait3A_121 = tpu.memref_slice %arg10[%add3A_67, %dma_wait3A_120] : memref<10112x128xf32, #tpu.memory_space<vmem_shared>> -> memref<128x128xf32, #tpu.memory_space<vmem_shared>>
      tpu.wait_dma2 semaphore(%run_scoped3A : memref<!tpu.dma_semaphore, #tpu.memory_space<semaphore_mem>>) src(%arg8 : memref<128x128xf32, #tpu.memory_space<vmem>>) dst(%dma_wait3A_121 : memref<128x128xf32, #tpu.memory_space<vmem_shared>>)
      tpu.yield
    }) : () -> ()
    %mul3A_68 = arith.constant 632 : i32
    %mul3A_69 = arith.muli %arg1, %mul3A_68 : i32
    %add3A_70 = arith.constant 256 : i32
    %add3A_71 = arith.addi %mul3A_69, %add3A_70 : i32
    "tpu.region"() ({
      %run_scoped3A = tpu.sem_alloc : memref<!tpu.dma_semaphore, #tpu.memory_space<semaphore_mem>>
      %dma_start3A_114 = arith.constant 0 : i32
      %dma_start3A_115 = tpu.memref_slice %arg10[%add3A_71, %dma_start3A_114] : memref<10112x128xf32, #tpu.memory_space<vmem_shared>> -> memref<128x128xf32, #tpu.memory_space<vmem_shared>>
      %dma_start3A_116 = arith.constant 0 : i32
      %dma_start3A_117 = tpu.memref_slice %arg10[%add3A_71, %dma_start3A_116] : memref<10112x128xf32, #tpu.memory_space<vmem_shared>> -> memref<128x128xf32, #tpu.memory_space<vmem_shared>>
      tpu.enqueue_dma source(%arg8 : memref<128x128xf32, #tpu.memory_space<vmem>>) target(%dma_start3A_117 : memref<128x128xf32, #tpu.memory_space<vmem_shared>>) target_semaphore(%run_scoped3A : memref<!tpu.dma_semaphore, #tpu.memory_space<semaphore_mem>>)
      %dma_wait3A_118 = arith.constant 0 : i32
      %dma_wait3A_119 = tpu.memref_slice %arg10[%add3A_71, %dma_wait3A_118] : memref<10112x128xf32, #tpu.memory_space<vmem_shared>> -> memref<128x128xf32, #tpu.memory_space<vmem_shared>>
      %dma_wait3A_120 = arith.constant 0 : i32
      %dma_wait3A_121 = tpu.memref_slice %arg10[%add3A_71, %dma_wait3A_120] : memref<10112x128xf32, #tpu.memory_space<vmem_shared>> -> memref<128x128xf32, #tpu.memory_space<vmem_shared>>
      tpu.wait_dma2 semaphore(%run_scoped3A : memref<!tpu.dma_semaphore, #tpu.memory_space<semaphore_mem>>) src(%arg8 : memref<128x128xf32, #tpu.memory_space<vmem>>) dst(%dma_wait3A_121 : memref<128x128xf32, #tpu.memory_space<vmem_shared>>)
      tpu.yield
    }) : () -> ()
    %mul3A_72 = arith.constant 632 : i32
    %mul3A_73 = arith.muli %arg1, %mul3A_72 : i32
    %add3A_74 = arith.constant 384 : i32
    %add3A_75 = arith.addi %mul3A_73, %add3A_74 : i32
    "tpu.region"() ({
      %run_scoped3A = tpu.sem_alloc : memref<!tpu.dma_semaphore, #tpu.memory_space<semaphore_mem>>
      %dma_start3A_114 = arith.constant 0 : i32
      %dma_start3A_115 = tpu.memref_slice %arg10[%add3A_75, %dma_start3A_114] : memref<10112x128xf32, #tpu.memory_space<vmem_shared>> -> memref<128x128xf32, #tpu.memory_space<vmem_shared>>
      %dma_start3A_116 = arith.constant 0 : i32
      %dma_start3A_117 = tpu.memref_slice %arg10[%add3A_75, %dma_start3A_116] : memref<10112x128xf32, #tpu.memory_space<vmem_shared>> -> memref<128x128xf32, #tpu.memory_space<vmem_shared>>
      tpu.enqueue_dma source(%arg8 : memref<128x128xf32, #tpu.memory_space<vmem>>) target(%dma_start3A_117 : memref<128x128xf32, #tpu.memory_space<vmem_shared>>) target_semaphore(%run_scoped3A : memref<!tpu.dma_semaphore, #tpu.memory_space<semaphore_mem>>)
      %dma_wait3A_118 = arith.constant 0 : i32
      %dma_wait3A_119 = tpu.memref_slice %arg10[%add3A_75, %dma_wait3A_118] : memref<10112x128xf32, #tpu.memory_space<vmem_shared>> -> memref<128x128xf32, #tpu.memory_space<vmem_shared>>
      %dma_wait3A_120 = arith.constant 0 : i32
      %dma_wait3A_121 = tpu.memref_slice %arg10[%add3A_75, %dma_wait3A_120] : memref<10112x128xf32, #tpu.memory_space<vmem_shared>> -> memref<128x128xf32, #tpu.memory_space<vmem_shared>>
      tpu.wait_dma2 semaphore(%run_scoped3A : memref<!tpu.dma_semaphore, #tpu.memory_space<semaphore_mem>>) src(%arg8 : memref<128x128xf32, #tpu.memory_space<vmem>>) dst(%dma_wait3A_121 : memref<128x128xf32, #tpu.memory_space<vmem_shared>>)
      tpu.yield
    }) : () -> ()
    %mul3A_76 = arith.constant 632 : i32
    %mul3A_77 = arith.muli %arg1, %mul3A_76 : i32
    %add3A_78 = arith.constant 632 : i32
    %add3A_79 = arith.addi %mul3A_77, %add3A_78 : i32
    %sub3A = arith.constant 128 : i32
    %sub3A_80 = arith.subi %add3A_79, %sub3A : i32
    "tpu.region"() ({
      %run_scoped3A = tpu.sem_alloc : memref<!tpu.dma_semaphore, #tpu.memory_space<semaphore_mem>>
      %dma_start3A_114 = arith.constant 0 : i32
      %dma_start3A_115 = tpu.memref_slice %arg10[%sub3A_80, %dma_start3A_114] : memref<10112x128xf32, #tpu.memory_space<vmem_shared>> -> memref<128x128xf32, #tpu.memory_space<vmem_shared>>
      %dma_start3A_116 = arith.constant 0 : i32
      %dma_start3A_117 = tpu.memref_slice %arg10[%sub3A_80, %dma_start3A_116] : memref<10112x128xf32, #tpu.memory_space<vmem_shared>> -> memref<128x128xf32, #tpu.memory_space<vmem_shared>>
      tpu.enqueue_dma source(%arg8 : memref<128x128xf32, #tpu.memory_space<vmem>>) target(%dma_start3A_117 : memref<128x128xf32, #tpu.memory_space<vmem_shared>>) target_semaphore(%run_scoped3A : memref<!tpu.dma_semaphore, #tpu.memory_space<semaphore_mem>>)
      %dma_wait3A_118 = arith.constant 0 : i32
      %dma_wait3A_119 = tpu.memref_slice %arg10[%sub3A_80, %dma_wait3A_118] : memref<10112x128xf32, #tpu.memory_space<vmem_shared>> -> memref<128x128xf32, #tpu.memory_space<vmem_shared>>
      %dma_wait3A_120 = arith.constant 0 : i32
      %dma_wait3A_121 = tpu.memref_slice %arg10[%sub3A_80, %dma_wait3A_120] : memref<10112x128xf32, #tpu.memory_space<vmem_shared>> -> memref<128x128xf32, #tpu.memory_space<vmem_shared>>
      tpu.wait_dma2 semaphore(%run_scoped3A : memref<!tpu.dma_semaphore, #tpu.memory_space<semaphore_mem>>) src(%arg8 : memref<128x128xf32, #tpu.memory_space<vmem>>) dst(%dma_wait3A_121 : memref<128x128xf32, #tpu.memory_space<vmem_shared>>)
      tpu.yield
    }) : () -> ()
    %barrier3A = arith.constant 0 : index
    tpu.barrier barrier_id(%barrier3A)
    %dma_start3A = arith.constant 0 : i32
    %dma_start3A_81 = arith.constant 0 : i32
    %dma_start3A_82 = tpu.memref_slice %arg6[%dma_start3A, %dma_start3A_81] : memref<81x128xi32, #tpu.memory_space<vmem>> -> memref<1x128xi32, #tpu.memory_space<vmem>>
    %dma_start3A_83 = tpu.memref_squeeze %dma_start3A_82 : memref<1x128xi32, #tpu.memory_space<vmem>> -> memref<128xi32, #tpu.memory_space<vmem>>
    %dma_start3A_84 = arith.constant 0 : i32
    %dma_start3A_85 = arith.constant 0 : i32
    %dma_start3A_86 = tpu.memref_slice %arg2[%dma_start3A_84, %dma_start3A_85] : memref<10000x128xf32, #tpu.memory_space<hbm>> -> memref<10000x128xf32, #tpu.memory_space<hbm>>
    tpu.enqueue_indirect_dma source(%dma_start3A_86 : memref<10000x128xf32, #tpu.memory_space<hbm>>) target(%arg8 : memref<128x128xf32, #tpu.memory_space<vmem>>) offsets(%dma_start3A_83 : memref<128xi32, #tpu.memory_space<vmem>>) semaphore(%arg11 : memref<!tpu.dma_semaphore, #tpu.memory_space<semaphore_mem>>)
    %scan3A_87 = arith.constant 0 : i32
    %scan3A_88 = arith.constant 0 : i32
    %scan3A_89 = arith.constant 20 : i32
    %scan3A_90 = arith.addi %scan3A_88, %scan3A_89 : i32
    %scan3A_91 = arith.constant 1 : i32
    scf.for %scan3A_114 = %scan3A_88 to %scan3A_90 step %scan3A_91  : i32 {
      %mul3A_115 = arith.constant 2 : i32
      %mul3A_116 = arith.muli %mul3A_115, %scan3A_114 : i32
      %add3A_117 = arith.constant 1 : i32
      %add3A_118 = arith.addi %mul3A_116, %add3A_117 : i32
      %dma_start3A_119 = arith.constant 0 : i32
      %dma_start3A_120 = tpu.memref_slice %arg6[%add3A_118, %dma_start3A_119] : memref<81x128xi32, #tpu.memory_space<vmem>> -> memref<1x128xi32, #tpu.memory_space<vmem>>
      %dma_start3A_121 = tpu.memref_squeeze %dma_start3A_120 : memref<1x128xi32, #tpu.memory_space<vmem>> -> memref<128xi32, #tpu.memory_space<vmem>>
      %dma_start3A_122 = arith.constant 0 : i32
      %dma_start3A_123 = arith.constant 0 : i32
      %dma_start3A_124 = tpu.memref_slice %arg2[%dma_start3A_122, %dma_start3A_123] : memref<10000x128xf32, #tpu.memory_space<hbm>> -> memref<10000x128xf32, #tpu.memory_space<hbm>>
      tpu.enqueue_indirect_dma source(%dma_start3A_124 : memref<10000x128xf32, #tpu.memory_space<hbm>>) target(%arg9 : memref<128x128xf32, #tpu.memory_space<vmem>>) offsets(%dma_start3A_121 : memref<128xi32, #tpu.memory_space<vmem>>) semaphore(%arg12 : memref<!tpu.dma_semaphore, #tpu.memory_space<semaphore_mem>>)
      %dma_wait3A_125 = arith.constant 0 : i32
      %dma_wait3A_126 = tpu.memref_slice %arg6[%mul3A_116, %dma_wait3A_125] : memref<81x128xi32, #tpu.memory_space<vmem>> -> memref<1x128xi32, #tpu.memory_space<vmem>>
      %dma_wait3A_127 = tpu.memref_squeeze %dma_wait3A_126 : memref<1x128xi32, #tpu.memory_space<vmem>> -> memref<128xi32, #tpu.memory_space<vmem>>
      %dma_wait3A_128 = arith.constant 0 : i32
      %dma_wait3A_129 = arith.constant 0 : i32
      %dma_wait3A_130 = tpu.memref_slice %arg2[%dma_wait3A_128, %dma_wait3A_129] : memref<10000x128xf32, #tpu.memory_space<hbm>> -> memref<10000x128xf32, #tpu.memory_space<hbm>>
      tpu.wait_indirect_dma semaphore(%arg11 : memref<!tpu.dma_semaphore, #tpu.memory_space<semaphore_mem>>) src(%dma_wait3A_130 : memref<10000x128xf32, #tpu.memory_space<hbm>>) dst(%arg8 : memref<128x128xf32, #tpu.memory_space<vmem>>)
      %sub3A_131 = arith.constant 0 : i32
      %sub3A_132 = arith.subi %mul3A_116, %sub3A_131 : i32
      "tpu.region"() ({
        %run_scoped3A = tpu.sem_alloc : memref<!tpu.dma_semaphore, #tpu.memory_space<semaphore_mem>>
        %dma_start3A_153 = arith.constant 0 : i32
        %dma_start3A_154 = tpu.memref_slice %arg7[%sub3A_132, %dma_start3A_153] : memref<40x128xi32, #tpu.memory_space<vmem>> -> memref<1x128xi32, #tpu.memory_space<vmem>>
        %dma_start3A_155 = tpu.memref_squeeze %dma_start3A_154 : memref<1x128xi32, #tpu.memory_space<vmem>> -> memref<128xi32, #tpu.memory_space<vmem>>
        %dma_start3A_156 = arith.constant 0 : i32
        %dma_start3A_157 = arith.constant 0 : i32
        %dma_start3A_158 = tpu.memref_slice %arg10[%dma_start3A_156, %dma_start3A_157] : memref<10112x128xf32, #tpu.memory_space<vmem_shared>> -> memref<10112x128xf32, #tpu.memory_space<vmem_shared>>
        tpu.enqueue_indirect_dma source(%arg8 : memref<128x128xf32, #tpu.memory_space<vmem>>) target(%dma_start3A_158 : memref<10112x128xf32, #tpu.memory_space<vmem_shared>>) offsets(%dma_start3A_155 : memref<128xi32, #tpu.memory_space<vmem>>) semaphore(%run_scoped3A : memref<!tpu.dma_semaphore, #tpu.memory_space<semaphore_mem>>) {add = true}
        %dma_wait3A_159 = arith.constant 0 : i32
        %dma_wait3A_160 = tpu.memref_slice %arg7[%sub3A_132, %dma_wait3A_159] : memref<40x128xi32, #tpu.memory_space<vmem>> -> memref<1x128xi32, #tpu.memory_space<vmem>>
        %dma_wait3A_161 = tpu.memref_squeeze %dma_wait3A_160 : memref<1x128xi32, #tpu.memory_space<vmem>> -> memref<128xi32, #tpu.memory_space<vmem>>
        %dma_wait3A_162 = arith.constant 0 : i32
        %dma_wait3A_163 = arith.constant 0 : i32
        %dma_wait3A_164 = tpu.memref_slice %arg10[%dma_wait3A_162, %dma_wait3A_163] : memref<10112x128xf32, #tpu.memory_space<vmem_shared>> -> memref<10112x128xf32, #tpu.memory_space<vmem_shared>>
        tpu.wait_indirect_dma semaphore(%run_scoped3A : memref<!tpu.dma_semaphore, #tpu.memory_space<semaphore_mem>>) src(%arg8 : memref<128x128xf32, #tpu.memory_space<vmem>>) dst(%dma_wait3A_164 : memref<10112x128xf32, #tpu.memory_space<vmem_shared>>)
        tpu.yield
      }) : () -> ()
      %add3A_133 = arith.constant 2 : i32
      %add3A_134 = arith.addi %mul3A_116, %add3A_133 : i32
      %dma_start3A_135 = arith.constant 0 : i32
      %dma_start3A_136 = tpu.memref_slice %arg6[%add3A_134, %dma_start3A_135] : memref<81x128xi32, #tpu.memory_space<vmem>> -> memref<1x128xi32, #tpu.memory_space<vmem>>
      %dma_start3A_137 = tpu.memref_squeeze %dma_start3A_136 : memref<1x128xi32, #tpu.memory_space<vmem>> -> memref<128xi32, #tpu.memory_space<vmem>>
      %dma_start3A_138 = arith.constant 0 : i32
      %dma_start3A_139 = arith.constant 0 : i32
      %dma_start3A_140 = tpu.memref_slice %arg2[%dma_start3A_138, %dma_start3A_139] : memref<10000x128xf32, #tpu.memory_space<hbm>> -> memref<10000x128xf32, #tpu.memory_space<hbm>>
      tpu.enqueue_indirect_dma source(%dma_start3A_140 : memref<10000x128xf32, #tpu.memory_space<hbm>>) target(%arg8 : memref<128x128xf32, #tpu.memory_space<vmem>>) offsets(%dma_start3A_137 : memref<128xi32, #tpu.memory_space<vmem>>) semaphore(%arg11 : memref<!tpu.dma_semaphore, #tpu.memory_space<semaphore_mem>>)
      %add3A_141 = arith.constant 1 : i32
      %add3A_142 = arith.addi %mul3A_116, %add3A_141 : i32
      %dma_wait3A_143 = arith.constant 0 : i32
      %dma_wait3A_144 = tpu.memref_slice %arg6[%add3A_142, %dma_wait3A_143] : memref<81x128xi32, #tpu.memory_space<vmem>> -> memref<1x128xi32, #tpu.memory_space<vmem>>
      %dma_wait3A_145 = tpu.memref_squeeze %dma_wait3A_144 : memref<1x128xi32, #tpu.memory_space<vmem>> -> memref<128xi32, #tpu.memory_space<vmem>>
      %dma_wait3A_146 = arith.constant 0 : i32
      %dma_wait3A_147 = arith.constant 0 : i32
      %dma_wait3A_148 = tpu.memref_slice %arg2[%dma_wait3A_146, %dma_wait3A_147] : memref<10000x128xf32, #tpu.memory_space<hbm>> -> memref<10000x128xf32, #tpu.memory_space<hbm>>
      tpu.wait_indirect_dma semaphore(%arg12 : memref<!tpu.dma_semaphore, #tpu.memory_space<semaphore_mem>>) src(%dma_wait3A_148 : memref<10000x128xf32, #tpu.memory_space<hbm>>) dst(%arg9 : memref<128x128xf32, #tpu.memory_space<vmem>>)
      %add3A_149 = arith.constant 1 : i32
      %add3A_150 = arith.addi %mul3A_116, %add3A_149 : i32
      %sub3A_151 = arith.constant 0 : i32
      %sub3A_152 = arith.subi %add3A_150, %sub3A_151 : i32
      "tpu.region"() ({
        %run_scoped3A = tpu.sem_alloc : memref<!tpu.dma_semaphore, #tpu.memory_space<semaphore_mem>>
        %dma_start3A_153 = arith.constant 0 : i32
        %dma_start3A_154 = tpu.memref_slice %arg7[%sub3A_152, %dma_start3A_153] : memref<40x128xi32, #tpu.memory_space<vmem>> -> memref<1x128xi32, #tpu.memory_space<vmem>>
        %dma_start3A_155 = tpu.memref_squeeze %dma_start3A_154 : memref<1x128xi32, #tpu.memory_space<vmem>> -> memref<128xi32, #tpu.memory_space<vmem>>
        %dma_start3A_156 = arith.constant 0 : i32
        %dma_start3A_157 = arith.constant 0 : i32
        %dma_start3A_158 = tpu.memref_slice %arg10[%dma_start3A_156, %dma_start3A_157] : memref<10112x128xf32, #tpu.memory_space<vmem_shared>> -> memref<10112x128xf32, #tpu.memory_space<vmem_shared>>
        tpu.enqueue_indirect_dma source(%arg9 : memref<128x128xf32, #tpu.memory_space<vmem>>) target(%dma_start3A_158 : memref<10112x128xf32, #tpu.memory_space<vmem_shared>>) offsets(%dma_start3A_155 : memref<128xi32, #tpu.memory_space<vmem>>) semaphore(%run_scoped3A : memref<!tpu.dma_semaphore, #tpu.memory_space<semaphore_mem>>) {add = true}
        %dma_wait3A_159 = arith.constant 0 : i32
        %dma_wait3A_160 = tpu.memref_slice %arg7[%sub3A_152, %dma_wait3A_159] : memref<40x128xi32, #tpu.memory_space<vmem>> -> memref<1x128xi32, #tpu.memory_space<vmem>>
        %dma_wait3A_161 = tpu.memref_squeeze %dma_wait3A_160 : memref<1x128xi32, #tpu.memory_space<vmem>> -> memref<128xi32, #tpu.memory_space<vmem>>
        %dma_wait3A_162 = arith.constant 0 : i32
        %dma_wait3A_163 = arith.constant 0 : i32
        %dma_wait3A_164 = tpu.memref_slice %arg10[%dma_wait3A_162, %dma_wait3A_163] : memref<10112x128xf32, #tpu.memory_space<vmem_shared>> -> memref<10112x128xf32, #tpu.memory_space<vmem_shared>>
        tpu.wait_indirect_dma semaphore(%run_scoped3A : memref<!tpu.dma_semaphore, #tpu.memory_space<semaphore_mem>>) src(%arg9 : memref<128x128xf32, #tpu.memory_space<vmem>>) dst(%dma_wait3A_164 : memref<10112x128xf32, #tpu.memory_space<vmem_shared>>)
        tpu.yield
      }) : () -> ()
    }
    %scan3A_92 = arith.constant 20 : i32
    %mul3A_93 = arith.constant 80 : i32
    %mul3A_94 = arith.muli %add3A, %mul3A_93 : i32
    %add3A_95 = arith.constant 40 : i32
    %add3A_96 = arith.addi %mul3A_94, %add3A_95 : i32
    "tpu.region"() ({
      %run_scoped3A = tpu.sem_alloc : memref<!tpu.dma_semaphore, #tpu.memory_space<semaphore_mem>>
      %dma_start3A_114 = arith.constant 0 : i32
      %dma_start3A_115 = tpu.memref_slice %arg4[%add3A_96, %dma_start3A_114] : memref<2560x128xi32, #tpu.memory_space<hbm>> -> memref<40x128xi32, #tpu.memory_space<hbm>>
      %dma_start3A_116 = arith.constant 0 : i32
      %dma_start3A_117 = tpu.memref_slice %arg4[%add3A_96, %dma_start3A_116] : memref<2560x128xi32, #tpu.memory_space<hbm>> -> memref<40x128xi32, #tpu.memory_space<hbm>>
      tpu.enqueue_dma source(%dma_start3A_117 : memref<40x128xi32, #tpu.memory_space<hbm>>) target(%arg7 : memref<40x128xi32, #tpu.memory_space<vmem>>) target_semaphore(%run_scoped3A : memref<!tpu.dma_semaphore, #tpu.memory_space<semaphore_mem>>)
      %dma_wait3A_118 = arith.constant 0 : i32
      %dma_wait3A_119 = tpu.memref_slice %arg4[%add3A_96, %dma_wait3A_118] : memref<2560x128xi32, #tpu.memory_space<hbm>> -> memref<40x128xi32, #tpu.memory_space<hbm>>
      %dma_wait3A_120 = arith.constant 0 : i32
      %dma_wait3A_121 = tpu.memref_slice %arg4[%add3A_96, %dma_wait3A_120] : memref<2560x128xi32, #tpu.memory_space<hbm>> -> memref<40x128xi32, #tpu.memory_space<hbm>>
      tpu.wait_dma2 semaphore(%run_scoped3A : memref<!tpu.dma_semaphore, #tpu.memory_space<semaphore_mem>>) src(%dma_wait3A_121 : memref<40x128xi32, #tpu.memory_space<hbm>>) dst(%arg7 : memref<40x128xi32, #tpu.memory_space<vmem>>)
      tpu.yield
    }) : () -> ()
    %scan3A_97 = arith.constant 0 : i32
    %scan3A_98 = arith.constant 20 : i32
    %scan3A_99 = arith.constant 20 : i32
    %scan3A_100 = arith.addi %scan3A_98, %scan3A_99 : i32
    %scan3A_101 = arith.constant 1 : i32
    scf.for %scan3A_114 = %scan3A_98 to %scan3A_100 step %scan3A_101  : i32 {
      %mul3A_115 = arith.constant 2 : i32
      %mul3A_116 = arith.muli %mul3A_115, %scan3A_114 : i32
      %add3A_117 = arith.constant 1 : i32
      %add3A_118 = arith.addi %mul3A_116, %add3A_117 : i32
      %dma_start3A_119 = arith.constant 0 : i32
      %dma_start3A_120 = tpu.memref_slice %arg6[%add3A_118, %dma_start3A_119] : memref<81x128xi32, #tpu.memory_space<vmem>> -> memref<1x128xi32, #tpu.memory_space<vmem>>
      %dma_start3A_121 = tpu.memref_squeeze %dma_start3A_120 : memref<1x128xi32, #tpu.memory_space<vmem>> -> memref<128xi32, #tpu.memory_space<vmem>>
      %dma_start3A_122 = arith.constant 0 : i32
      %dma_start3A_123 = arith.constant 0 : i32
      %dma_start3A_124 = tpu.memref_slice %arg2[%dma_start3A_122, %dma_start3A_123] : memref<10000x128xf32, #tpu.memory_space<hbm>> -> memref<10000x128xf32, #tpu.memory_space<hbm>>
      tpu.enqueue_indirect_dma source(%dma_start3A_124 : memref<10000x128xf32, #tpu.memory_space<hbm>>) target(%arg9 : memref<128x128xf32, #tpu.memory_space<vmem>>) offsets(%dma_start3A_121 : memref<128xi32, #tpu.memory_space<vmem>>) semaphore(%arg12 : memref<!tpu.dma_semaphore, #tpu.memory_space<semaphore_mem>>)
      %dma_wait3A_125 = arith.constant 0 : i32
      %dma_wait3A_126 = tpu.memref_slice %arg6[%mul3A_116, %dma_wait3A_125] : memref<81x128xi32, #tpu.memory_space<vmem>> -> memref<1x128xi32, #tpu.memory_space<vmem>>
      %dma_wait3A_127 = tpu.memref_squeeze %dma_wait3A_126 : memref<1x128xi32, #tpu.memory_space<vmem>> -> memref<128xi32, #tpu.memory_space<vmem>>
      %dma_wait3A_128 = arith.constant 0 : i32
      %dma_wait3A_129 = arith.constant 0 : i32
      %dma_wait3A_130 = tpu.memref_slice %arg2[%dma_wait3A_128, %dma_wait3A_129] : memref<10000x128xf32, #tpu.memory_space<hbm>> -> memref<10000x128xf32, #tpu.memory_space<hbm>>
      tpu.wait_indirect_dma semaphore(%arg11 : memref<!tpu.dma_semaphore, #tpu.memory_space<semaphore_mem>>) src(%dma_wait3A_130 : memref<10000x128xf32, #tpu.memory_space<hbm>>) dst(%arg8 : memref<128x128xf32, #tpu.memory_space<vmem>>)
      %sub3A_131 = arith.constant 40 : i32
      %sub3A_132 = arith.subi %mul3A_116, %sub3A_131 : i32
      "tpu.region"() ({
        %run_scoped3A = tpu.sem_alloc : memref<!tpu.dma_semaphore, #tpu.memory_space<semaphore_mem>>
        %dma_start3A_153 = arith.constant 0 : i32
        %dma_start3A_154 = tpu.memref_slice %arg7[%sub3A_132, %dma_start3A_153] : memref<40x128xi32, #tpu.memory_space<vmem>> -> memref<1x128xi32, #tpu.memory_space<vmem>>
        %dma_start3A_155 = tpu.memref_squeeze %dma_start3A_154 : memref<1x128xi32, #tpu.memory_space<vmem>> -> memref<128xi32, #tpu.memory_space<vmem>>
        %dma_start3A_156 = arith.constant 0 : i32
        %dma_start3A_157 = arith.constant 0 : i32
        %dma_start3A_158 = tpu.memref_slice %arg10[%dma_start3A_156, %dma_start3A_157] : memref<10112x128xf32, #tpu.memory_space<vmem_shared>> -> memref<10112x128xf32, #tpu.memory_space<vmem_shared>>
        tpu.enqueue_indirect_dma source(%arg8 : memref<128x128xf32, #tpu.memory_space<vmem>>) target(%dma_start3A_158 : memref<10112x128xf32, #tpu.memory_space<vmem_shared>>) offsets(%dma_start3A_155 : memref<128xi32, #tpu.memory_space<vmem>>) semaphore(%run_scoped3A : memref<!tpu.dma_semaphore, #tpu.memory_space<semaphore_mem>>) {add = true}
        %dma_wait3A_159 = arith.constant 0 : i32
        %dma_wait3A_160 = tpu.memref_slice %arg7[%sub3A_132, %dma_wait3A_159] : memref<40x128xi32, #tpu.memory_space<vmem>> -> memref<1x128xi32, #tpu.memory_space<vmem>>
        %dma_wait3A_161 = tpu.memref_squeeze %dma_wait3A_160 : memref<1x128xi32, #tpu.memory_space<vmem>> -> memref<128xi32, #tpu.memory_space<vmem>>
        %dma_wait3A_162 = arith.constant 0 : i32
        %dma_wait3A_163 = arith.constant 0 : i32
        %dma_wait3A_164 = tpu.memref_slice %arg10[%dma_wait3A_162, %dma_wait3A_163] : memref<10112x128xf32, #tpu.memory_space<vmem_shared>> -> memref<10112x128xf32, #tpu.memory_space<vmem_shared>>
        tpu.wait_indirect_dma semaphore(%run_scoped3A : memref<!tpu.dma_semaphore, #tpu.memory_space<semaphore_mem>>) src(%arg8 : memref<128x128xf32, #tpu.memory_space<vmem>>) dst(%dma_wait3A_164 : memref<10112x128xf32, #tpu.memory_space<vmem_shared>>)
        tpu.yield
      }) : () -> ()
      %add3A_133 = arith.constant 2 : i32
      %add3A_134 = arith.addi %mul3A_116, %add3A_133 : i32
      %dma_start3A_135 = arith.constant 0 : i32
      %dma_start3A_136 = tpu.memref_slice %arg6[%add3A_134, %dma_start3A_135] : memref<81x128xi32, #tpu.memory_space<vmem>> -> memref<1x128xi32, #tpu.memory_space<vmem>>
      %dma_start3A_137 = tpu.memref_squeeze %dma_start3A_136 : memref<1x128xi32, #tpu.memory_space<vmem>> -> memref<128xi32, #tpu.memory_space<vmem>>
      %dma_start3A_138 = arith.constant 0 : i32
      %dma_start3A_139 = arith.constant 0 : i32
      %dma_start3A_140 = tpu.memref_slice %arg2[%dma_start3A_138, %dma_start3A_139] : memref<10000x128xf32, #tpu.memory_space<hbm>> -> memref<10000x128xf32, #tpu.memory_space<hbm>>
      tpu.enqueue_indirect_dma source(%dma_start3A_140 : memref<10000x128xf32, #tpu.memory_space<hbm>>) target(%arg8 : memref<128x128xf32, #tpu.memory_space<vmem>>) offsets(%dma_start3A_137 : memref<128xi32, #tpu.memory_space<vmem>>) semaphore(%arg11 : memref<!tpu.dma_semaphore, #tpu.memory_space<semaphore_mem>>)
      %add3A_141 = arith.constant 1 : i32
      %add3A_142 = arith.addi %mul3A_116, %add3A_141 : i32
      %dma_wait3A_143 = arith.constant 0 : i32
      %dma_wait3A_144 = tpu.memref_slice %arg6[%add3A_142, %dma_wait3A_143] : memref<81x128xi32, #tpu.memory_space<vmem>> -> memref<1x128xi32, #tpu.memory_space<vmem>>
      %dma_wait3A_145 = tpu.memref_squeeze %dma_wait3A_144 : memref<1x128xi32, #tpu.memory_space<vmem>> -> memref<128xi32, #tpu.memory_space<vmem>>
      %dma_wait3A_146 = arith.constant 0 : i32
      %dma_wait3A_147 = arith.constant 0 : i32
      %dma_wait3A_148 = tpu.memref_slice %arg2[%dma_wait3A_146, %dma_wait3A_147] : memref<10000x128xf32, #tpu.memory_space<hbm>> -> memref<10000x128xf32, #tpu.memory_space<hbm>>
      tpu.wait_indirect_dma semaphore(%arg12 : memref<!tpu.dma_semaphore, #tpu.memory_space<semaphore_mem>>) src(%dma_wait3A_148 : memref<10000x128xf32, #tpu.memory_space<hbm>>) dst(%arg9 : memref<128x128xf32, #tpu.memory_space<vmem>>)
      %add3A_149 = arith.constant 1 : i32
      %add3A_150 = arith.addi %mul3A_116, %add3A_149 : i32
      %sub3A_151 = arith.constant 40 : i32
      %sub3A_152 = arith.subi %add3A_150, %sub3A_151 : i32
      "tpu.region"() ({
        %run_scoped3A = tpu.sem_alloc : memref<!tpu.dma_semaphore, #tpu.memory_space<semaphore_mem>>
        %dma_start3A_153 = arith.constant 0 : i32
        %dma_start3A_154 = tpu.memref_slice %arg7[%sub3A_152, %dma_start3A_153] : memref<40x128xi32, #tpu.memory_space<vmem>> -> memref<1x128xi32, #tpu.memory_space<vmem>>
        %dma_start3A_155 = tpu.memref_squeeze %dma_start3A_154 : memref<1x128xi32, #tpu.memory_space<vmem>> -> memref<128xi32, #tpu.memory_space<vmem>>
        %dma_start3A_156 = arith.constant 0 : i32
        %dma_start3A_157 = arith.constant 0 : i32
        %dma_start3A_158 = tpu.memref_slice %arg10[%dma_start3A_156, %dma_start3A_157] : memref<10112x128xf32, #tpu.memory_space<vmem_shared>> -> memref<10112x128xf32, #tpu.memory_space<vmem_shared>>
        tpu.enqueue_indirect_dma source(%arg9 : memref<128x128xf32, #tpu.memory_space<vmem>>) target(%dma_start3A_158 : memref<10112x128xf32, #tpu.memory_space<vmem_shared>>) offsets(%dma_start3A_155 : memref<128xi32, #tpu.memory_space<vmem>>) semaphore(%run_scoped3A : memref<!tpu.dma_semaphore, #tpu.memory_space<semaphore_mem>>) {add = true}
        %dma_wait3A_159 = arith.constant 0 : i32
        %dma_wait3A_160 = tpu.memref_slice %arg7[%sub3A_152, %dma_wait3A_159] : memref<40x128xi32, #tpu.memory_space<vmem>> -> memref<1x128xi32, #tpu.memory_space<vmem>>
        %dma_wait3A_161 = tpu.memref_squeeze %dma_wait3A_160 : memref<1x128xi32, #tpu.memory_space<vmem>> -> memref<128xi32, #tpu.memory_space<vmem>>
        %dma_wait3A_162 = arith.constant 0 : i32
        %dma_wait3A_163 = arith.constant 0 : i32
        %dma_wait3A_164 = tpu.memref_slice %arg10[%dma_wait3A_162, %dma_wait3A_163] : memref<10112x128xf32, #tpu.memory_space<vmem_shared>> -> memref<10112x128xf32, #tpu.memory_space<vmem_shared>>
        tpu.wait_indirect_dma semaphore(%run_scoped3A : memref<!tpu.dma_semaphore, #tpu.memory_space<semaphore_mem>>) src(%arg9 : memref<128x128xf32, #tpu.memory_space<vmem>>) dst(%dma_wait3A_164 : memref<10112x128xf32, #tpu.memory_space<vmem_shared>>)
        tpu.yield
      }) : () -> ()
    }
    %scan3A_102 = arith.constant 20 : i32
    %dma_wait3A = arith.constant 80 : i32
    %dma_wait3A_103 = arith.constant 0 : i32
    %dma_wait3A_104 = tpu.memref_slice %arg6[%dma_wait3A, %dma_wait3A_103] : memref<81x128xi32, #tpu.memory_space<vmem>> -> memref<1x128xi32, #tpu.memory_space<vmem>>
    %dma_wait3A_105 = tpu.memref_squeeze %dma_wait3A_104 : memref<1x128xi32, #tpu.memory_space<vmem>> -> memref<128xi32, #tpu.memory_space<vmem>>
    %dma_wait3A_106 = arith.constant 0 : i32
    %dma_wait3A_107 = arith.constant 0 : i32
    %dma_wait3A_108 = tpu.memref_slice %arg2[%dma_wait3A_106, %dma_wait3A_107] : memref<10000x128xf32, #tpu.memory_space<hbm>> -> memref<10000x128xf32, #tpu.memory_space<hbm>>
    tpu.wait_indirect_dma semaphore(%arg11 : memref<!tpu.dma_semaphore, #tpu.memory_space<semaphore_mem>>) src(%dma_wait3A_108 : memref<10000x128xf32, #tpu.memory_space<hbm>>) dst(%arg8 : memref<128x128xf32, #tpu.memory_space<vmem>>)
    %barrier3A_109 = arith.constant 0 : index
    tpu.barrier barrier_id(%barrier3A_109)
    %mul3A_110 = arith.constant 632 : i32
    %mul3A_111 = arith.muli %arg1, %mul3A_110 : i32
    %mul3A_112 = arith.constant 632 : i32
    %mul3A_113 = arith.muli %arg1, %mul3A_112 : i32
    "tpu.region"() ({
      %run_scoped3A = tpu.sem_alloc : memref<!tpu.dma_semaphore, #tpu.memory_space<semaphore_mem>>
      %dma_start3A_114 = arith.constant 0 : i32
      %dma_start3A_115 = tpu.memref_slice %arg5[%arg0, %mul3A_113, %dma_start3A_114] : memref<2x10112x128xf32, #tpu.memory_space<hbm>> -> memref<1x632x128xf32, #tpu.memory_space<hbm>>
      %dma_start3A_116 = tpu.memref_squeeze %dma_start3A_115 : memref<1x632x128xf32, #tpu.memory_space<hbm>> -> memref<632x128xf32, #tpu.memory_space<hbm>>
      %dma_start3A_117 = arith.constant 0 : i32
      %dma_start3A_118 = tpu.memref_slice %arg10[%mul3A_111, %dma_start3A_117] : memref<10112x128xf32, #tpu.memory_space<vmem_shared>> -> memref<632x128xf32, #tpu.memory_space<vmem_shared>>
      tpu.enqueue_dma source(%dma_start3A_118 : memref<632x128xf32, #tpu.memory_space<vmem_shared>>) target(%dma_start3A_116 : memref<632x128xf32, #tpu.memory_space<hbm>>) target_semaphore(%run_scoped3A : memref<!tpu.dma_semaphore, #tpu.memory_space<semaphore_mem>>)
      %dma_wait3A_119 = arith.constant 0 : i32
      %dma_wait3A_120 = tpu.memref_slice %arg5[%arg0, %mul3A_113, %dma_wait3A_119] : memref<2x10112x128xf32, #tpu.memory_space<hbm>> -> memref<1x632x128xf32, #tpu.memory_space<hbm>>
      %dma_wait3A_121 = tpu.memref_squeeze %dma_wait3A_120 : memref<1x632x128xf32, #tpu.memory_space<hbm>> -> memref<632x128xf32, #tpu.memory_space<hbm>>
      %dma_wait3A_122 = arith.constant 0 : i32
      %dma_wait3A_123 = tpu.memref_slice %arg10[%mul3A_111, %dma_wait3A_122] : memref<10112x128xf32, #tpu.memory_space<vmem_shared>> -> memref<632x128xf32, #tpu.memory_space<vmem_shared>>
      tpu.wait_dma2 semaphore(%run_scoped3A : memref<!tpu.dma_semaphore, #tpu.memory_space<semaphore_mem>>) src(%dma_wait3A_123 : memref<632x128xf32, #tpu.memory_space<vmem_shared>>) dst(%dma_wait3A_121 : memref<632x128xf32, #tpu.memory_space<hbm>>)
      tpu.yield
    }) : () -> ()
    return
  }
}

#map = affine_map<(d0, d1) -> (0, 0)>
#map1 = affine_map<(d0, d1) -> (0, 0, 0)>
#map2 = affine_map<(d0, d1) -> (0)>
module attributes {stable_mosaic.version = 14 : i64} {
  func.func @body(%arg0: i32, %arg1: i32, %arg2: memref<10000x128xf32, #tpu.memory_space<hbm>>, %arg3: memref<2560x128xi32, #tpu.memory_space<hbm>>, %arg4: memref<2560x128xi32, #tpu.memory_space<hbm>>, %arg5: memref<2x10112x128xf32, #tpu.memory_space<hbm>>, %arg6: memref<10240xf32, #tpu.memory_space<hbm>>, %arg7: memref<10240xf32, #tpu.memory_space<hbm>>, %arg8: memref<81x128xi32, #tpu.memory_space<vmem>>, %arg9: memref<40x128xi32, #tpu.memory_space<vmem>>, %arg10: memref<128x128xf32, #tpu.memory_space<vmem>>, %arg11: memref<128x128xf32, #tpu.memory_space<vmem>>, %arg12: memref<128xf32, #tpu.memory_space<vmem>>, %arg13: memref<10112x128xf32, #tpu.memory_space<vmem_shared>>, %arg14: memref<10240xf32, #tpu.memory_space<vmem_shared>>, %arg15: memref<!tpu.dma_semaphore, #tpu.memory_space<semaphore_mem>>, %arg16: memref<!tpu.dma_semaphore, #tpu.memory_space<semaphore_mem>>) attributes {dimension_semantics = [#tpu.dimension_semantics<core_parallel>, #tpu.dimension_semantics<subcore_parallel>], iteration_bounds = array<i64: 2, 16>, scalar_prefetch = 0 : i64, scratch_operands = 9 : i64, tpu.core_type = #tpu.core_type<sc_vector_subcore>, window_params = [{transform_indices = #map}, {transform_indices = #map}, {transform_indices = #map}, {transform_indices = #map1}, {transform_indices = #map2}, {transform_indices = #map2}]} {
    %mul3A = arith.constant 16 : i32
    %mul3A_0 = arith.muli %arg0, %mul3A : i32
    %add3A = arith.addi %mul3A_0, %arg1 : i32
    %mul3A_1 = arith.constant 80 : i32
    %mul3A_2 = arith.muli %add3A, %mul3A_1 : i32
    "tpu.region"() ({
      %run_scoped3A_193 = tpu.sem_alloc : memref<!tpu.dma_semaphore, #tpu.memory_space<semaphore_mem>>
      %dma_start3A_194 = arith.constant 0 : i32
      %dma_start3A_195 = arith.constant 0 : i32
      %dma_start3A_196 = tpu.memref_slice %arg8[%dma_start3A_194, %dma_start3A_195] : memref<81x128xi32, #tpu.memory_space<vmem>> -> memref<80x128xi32, #tpu.memory_space<vmem>>
      %dma_start3A_197 = arith.constant 0 : i32
      %dma_start3A_198 = tpu.memref_slice %arg3[%mul3A_2, %dma_start3A_197] : memref<2560x128xi32, #tpu.memory_space<hbm>> -> memref<80x128xi32, #tpu.memory_space<hbm>>
      %dma_start3A_199 = arith.constant 0 : i32
      %dma_start3A_200 = arith.constant 0 : i32
      %dma_start3A_201 = tpu.memref_slice %arg8[%dma_start3A_199, %dma_start3A_200] : memref<81x128xi32, #tpu.memory_space<vmem>> -> memref<80x128xi32, #tpu.memory_space<vmem>>
      %dma_start3A_202 = arith.constant 0 : i32
      %dma_start3A_203 = tpu.memref_slice %arg3[%mul3A_2, %dma_start3A_202] : memref<2560x128xi32, #tpu.memory_space<hbm>> -> memref<80x128xi32, #tpu.memory_space<hbm>>
      tpu.enqueue_dma source(%dma_start3A_203 : memref<80x128xi32, #tpu.memory_space<hbm>>) target(%dma_start3A_201 : memref<80x128xi32, #tpu.memory_space<vmem>>) target_semaphore(%run_scoped3A_193 : memref<!tpu.dma_semaphore, #tpu.memory_space<semaphore_mem>>)
      %dma_wait3A_204 = arith.constant 0 : i32
      %dma_wait3A_205 = arith.constant 0 : i32
      %dma_wait3A_206 = tpu.memref_slice %arg8[%dma_wait3A_204, %dma_wait3A_205] : memref<81x128xi32, #tpu.memory_space<vmem>> -> memref<80x128xi32, #tpu.memory_space<vmem>>
      %dma_wait3A_207 = arith.constant 0 : i32
      %dma_wait3A_208 = tpu.memref_slice %arg3[%mul3A_2, %dma_wait3A_207] : memref<2560x128xi32, #tpu.memory_space<hbm>> -> memref<80x128xi32, #tpu.memory_space<hbm>>
      %dma_wait3A_209 = arith.constant 0 : i32
      %dma_wait3A_210 = arith.constant 0 : i32
      %dma_wait3A_211 = tpu.memref_slice %arg8[%dma_wait3A_209, %dma_wait3A_210] : memref<81x128xi32, #tpu.memory_space<vmem>> -> memref<80x128xi32, #tpu.memory_space<vmem>>
      %dma_wait3A_212 = arith.constant 0 : i32
      %dma_wait3A_213 = tpu.memref_slice %arg3[%mul3A_2, %dma_wait3A_212] : memref<2560x128xi32, #tpu.memory_space<hbm>> -> memref<80x128xi32, #tpu.memory_space<hbm>>
      tpu.wait_dma2 semaphore(%run_scoped3A_193 : memref<!tpu.dma_semaphore, #tpu.memory_space<semaphore_mem>>) src(%dma_wait3A_213 : memref<80x128xi32, #tpu.memory_space<hbm>>) dst(%dma_wait3A_211 : memref<80x128xi32, #tpu.memory_space<vmem>>)
      tpu.yield
    }) : () -> ()
    %mul3A_3 = arith.constant 80 : i32
    %mul3A_4 = arith.muli %add3A, %mul3A_3 : i32
    "tpu.region"() ({
      %run_scoped3A_193 = tpu.sem_alloc : memref<!tpu.dma_semaphore, #tpu.memory_space<semaphore_mem>>
      %dma_start3A_194 = arith.constant 0 : i32
      %dma_start3A_195 = tpu.memref_slice %arg4[%mul3A_4, %dma_start3A_194] : memref<2560x128xi32, #tpu.memory_space<hbm>> -> memref<40x128xi32, #tpu.memory_space<hbm>>
      %dma_start3A_196 = arith.constant 0 : i32
      %dma_start3A_197 = tpu.memref_slice %arg4[%mul3A_4, %dma_start3A_196] : memref<2560x128xi32, #tpu.memory_space<hbm>> -> memref<40x128xi32, #tpu.memory_space<hbm>>
      tpu.enqueue_dma source(%dma_start3A_197 : memref<40x128xi32, #tpu.memory_space<hbm>>) target(%arg9 : memref<40x128xi32, #tpu.memory_space<vmem>>) target_semaphore(%run_scoped3A_193 : memref<!tpu.dma_semaphore, #tpu.memory_space<semaphore_mem>>)
      %dma_wait3A_198 = arith.constant 0 : i32
      %dma_wait3A_199 = tpu.memref_slice %arg4[%mul3A_4, %dma_wait3A_198] : memref<2560x128xi32, #tpu.memory_space<hbm>> -> memref<40x128xi32, #tpu.memory_space<hbm>>
      %dma_wait3A_200 = arith.constant 0 : i32
      %dma_wait3A_201 = tpu.memref_slice %arg4[%mul3A_4, %dma_wait3A_200] : memref<2560x128xi32, #tpu.memory_space<hbm>> -> memref<40x128xi32, #tpu.memory_space<hbm>>
      tpu.wait_dma2 semaphore(%run_scoped3A_193 : memref<!tpu.dma_semaphore, #tpu.memory_space<semaphore_mem>>) src(%dma_wait3A_201 : memref<40x128xi32, #tpu.memory_space<hbm>>) dst(%arg9 : memref<40x128xi32, #tpu.memory_space<vmem>>)
      tpu.yield
    }) : () -> ()
    %broadcast_in_dim3A = arith.constant 0 : i32
    %broadcast_in_dim3A_5 = vector.broadcast %broadcast_in_dim3A : i32 to vector<16xi32>
    %swap3A = arith.constant 80 : i32
    %swap3A_6 = arith.index_cast %swap3A : i32 to index
    %swap3A_7 = arith.constant 0 : index
    %swap3A_8 = tpu.vector_load %arg8[%swap3A_6, %swap3A_7] {strides = array<i32>} : memref<81x128xi32, #tpu.memory_space<vmem>>, vector<1x16xi32>,
    %swap3A_9 = vector.shape_cast %swap3A_8 : vector<1x16xi32> to vector<16xi32>
    %swap3A_10 = vector.shape_cast %broadcast_in_dim3A_5 : vector<16xi32> to vector<1x16xi32>
    tpu.vector_store %arg8[%swap3A_6, %swap3A_7], %swap3A_10 {strides = array<i32>} : memref<81x128xi32, #tpu.memory_space<vmem>>, vector<1x16xi32>,
    %swap3A_11 = arith.constant 80 : i32
    %swap3A_12 = arith.index_cast %swap3A_11 : i32 to index
    %swap3A_13 = arith.constant 16 : index
    %swap3A_14 = tpu.vector_load %arg8[%swap3A_12, %swap3A_13] {strides = array<i32>} : memref<81x128xi32, #tpu.memory_space<vmem>>, vector<1x16xi32>,
    %swap3A_15 = vector.shape_cast %swap3A_14 : vector<1x16xi32> to vector<16xi32>
    %swap3A_16 = vector.shape_cast %broadcast_in_dim3A_5 : vector<16xi32> to vector<1x16xi32>
    tpu.vector_store %arg8[%swap3A_12, %swap3A_13], %swap3A_16 {strides = array<i32>} : memref<81x128xi32, #tpu.memory_space<vmem>>, vector<1x16xi32>,
    %swap3A_17 = arith.constant 80 : i32
    %swap3A_18 = arith.index_cast %swap3A_17 : i32 to index
    %swap3A_19 = arith.constant 32 : index
    %swap3A_20 = tpu.vector_load %arg8[%swap3A_18, %swap3A_19] {strides = array<i32>} : memref<81x128xi32, #tpu.memory_space<vmem>>, vector<1x16xi32>,
    %swap3A_21 = vector.shape_cast %swap3A_20 : vector<1x16xi32> to vector<16xi32>
    %swap3A_22 = vector.shape_cast %broadcast_in_dim3A_5 : vector<16xi32> to vector<1x16xi32>
    tpu.vector_store %arg8[%swap3A_18, %swap3A_19], %swap3A_22 {strides = array<i32>} : memref<81x128xi32, #tpu.memory_space<vmem>>, vector<1x16xi32>,
    %swap3A_23 = arith.constant 80 : i32
    %swap3A_24 = arith.index_cast %swap3A_23 : i32 to index
    %swap3A_25 = arith.constant 48 : index
    %swap3A_26 = tpu.vector_load %arg8[%swap3A_24, %swap3A_25] {strides = array<i32>} : memref<81x128xi32, #tpu.memory_space<vmem>>, vector<1x16xi32>,
    %swap3A_27 = vector.shape_cast %swap3A_26 : vector<1x16xi32> to vector<16xi32>
    %swap3A_28 = vector.shape_cast %broadcast_in_dim3A_5 : vector<16xi32> to vector<1x16xi32>
    tpu.vector_store %arg8[%swap3A_24, %swap3A_25], %swap3A_28 {strides = array<i32>} : memref<81x128xi32, #tpu.memory_space<vmem>>, vector<1x16xi32>,
    %swap3A_29 = arith.constant 80 : i32
    %swap3A_30 = arith.index_cast %swap3A_29 : i32 to index
    %swap3A_31 = arith.constant 64 : index
    %swap3A_32 = tpu.vector_load %arg8[%swap3A_30, %swap3A_31] {strides = array<i32>} : memref<81x128xi32, #tpu.memory_space<vmem>>, vector<1x16xi32>,
    %swap3A_33 = vector.shape_cast %swap3A_32 : vector<1x16xi32> to vector<16xi32>
    %swap3A_34 = vector.shape_cast %broadcast_in_dim3A_5 : vector<16xi32> to vector<1x16xi32>
    tpu.vector_store %arg8[%swap3A_30, %swap3A_31], %swap3A_34 {strides = array<i32>} : memref<81x128xi32, #tpu.memory_space<vmem>>, vector<1x16xi32>,
    %swap3A_35 = arith.constant 80 : i32
    %swap3A_36 = arith.index_cast %swap3A_35 : i32 to index
    %swap3A_37 = arith.constant 80 : index
    %swap3A_38 = tpu.vector_load %arg8[%swap3A_36, %swap3A_37] {strides = array<i32>} : memref<81x128xi32, #tpu.memory_space<vmem>>, vector<1x16xi32>,
    %swap3A_39 = vector.shape_cast %swap3A_38 : vector<1x16xi32> to vector<16xi32>
    %swap3A_40 = vector.shape_cast %broadcast_in_dim3A_5 : vector<16xi32> to vector<1x16xi32>
    tpu.vector_store %arg8[%swap3A_36, %swap3A_37], %swap3A_40 {strides = array<i32>} : memref<81x128xi32, #tpu.memory_space<vmem>>, vector<1x16xi32>,
    %swap3A_41 = arith.constant 80 : i32
    %swap3A_42 = arith.index_cast %swap3A_41 : i32 to index
    %swap3A_43 = arith.constant 96 : index
    %swap3A_44 = tpu.vector_load %arg8[%swap3A_42, %swap3A_43] {strides = array<i32>} : memref<81x128xi32, #tpu.memory_space<vmem>>, vector<1x16xi32>,
    %swap3A_45 = vector.shape_cast %swap3A_44 : vector<1x16xi32> to vector<16xi32>
    %swap3A_46 = vector.shape_cast %broadcast_in_dim3A_5 : vector<16xi32> to vector<1x16xi32>
    tpu.vector_store %arg8[%swap3A_42, %swap3A_43], %swap3A_46 {strides = array<i32>} : memref<81x128xi32, #tpu.memory_space<vmem>>, vector<1x16xi32>,
    %swap3A_47 = arith.constant 80 : i32
    %swap3A_48 = arith.index_cast %swap3A_47 : i32 to index
    %swap3A_49 = arith.constant 112 : index
    %swap3A_50 = tpu.vector_load %arg8[%swap3A_48, %swap3A_49] {strides = array<i32>} : memref<81x128xi32, #tpu.memory_space<vmem>>, vector<1x16xi32>,
    %swap3A_51 = vector.shape_cast %swap3A_50 : vector<1x16xi32> to vector<16xi32>
    %swap3A_52 = vector.shape_cast %broadcast_in_dim3A_5 : vector<16xi32> to vector<1x16xi32>
    tpu.vector_store %arg8[%swap3A_48, %swap3A_49], %swap3A_52 {strides = array<i32>} : memref<81x128xi32, #tpu.memory_space<vmem>>, vector<1x16xi32>,
    %broadcast_in_dim3A_53 = arith.constant 0.000000e+00 : f32
    %broadcast_in_dim3A_54 = vector.broadcast %broadcast_in_dim3A_53 : f32 to vector<16xf32>
    %scan3A = arith.constant 0 : i32
    %scan3A_55 = arith.constant 0 : i32
    %scan3A_56 = arith.constant 128 : i32
    %scan3A_57 = arith.addi %scan3A_55, %scan3A_56 : i32
    %scan3A_58 = arith.constant 1 : i32
    scf.for %scan3A_193 = %scan3A_55 to %scan3A_57 step %scan3A_58  : i32 {
      %swap3A_194 = arith.index_cast %scan3A_193 : i32 to index
      %swap3A_195 = arith.constant 0 : index
      %swap3A_196 = tpu.vector_load %arg10[%swap3A_194, %swap3A_195] {strides = array<i32>} : memref<128x128xf32, #tpu.memory_space<vmem>>, vector<1x16xf32>,
      %swap3A_197 = vector.shape_cast %swap3A_196 : vector<1x16xf32> to vector<16xf32>
      %swap3A_198 = vector.shape_cast %broadcast_in_dim3A_54 : vector<16xf32> to vector<1x16xf32>
      tpu.vector_store %arg10[%swap3A_194, %swap3A_195], %swap3A_198 {strides = array<i32>} : memref<128x128xf32, #tpu.memory_space<vmem>>, vector<1x16xf32>,
      %swap3A_199 = arith.index_cast %scan3A_193 : i32 to index
      %swap3A_200 = arith.constant 16 : index
      %swap3A_201 = tpu.vector_load %arg10[%swap3A_199, %swap3A_200] {strides = array<i32>} : memref<128x128xf32, #tpu.memory_space<vmem>>, vector<1x16xf32>,
      %swap3A_202 = vector.shape_cast %swap3A_201 : vector<1x16xf32> to vector<16xf32>
      %swap3A_203 = vector.shape_cast %broadcast_in_dim3A_54 : vector<16xf32> to vector<1x16xf32>
      tpu.vector_store %arg10[%swap3A_199, %swap3A_200], %swap3A_203 {strides = array<i32>} : memref<128x128xf32, #tpu.memory_space<vmem>>, vector<1x16xf32>,
      %swap3A_204 = arith.index_cast %scan3A_193 : i32 to index
      %swap3A_205 = arith.constant 32 : index
      %swap3A_206 = tpu.vector_load %arg10[%swap3A_204, %swap3A_205] {strides = array<i32>} : memref<128x128xf32, #tpu.memory_space<vmem>>, vector<1x16xf32>,
      %swap3A_207 = vector.shape_cast %swap3A_206 : vector<1x16xf32> to vector<16xf32>
      %swap3A_208 = vector.shape_cast %broadcast_in_dim3A_54 : vector<16xf32> to vector<1x16xf32>
      tpu.vector_store %arg10[%swap3A_204, %swap3A_205], %swap3A_208 {strides = array<i32>} : memref<128x128xf32, #tpu.memory_space<vmem>>, vector<1x16xf32>,
      %swap3A_209 = arith.index_cast %scan3A_193 : i32 to index
      %swap3A_210 = arith.constant 48 : index
      %swap3A_211 = tpu.vector_load %arg10[%swap3A_209, %swap3A_210] {strides = array<i32>} : memref<128x128xf32, #tpu.memory_space<vmem>>, vector<1x16xf32>,
      %swap3A_212 = vector.shape_cast %swap3A_211 : vector<1x16xf32> to vector<16xf32>
      %swap3A_213 = vector.shape_cast %broadcast_in_dim3A_54 : vector<16xf32> to vector<1x16xf32>
      tpu.vector_store %arg10[%swap3A_209, %swap3A_210], %swap3A_213 {strides = array<i32>} : memref<128x128xf32, #tpu.memory_space<vmem>>, vector<1x16xf32>,
      %swap3A_214 = arith.index_cast %scan3A_193 : i32 to index
      %swap3A_215 = arith.constant 64 : index
      %swap3A_216 = tpu.vector_load %arg10[%swap3A_214, %swap3A_215] {strides = array<i32>} : memref<128x128xf32, #tpu.memory_space<vmem>>, vector<1x16xf32>,
      %swap3A_217 = vector.shape_cast %swap3A_216 : vector<1x16xf32> to vector<16xf32>
      %swap3A_218 = vector.shape_cast %broadcast_in_dim3A_54 : vector<16xf32> to vector<1x16xf32>
      tpu.vector_store %arg10[%swap3A_214, %swap3A_215], %swap3A_218 {strides = array<i32>} : memref<128x128xf32, #tpu.memory_space<vmem>>, vector<1x16xf32>,
      %swap3A_219 = arith.index_cast %scan3A_193 : i32 to index
      %swap3A_220 = arith.constant 80 : index
      %swap3A_221 = tpu.vector_load %arg10[%swap3A_219, %swap3A_220] {strides = array<i32>} : memref<128x128xf32, #tpu.memory_space<vmem>>, vector<1x16xf32>,
      %swap3A_222 = vector.shape_cast %swap3A_221 : vector<1x16xf32> to vector<16xf32>
      %swap3A_223 = vector.shape_cast %broadcast_in_dim3A_54 : vector<16xf32> to vector<1x16xf32>
      tpu.vector_store %arg10[%swap3A_219, %swap3A_220], %swap3A_223 {strides = array<i32>} : memref<128x128xf32, #tpu.memory_space<vmem>>, vector<1x16xf32>,
      %swap3A_224 = arith.index_cast %scan3A_193 : i32 to index
      %swap3A_225 = arith.constant 96 : index
      %swap3A_226 = tpu.vector_load %arg10[%swap3A_224, %swap3A_225] {strides = array<i32>} : memref<128x128xf32, #tpu.memory_space<vmem>>, vector<1x16xf32>,
      %swap3A_227 = vector.shape_cast %swap3A_226 : vector<1x16xf32> to vector<16xf32>
      %swap3A_228 = vector.shape_cast %broadcast_in_dim3A_54 : vector<16xf32> to vector<1x16xf32>
      tpu.vector_store %arg10[%swap3A_224, %swap3A_225], %swap3A_228 {strides = array<i32>} : memref<128x128xf32, #tpu.memory_space<vmem>>, vector<1x16xf32>,
      %swap3A_229 = arith.index_cast %scan3A_193 : i32 to index
      %swap3A_230 = arith.constant 112 : index
      %swap3A_231 = tpu.vector_load %arg10[%swap3A_229, %swap3A_230] {strides = array<i32>} : memref<128x128xf32, #tpu.memory_space<vmem>>, vector<1x16xf32>,
      %swap3A_232 = vector.shape_cast %swap3A_231 : vector<1x16xf32> to vector<16xf32>
      %swap3A_233 = vector.shape_cast %broadcast_in_dim3A_54 : vector<16xf32> to vector<1x16xf32>
      tpu.vector_store %arg10[%swap3A_229, %swap3A_230], %swap3A_233 {strides = array<i32>} : memref<128x128xf32, #tpu.memory_space<vmem>>, vector<1x16xf32>,
    }
    %scan3A_59 = arith.constant 128 : i32
    %broadcast_in_dim3A_60 = arith.constant 1.000000e+00 : f32
    %broadcast_in_dim3A_61 = vector.broadcast %broadcast_in_dim3A_60 : f32 to vector<16xf32>
    %swap3A_62 = arith.constant 0 : index
    %swap3A_63 = tpu.vector_load %arg12[%swap3A_62] {strides = array<i32>} : memref<128xf32, #tpu.memory_space<vmem>>, vector<16xf32>,
    %swap3A_64 = vector.shape_cast %swap3A_63 : vector<16xf32> to vector<16xf32>
    %swap3A_65 = vector.shape_cast %broadcast_in_dim3A_61 : vector<16xf32> to vector<16xf32>
    tpu.vector_store %arg12[%swap3A_62], %swap3A_65 {strides = array<i32>} : memref<128xf32, #tpu.memory_space<vmem>>, vector<16xf32>,
    %broadcast_in_dim3A_66 = arith.constant 1.000000e+00 : f32
    %broadcast_in_dim3A_67 = vector.broadcast %broadcast_in_dim3A_66 : f32 to vector<16xf32>
    %swap3A_68 = arith.constant 16 : index
    %swap3A_69 = tpu.vector_load %arg12[%swap3A_68] {strides = array<i32>} : memref<128xf32, #tpu.memory_space<vmem>>, vector<16xf32>,
    %swap3A_70 = vector.shape_cast %swap3A_69 : vector<16xf32> to vector<16xf32>
    %swap3A_71 = vector.shape_cast %broadcast_in_dim3A_67 : vector<16xf32> to vector<16xf32>
    tpu.vector_store %arg12[%swap3A_68], %swap3A_71 {strides = array<i32>} : memref<128xf32, #tpu.memory_space<vmem>>, vector<16xf32>,
    %broadcast_in_dim3A_72 = arith.constant 1.000000e+00 : f32
    %broadcast_in_dim3A_73 = vector.broadcast %broadcast_in_dim3A_72 : f32 to vector<16xf32>
    %swap3A_74 = arith.constant 32 : index
    %swap3A_75 = tpu.vector_load %arg12[%swap3A_74] {strides = array<i32>} : memref<128xf32, #tpu.memory_space<vmem>>, vector<16xf32>,
    %swap3A_76 = vector.shape_cast %swap3A_75 : vector<16xf32> to vector<16xf32>
    %swap3A_77 = vector.shape_cast %broadcast_in_dim3A_73 : vector<16xf32> to vector<16xf32>
    tpu.vector_store %arg12[%swap3A_74], %swap3A_77 {strides = array<i32>} : memref<128xf32, #tpu.memory_space<vmem>>, vector<16xf32>,
    %broadcast_in_dim3A_78 = arith.constant 1.000000e+00 : f32
    %broadcast_in_dim3A_79 = vector.broadcast %broadcast_in_dim3A_78 : f32 to vector<16xf32>
    %swap3A_80 = arith.constant 48 : index
    %swap3A_81 = tpu.vector_load %arg12[%swap3A_80] {strides = array<i32>} : memref<128xf32, #tpu.memory_space<vmem>>, vector<16xf32>,
    %swap3A_82 = vector.shape_cast %swap3A_81 : vector<16xf32> to vector<16xf32>
    %swap3A_83 = vector.shape_cast %broadcast_in_dim3A_79 : vector<16xf32> to vector<16xf32>
    tpu.vector_store %arg12[%swap3A_80], %swap3A_83 {strides = array<i32>} : memref<128xf32, #tpu.memory_space<vmem>>, vector<16xf32>,
    %broadcast_in_dim3A_84 = arith.constant 1.000000e+00 : f32
    %broadcast_in_dim3A_85 = vector.broadcast %broadcast_in_dim3A_84 : f32 to vector<16xf32>
    %swap3A_86 = arith.constant 64 : index
    %swap3A_87 = tpu.vector_load %arg12[%swap3A_86] {strides = array<i32>} : memref<128xf32, #tpu.memory_space<vmem>>, vector<16xf32>,
    %swap3A_88 = vector.shape_cast %swap3A_87 : vector<16xf32> to vector<16xf32>
    %swap3A_89 = vector.shape_cast %broadcast_in_dim3A_85 : vector<16xf32> to vector<16xf32>
    tpu.vector_store %arg12[%swap3A_86], %swap3A_89 {strides = array<i32>} : memref<128xf32, #tpu.memory_space<vmem>>, vector<16xf32>,
    %broadcast_in_dim3A_90 = arith.constant 1.000000e+00 : f32
    %broadcast_in_dim3A_91 = vector.broadcast %broadcast_in_dim3A_90 : f32 to vector<16xf32>
    %swap3A_92 = arith.constant 80 : index
    %swap3A_93 = tpu.vector_load %arg12[%swap3A_92] {strides = array<i32>} : memref<128xf32, #tpu.memory_space<vmem>>, vector<16xf32>,
    %swap3A_94 = vector.shape_cast %swap3A_93 : vector<16xf32> to vector<16xf32>
    %swap3A_95 = vector.shape_cast %broadcast_in_dim3A_91 : vector<16xf32> to vector<16xf32>
    tpu.vector_store %arg12[%swap3A_92], %swap3A_95 {strides = array<i32>} : memref<128xf32, #tpu.memory_space<vmem>>, vector<16xf32>,
    %broadcast_in_dim3A_96 = arith.constant 1.000000e+00 : f32
    %broadcast_in_dim3A_97 = vector.broadcast %broadcast_in_dim3A_96 : f32 to vector<16xf32>
    %swap3A_98 = arith.constant 96 : index
    %swap3A_99 = tpu.vector_load %arg12[%swap3A_98] {strides = array<i32>} : memref<128xf32, #tpu.memory_space<vmem>>, vector<16xf32>,
    %swap3A_100 = vector.shape_cast %swap3A_99 : vector<16xf32> to vector<16xf32>
    %swap3A_101 = vector.shape_cast %broadcast_in_dim3A_97 : vector<16xf32> to vector<16xf32>
    tpu.vector_store %arg12[%swap3A_98], %swap3A_101 {strides = array<i32>} : memref<128xf32, #tpu.memory_space<vmem>>, vector<16xf32>,
    %broadcast_in_dim3A_102 = arith.constant 1.000000e+00 : f32
    %broadcast_in_dim3A_103 = vector.broadcast %broadcast_in_dim3A_102 : f32 to vector<16xf32>
    %swap3A_104 = arith.constant 112 : index
    %swap3A_105 = tpu.vector_load %arg12[%swap3A_104] {strides = array<i32>} : memref<128xf32, #tpu.memory_space<vmem>>, vector<16xf32>,
    %swap3A_106 = vector.shape_cast %swap3A_105 : vector<16xf32> to vector<16xf32>
    %swap3A_107 = vector.shape_cast %broadcast_in_dim3A_103 : vector<16xf32> to vector<16xf32>
    tpu.vector_store %arg12[%swap3A_104], %swap3A_107 {strides = array<i32>} : memref<128xf32, #tpu.memory_space<vmem>>, vector<16xf32>,
    %mul3A_108 = arith.constant 632 : i32
    %mul3A_109 = arith.muli %arg1, %mul3A_108 : i32
    %add3A_110 = arith.constant 0 : i32
    %add3A_111 = arith.addi %mul3A_109, %add3A_110 : i32
    "tpu.region"() ({
      %run_scoped3A_193 = tpu.sem_alloc : memref<!tpu.dma_semaphore, #tpu.memory_space<semaphore_mem>>
      %dma_start3A_194 = arith.constant 0 : i32
      %dma_start3A_195 = tpu.memref_slice %arg13[%add3A_111, %dma_start3A_194] : memref<10112x128xf32, #tpu.memory_space<vmem_shared>> -> memref<128x128xf32, #tpu.memory_space<vmem_shared>>
      %dma_start3A_196 = arith.constant 0 : i32
      %dma_start3A_197 = tpu.memref_slice %arg13[%add3A_111, %dma_start3A_196] : memref<10112x128xf32, #tpu.memory_space<vmem_shared>> -> memref<128x128xf32, #tpu.memory_space<vmem_shared>>
      tpu.enqueue_dma source(%arg10 : memref<128x128xf32, #tpu.memory_space<vmem>>) target(%dma_start3A_197 : memref<128x128xf32, #tpu.memory_space<vmem_shared>>) target_semaphore(%run_scoped3A_193 : memref<!tpu.dma_semaphore, #tpu.memory_space<semaphore_mem>>)
      %dma_wait3A_198 = arith.constant 0 : i32
      %dma_wait3A_199 = tpu.memref_slice %arg13[%add3A_111, %dma_wait3A_198] : memref<10112x128xf32, #tpu.memory_space<vmem_shared>> -> memref<128x128xf32, #tpu.memory_space<vmem_shared>>
      %dma_wait3A_200 = arith.constant 0 : i32
      %dma_wait3A_201 = tpu.memref_slice %arg13[%add3A_111, %dma_wait3A_200] : memref<10112x128xf32, #tpu.memory_space<vmem_shared>> -> memref<128x128xf32, #tpu.memory_space<vmem_shared>>
      tpu.wait_dma2 semaphore(%run_scoped3A_193 : memref<!tpu.dma_semaphore, #tpu.memory_space<semaphore_mem>>) src(%arg10 : memref<128x128xf32, #tpu.memory_space<vmem>>) dst(%dma_wait3A_201 : memref<128x128xf32, #tpu.memory_space<vmem_shared>>)
      tpu.yield
    }) : () -> ()
    %mul3A_112 = arith.constant 632 : i32
    %mul3A_113 = arith.muli %arg1, %mul3A_112 : i32
    %add3A_114 = arith.constant 128 : i32
    %add3A_115 = arith.addi %mul3A_113, %add3A_114 : i32
    "tpu.region"() ({
      %run_scoped3A_193 = tpu.sem_alloc : memref<!tpu.dma_semaphore, #tpu.memory_space<semaphore_mem>>
      %dma_start3A_194 = arith.constant 0 : i32
      %dma_start3A_195 = tpu.memref_slice %arg13[%add3A_115, %dma_start3A_194] : memref<10112x128xf32, #tpu.memory_space<vmem_shared>> -> memref<128x128xf32, #tpu.memory_space<vmem_shared>>
      %dma_start3A_196 = arith.constant 0 : i32
      %dma_start3A_197 = tpu.memref_slice %arg13[%add3A_115, %dma_start3A_196] : memref<10112x128xf32, #tpu.memory_space<vmem_shared>> -> memref<128x128xf32, #tpu.memory_space<vmem_shared>>
      tpu.enqueue_dma source(%arg10 : memref<128x128xf32, #tpu.memory_space<vmem>>) target(%dma_start3A_197 : memref<128x128xf32, #tpu.memory_space<vmem_shared>>) target_semaphore(%run_scoped3A_193 : memref<!tpu.dma_semaphore, #tpu.memory_space<semaphore_mem>>)
      %dma_wait3A_198 = arith.constant 0 : i32
      %dma_wait3A_199 = tpu.memref_slice %arg13[%add3A_115, %dma_wait3A_198] : memref<10112x128xf32, #tpu.memory_space<vmem_shared>> -> memref<128x128xf32, #tpu.memory_space<vmem_shared>>
      %dma_wait3A_200 = arith.constant 0 : i32
      %dma_wait3A_201 = tpu.memref_slice %arg13[%add3A_115, %dma_wait3A_200] : memref<10112x128xf32, #tpu.memory_space<vmem_shared>> -> memref<128x128xf32, #tpu.memory_space<vmem_shared>>
      tpu.wait_dma2 semaphore(%run_scoped3A_193 : memref<!tpu.dma_semaphore, #tpu.memory_space<semaphore_mem>>) src(%arg10 : memref<128x128xf32, #tpu.memory_space<vmem>>) dst(%dma_wait3A_201 : memref<128x128xf32, #tpu.memory_space<vmem_shared>>)
      tpu.yield
    }) : () -> ()
    %mul3A_116 = arith.constant 632 : i32
    %mul3A_117 = arith.muli %arg1, %mul3A_116 : i32
    %add3A_118 = arith.constant 256 : i32
    %add3A_119 = arith.addi %mul3A_117, %add3A_118 : i32
    "tpu.region"() ({
      %run_scoped3A_193 = tpu.sem_alloc : memref<!tpu.dma_semaphore, #tpu.memory_space<semaphore_mem>>
      %dma_start3A_194 = arith.constant 0 : i32
      %dma_start3A_195 = tpu.memref_slice %arg13[%add3A_119, %dma_start3A_194] : memref<10112x128xf32, #tpu.memory_space<vmem_shared>> -> memref<128x128xf32, #tpu.memory_space<vmem_shared>>
      %dma_start3A_196 = arith.constant 0 : i32
      %dma_start3A_197 = tpu.memref_slice %arg13[%add3A_119, %dma_start3A_196] : memref<10112x128xf32, #tpu.memory_space<vmem_shared>> -> memref<128x128xf32, #tpu.memory_space<vmem_shared>>
      tpu.enqueue_dma source(%arg10 : memref<128x128xf32, #tpu.memory_space<vmem>>) target(%dma_start3A_197 : memref<128x128xf32, #tpu.memory_space<vmem_shared>>) target_semaphore(%run_scoped3A_193 : memref<!tpu.dma_semaphore, #tpu.memory_space<semaphore_mem>>)
      %dma_wait3A_198 = arith.constant 0 : i32
      %dma_wait3A_199 = tpu.memref_slice %arg13[%add3A_119, %dma_wait3A_198] : memref<10112x128xf32, #tpu.memory_space<vmem_shared>> -> memref<128x128xf32, #tpu.memory_space<vmem_shared>>
      %dma_wait3A_200 = arith.constant 0 : i32
      %dma_wait3A_201 = tpu.memref_slice %arg13[%add3A_119, %dma_wait3A_200] : memref<10112x128xf32, #tpu.memory_space<vmem_shared>> -> memref<128x128xf32, #tpu.memory_space<vmem_shared>>
      tpu.wait_dma2 semaphore(%run_scoped3A_193 : memref<!tpu.dma_semaphore, #tpu.memory_space<semaphore_mem>>) src(%arg10 : memref<128x128xf32, #tpu.memory_space<vmem>>) dst(%dma_wait3A_201 : memref<128x128xf32, #tpu.memory_space<vmem_shared>>)
      tpu.yield
    }) : () -> ()
    %mul3A_120 = arith.constant 632 : i32
    %mul3A_121 = arith.muli %arg1, %mul3A_120 : i32
    %add3A_122 = arith.constant 384 : i32
    %add3A_123 = arith.addi %mul3A_121, %add3A_122 : i32
    "tpu.region"() ({
      %run_scoped3A_193 = tpu.sem_alloc : memref<!tpu.dma_semaphore, #tpu.memory_space<semaphore_mem>>
      %dma_start3A_194 = arith.constant 0 : i32
      %dma_start3A_195 = tpu.memref_slice %arg13[%add3A_123, %dma_start3A_194] : memref<10112x128xf32, #tpu.memory_space<vmem_shared>> -> memref<128x128xf32, #tpu.memory_space<vmem_shared>>
      %dma_start3A_196 = arith.constant 0 : i32
      %dma_start3A_197 = tpu.memref_slice %arg13[%add3A_123, %dma_start3A_196] : memref<10112x128xf32, #tpu.memory_space<vmem_shared>> -> memref<128x128xf32, #tpu.memory_space<vmem_shared>>
      tpu.enqueue_dma source(%arg10 : memref<128x128xf32, #tpu.memory_space<vmem>>) target(%dma_start3A_197 : memref<128x128xf32, #tpu.memory_space<vmem_shared>>) target_semaphore(%run_scoped3A_193 : memref<!tpu.dma_semaphore, #tpu.memory_space<semaphore_mem>>)
      %dma_wait3A_198 = arith.constant 0 : i32
      %dma_wait3A_199 = tpu.memref_slice %arg13[%add3A_123, %dma_wait3A_198] : memref<10112x128xf32, #tpu.memory_space<vmem_shared>> -> memref<128x128xf32, #tpu.memory_space<vmem_shared>>
      %dma_wait3A_200 = arith.constant 0 : i32
      %dma_wait3A_201 = tpu.memref_slice %arg13[%add3A_123, %dma_wait3A_200] : memref<10112x128xf32, #tpu.memory_space<vmem_shared>> -> memref<128x128xf32, #tpu.memory_space<vmem_shared>>
      tpu.wait_dma2 semaphore(%run_scoped3A_193 : memref<!tpu.dma_semaphore, #tpu.memory_space<semaphore_mem>>) src(%arg10 : memref<128x128xf32, #tpu.memory_space<vmem>>) dst(%dma_wait3A_201 : memref<128x128xf32, #tpu.memory_space<vmem_shared>>)
      tpu.yield
    }) : () -> ()
    %mul3A_124 = arith.constant 632 : i32
    %mul3A_125 = arith.muli %arg1, %mul3A_124 : i32
    %add3A_126 = arith.constant 632 : i32
    %add3A_127 = arith.addi %mul3A_125, %add3A_126 : i32
    %sub3A = arith.constant 128 : i32
    %sub3A_128 = arith.subi %add3A_127, %sub3A : i32
    "tpu.region"() ({
      %run_scoped3A_193 = tpu.sem_alloc : memref<!tpu.dma_semaphore, #tpu.memory_space<semaphore_mem>>
      %dma_start3A_194 = arith.constant 0 : i32
      %dma_start3A_195 = tpu.memref_slice %arg13[%sub3A_128, %dma_start3A_194] : memref<10112x128xf32, #tpu.memory_space<vmem_shared>> -> memref<128x128xf32, #tpu.memory_space<vmem_shared>>
      %dma_start3A_196 = arith.constant 0 : i32
      %dma_start3A_197 = tpu.memref_slice %arg13[%sub3A_128, %dma_start3A_196] : memref<10112x128xf32, #tpu.memory_space<vmem_shared>> -> memref<128x128xf32, #tpu.memory_space<vmem_shared>>
      tpu.enqueue_dma source(%arg10 : memref<128x128xf32, #tpu.memory_space<vmem>>) target(%dma_start3A_197 : memref<128x128xf32, #tpu.memory_space<vmem_shared>>) target_semaphore(%run_scoped3A_193 : memref<!tpu.dma_semaphore, #tpu.memory_space<semaphore_mem>>)
      %dma_wait3A_198 = arith.constant 0 : i32
      %dma_wait3A_199 = tpu.memref_slice %arg13[%sub3A_128, %dma_wait3A_198] : memref<10112x128xf32, #tpu.memory_space<vmem_shared>> -> memref<128x128xf32, #tpu.memory_space<vmem_shared>>
      %dma_wait3A_200 = arith.constant 0 : i32
      %dma_wait3A_201 = tpu.memref_slice %arg13[%sub3A_128, %dma_wait3A_200] : memref<10112x128xf32, #tpu.memory_space<vmem_shared>> -> memref<128x128xf32, #tpu.memory_space<vmem_shared>>
      tpu.wait_dma2 semaphore(%run_scoped3A_193 : memref<!tpu.dma_semaphore, #tpu.memory_space<semaphore_mem>>) src(%arg10 : memref<128x128xf32, #tpu.memory_space<vmem>>) dst(%dma_wait3A_201 : memref<128x128xf32, #tpu.memory_space<vmem_shared>>)
      tpu.yield
    }) : () -> ()
    %mul3A_129 = arith.constant 640 : i32
    %mul3A_130 = arith.muli %arg1, %mul3A_129 : i32
    %add3A_131 = arith.constant 0 : i32
    %add3A_132 = arith.addi %mul3A_130, %add3A_131 : i32
    %run_scoped3A = arith.constant 0 : i32
    "tpu.region"() ({
      %run_scoped3A_193 = tpu.sem_alloc : memref<!tpu.dma_semaphore, #tpu.memory_space<semaphore_mem>>
      %dma_start3A_194 = arith.constant 0 : i32
      %dma_start3A_195 = tpu.memref_slice %arg10[%run_scoped3A, %dma_start3A_194] : memref<128x128xf32, #tpu.memory_space<vmem>> -> memref<1x128xf32, #tpu.memory_space<vmem>>
      %dma_start3A_196 = tpu.memref_squeeze %dma_start3A_195 : memref<1x128xf32, #tpu.memory_space<vmem>> -> memref<128xf32, #tpu.memory_space<vmem>>
      %dma_start3A_197 = tpu.memref_slice %arg14[%add3A_132] : memref<10240xf32, #tpu.memory_space<vmem_shared>> -> memref<128xf32, #tpu.memory_space<vmem_shared>>
      %dma_start3A_198 = tpu.memref_slice %arg14[%add3A_132] : memref<10240xf32, #tpu.memory_space<vmem_shared>> -> memref<128xf32, #tpu.memory_space<vmem_shared>>
      %dma_start3A_199 = arith.constant 0 : i32
      %dma_start3A_200 = tpu.memref_slice %arg10[%run_scoped3A, %dma_start3A_199] : memref<128x128xf32, #tpu.memory_space<vmem>> -> memref<1x128xf32, #tpu.memory_space<vmem>>
      %dma_start3A_201 = tpu.memref_squeeze %dma_start3A_200 : memref<1x128xf32, #tpu.memory_space<vmem>> -> memref<128xf32, #tpu.memory_space<vmem>>
      tpu.enqueue_dma source(%dma_start3A_201 : memref<128xf32, #tpu.memory_space<vmem>>) target(%dma_start3A_198 : memref<128xf32, #tpu.memory_space<vmem_shared>>) target_semaphore(%run_scoped3A_193 : memref<!tpu.dma_semaphore, #tpu.memory_space<semaphore_mem>>)
      %dma_wait3A_202 = arith.constant 0 : i32
      %dma_wait3A_203 = tpu.memref_slice %arg10[%run_scoped3A, %dma_wait3A_202] : memref<128x128xf32, #tpu.memory_space<vmem>> -> memref<1x128xf32, #tpu.memory_space<vmem>>
      %dma_wait3A_204 = tpu.memref_squeeze %dma_wait3A_203 : memref<1x128xf32, #tpu.memory_space<vmem>> -> memref<128xf32, #tpu.memory_space<vmem>>
      %dma_wait3A_205 = tpu.memref_slice %arg14[%add3A_132] : memref<10240xf32, #tpu.memory_space<vmem_shared>> -> memref<128xf32, #tpu.memory_space<vmem_shared>>
      %dma_wait3A_206 = tpu.memref_slice %arg14[%add3A_132] : memref<10240xf32, #tpu.memory_space<vmem_shared>> -> memref<128xf32, #tpu.memory_space<vmem_shared>>
      %dma_wait3A_207 = arith.constant 0 : i32
      %dma_wait3A_208 = tpu.memref_slice %arg10[%run_scoped3A, %dma_wait3A_207] : memref<128x128xf32, #tpu.memory_space<vmem>> -> memref<1x128xf32, #tpu.memory_space<vmem>>
      %dma_wait3A_209 = tpu.memref_squeeze %dma_wait3A_208 : memref<1x128xf32, #tpu.memory_space<vmem>> -> memref<128xf32, #tpu.memory_space<vmem>>
      tpu.wait_dma2 semaphore(%run_scoped3A_193 : memref<!tpu.dma_semaphore, #tpu.memory_space<semaphore_mem>>) src(%dma_wait3A_209 : memref<128xf32, #tpu.memory_space<vmem>>) dst(%dma_wait3A_206 : memref<128xf32, #tpu.memory_space<vmem_shared>>)
      tpu.yield
    }) : () -> ()
    %mul3A_133 = arith.constant 640 : i32
    %mul3A_134 = arith.muli %arg1, %mul3A_133 : i32
    %add3A_135 = arith.constant 128 : i32
    %add3A_136 = arith.addi %mul3A_134, %add3A_135 : i32
    %run_scoped3A_137 = arith.constant 0 : i32
    "tpu.region"() ({
      %run_scoped3A_193 = tpu.sem_alloc : memref<!tpu.dma_semaphore, #tpu.memory_space<semaphore_mem>>
      %dma_start3A_194 = arith.constant 0 : i32
      %dma_start3A_195 = tpu.memref_slice %arg10[%run_scoped3A_137, %dma_start3A_194] : memref<128x128xf32, #tpu.memory_space<vmem>> -> memref<1x128xf32, #tpu.memory_space<vmem>>
      %dma_start3A_196 = tpu.memref_squeeze %dma_start3A_195 : memref<1x128xf32, #tpu.memory_space<vmem>> -> memref<128xf32, #tpu.memory_space<vmem>>
      %dma_start3A_197 = tpu.memref_slice %arg14[%add3A_136] : memref<10240xf32, #tpu.memory_space<vmem_shared>> -> memref<128xf32, #tpu.memory_space<vmem_shared>>
      %dma_start3A_198 = tpu.memref_slice %arg14[%add3A_136] : memref<10240xf32, #tpu.memory_space<vmem_shared>> -> memref<128xf32, #tpu.memory_space<vmem_shared>>
      %dma_start3A_199 = arith.constant 0 : i32
      %dma_start3A_200 = tpu.memref_slice %arg10[%run_scoped3A_137, %dma_start3A_199] : memref<128x128xf32, #tpu.memory_space<vmem>> -> memref<1x128xf32, #tpu.memory_space<vmem>>
      %dma_start3A_201 = tpu.memref_squeeze %dma_start3A_200 : memref<1x128xf32, #tpu.memory_space<vmem>> -> memref<128xf32, #tpu.memory_space<vmem>>
      tpu.enqueue_dma source(%dma_start3A_201 : memref<128xf32, #tpu.memory_space<vmem>>) target(%dma_start3A_198 : memref<128xf32, #tpu.memory_space<vmem_shared>>) target_semaphore(%run_scoped3A_193 : memref<!tpu.dma_semaphore, #tpu.memory_space<semaphore_mem>>)
      %dma_wait3A_202 = arith.constant 0 : i32
      %dma_wait3A_203 = tpu.memref_slice %arg10[%run_scoped3A_137, %dma_wait3A_202] : memref<128x128xf32, #tpu.memory_space<vmem>> -> memref<1x128xf32, #tpu.memory_space<vmem>>
      %dma_wait3A_204 = tpu.memref_squeeze %dma_wait3A_203 : memref<1x128xf32, #tpu.memory_space<vmem>> -> memref<128xf32, #tpu.memory_space<vmem>>
      %dma_wait3A_205 = tpu.memref_slice %arg14[%add3A_136] : memref<10240xf32, #tpu.memory_space<vmem_shared>> -> memref<128xf32, #tpu.memory_space<vmem_shared>>
      %dma_wait3A_206 = tpu.memref_slice %arg14[%add3A_136] : memref<10240xf32, #tpu.memory_space<vmem_shared>> -> memref<128xf32, #tpu.memory_space<vmem_shared>>
      %dma_wait3A_207 = arith.constant 0 : i32
      %dma_wait3A_208 = tpu.memref_slice %arg10[%run_scoped3A_137, %dma_wait3A_207] : memref<128x128xf32, #tpu.memory_space<vmem>> -> memref<1x128xf32, #tpu.memory_space<vmem>>
      %dma_wait3A_209 = tpu.memref_squeeze %dma_wait3A_208 : memref<1x128xf32, #tpu.memory_space<vmem>> -> memref<128xf32, #tpu.memory_space<vmem>>
      tpu.wait_dma2 semaphore(%run_scoped3A_193 : memref<!tpu.dma_semaphore, #tpu.memory_space<semaphore_mem>>) src(%dma_wait3A_209 : memref<128xf32, #tpu.memory_space<vmem>>) dst(%dma_wait3A_206 : memref<128xf32, #tpu.memory_space<vmem_shared>>)
      tpu.yield
    }) : () -> ()
    %mul3A_138 = arith.constant 640 : i32
    %mul3A_139 = arith.muli %arg1, %mul3A_138 : i32
    %add3A_140 = arith.constant 256 : i32
    %add3A_141 = arith.addi %mul3A_139, %add3A_140 : i32
    %run_scoped3A_142 = arith.constant 0 : i32
    "tpu.region"() ({
      %run_scoped3A_193 = tpu.sem_alloc : memref<!tpu.dma_semaphore, #tpu.memory_space<semaphore_mem>>
      %dma_start3A_194 = arith.constant 0 : i32
      %dma_start3A_195 = tpu.memref_slice %arg10[%run_scoped3A_142, %dma_start3A_194] : memref<128x128xf32, #tpu.memory_space<vmem>> -> memref<1x128xf32, #tpu.memory_space<vmem>>
      %dma_start3A_196 = tpu.memref_squeeze %dma_start3A_195 : memref<1x128xf32, #tpu.memory_space<vmem>> -> memref<128xf32, #tpu.memory_space<vmem>>
      %dma_start3A_197 = tpu.memref_slice %arg14[%add3A_141] : memref<10240xf32, #tpu.memory_space<vmem_shared>> -> memref<128xf32, #tpu.memory_space<vmem_shared>>
      %dma_start3A_198 = tpu.memref_slice %arg14[%add3A_141] : memref<10240xf32, #tpu.memory_space<vmem_shared>> -> memref<128xf32, #tpu.memory_space<vmem_shared>>
      %dma_start3A_199 = arith.constant 0 : i32
      %dma_start3A_200 = tpu.memref_slice %arg10[%run_scoped3A_142, %dma_start3A_199] : memref<128x128xf32, #tpu.memory_space<vmem>> -> memref<1x128xf32, #tpu.memory_space<vmem>>
      %dma_start3A_201 = tpu.memref_squeeze %dma_start3A_200 : memref<1x128xf32, #tpu.memory_space<vmem>> -> memref<128xf32, #tpu.memory_space<vmem>>
      tpu.enqueue_dma source(%dma_start3A_201 : memref<128xf32, #tpu.memory_space<vmem>>) target(%dma_start3A_198 : memref<128xf32, #tpu.memory_space<vmem_shared>>) target_semaphore(%run_scoped3A_193 : memref<!tpu.dma_semaphore, #tpu.memory_space<semaphore_mem>>)
      %dma_wait3A_202 = arith.constant 0 : i32
      %dma_wait3A_203 = tpu.memref_slice %arg10[%run_scoped3A_142, %dma_wait3A_202] : memref<128x128xf32, #tpu.memory_space<vmem>> -> memref<1x128xf32, #tpu.memory_space<vmem>>
      %dma_wait3A_204 = tpu.memref_squeeze %dma_wait3A_203 : memref<1x128xf32, #tpu.memory_space<vmem>> -> memref<128xf32, #tpu.memory_space<vmem>>
      %dma_wait3A_205 = tpu.memref_slice %arg14[%add3A_141] : memref<10240xf32, #tpu.memory_space<vmem_shared>> -> memref<128xf32, #tpu.memory_space<vmem_shared>>
      %dma_wait3A_206 = tpu.memref_slice %arg14[%add3A_141] : memref<10240xf32, #tpu.memory_space<vmem_shared>> -> memref<128xf32, #tpu.memory_space<vmem_shared>>
      %dma_wait3A_207 = arith.constant 0 : i32
      %dma_wait3A_208 = tpu.memref_slice %arg10[%run_scoped3A_142, %dma_wait3A_207] : memref<128x128xf32, #tpu.memory_space<vmem>> -> memref<1x128xf32, #tpu.memory_space<vmem>>
      %dma_wait3A_209 = tpu.memref_squeeze %dma_wait3A_208 : memref<1x128xf32, #tpu.memory_space<vmem>> -> memref<128xf32, #tpu.memory_space<vmem>>
      tpu.wait_dma2 semaphore(%run_scoped3A_193 : memref<!tpu.dma_semaphore, #tpu.memory_space<semaphore_mem>>) src(%dma_wait3A_209 : memref<128xf32, #tpu.memory_space<vmem>>) dst(%dma_wait3A_206 : memref<128xf32, #tpu.memory_space<vmem_shared>>)
      tpu.yield
    }) : () -> ()
    %mul3A_143 = arith.constant 640 : i32
    %mul3A_144 = arith.muli %arg1, %mul3A_143 : i32
    %add3A_145 = arith.constant 384 : i32
    %add3A_146 = arith.addi %mul3A_144, %add3A_145 : i32
    %run_scoped3A_147 = arith.constant 0 : i32
    "tpu.region"() ({
      %run_scoped3A_193 = tpu.sem_alloc : memref<!tpu.dma_semaphore, #tpu.memory_space<semaphore_mem>>
      %dma_start3A_194 = arith.constant 0 : i32
      %dma_start3A_195 = tpu.memref_slice %arg10[%run_scoped3A_147, %dma_start3A_194] : memref<128x128xf32, #tpu.memory_space<vmem>> -> memref<1x128xf32, #tpu.memory_space<vmem>>
      %dma_start3A_196 = tpu.memref_squeeze %dma_start3A_195 : memref<1x128xf32, #tpu.memory_space<vmem>> -> memref<128xf32, #tpu.memory_space<vmem>>
      %dma_start3A_197 = tpu.memref_slice %arg14[%add3A_146] : memref<10240xf32, #tpu.memory_space<vmem_shared>> -> memref<128xf32, #tpu.memory_space<vmem_shared>>
      %dma_start3A_198 = tpu.memref_slice %arg14[%add3A_146] : memref<10240xf32, #tpu.memory_space<vmem_shared>> -> memref<128xf32, #tpu.memory_space<vmem_shared>>
      %dma_start3A_199 = arith.constant 0 : i32
      %dma_start3A_200 = tpu.memref_slice %arg10[%run_scoped3A_147, %dma_start3A_199] : memref<128x128xf32, #tpu.memory_space<vmem>> -> memref<1x128xf32, #tpu.memory_space<vmem>>
      %dma_start3A_201 = tpu.memref_squeeze %dma_start3A_200 : memref<1x128xf32, #tpu.memory_space<vmem>> -> memref<128xf32, #tpu.memory_space<vmem>>
      tpu.enqueue_dma source(%dma_start3A_201 : memref<128xf32, #tpu.memory_space<vmem>>) target(%dma_start3A_198 : memref<128xf32, #tpu.memory_space<vmem_shared>>) target_semaphore(%run_scoped3A_193 : memref<!tpu.dma_semaphore, #tpu.memory_space<semaphore_mem>>)
      %dma_wait3A_202 = arith.constant 0 : i32
      %dma_wait3A_203 = tpu.memref_slice %arg10[%run_scoped3A_147, %dma_wait3A_202] : memref<128x128xf32, #tpu.memory_space<vmem>> -> memref<1x128xf32, #tpu.memory_space<vmem>>
      %dma_wait3A_204 = tpu.memref_squeeze %dma_wait3A_203 : memref<1x128xf32, #tpu.memory_space<vmem>> -> memref<128xf32, #tpu.memory_space<vmem>>
      %dma_wait3A_205 = tpu.memref_slice %arg14[%add3A_146] : memref<10240xf32, #tpu.memory_space<vmem_shared>> -> memref<128xf32, #tpu.memory_space<vmem_shared>>
      %dma_wait3A_206 = tpu.memref_slice %arg14[%add3A_146] : memref<10240xf32, #tpu.memory_space<vmem_shared>> -> memref<128xf32, #tpu.memory_space<vmem_shared>>
      %dma_wait3A_207 = arith.constant 0 : i32
      %dma_wait3A_208 = tpu.memref_slice %arg10[%run_scoped3A_147, %dma_wait3A_207] : memref<128x128xf32, #tpu.memory_space<vmem>> -> memref<1x128xf32, #tpu.memory_space<vmem>>
      %dma_wait3A_209 = tpu.memref_squeeze %dma_wait3A_208 : memref<1x128xf32, #tpu.memory_space<vmem>> -> memref<128xf32, #tpu.memory_space<vmem>>
      tpu.wait_dma2 semaphore(%run_scoped3A_193 : memref<!tpu.dma_semaphore, #tpu.memory_space<semaphore_mem>>) src(%dma_wait3A_209 : memref<128xf32, #tpu.memory_space<vmem>>) dst(%dma_wait3A_206 : memref<128xf32, #tpu.memory_space<vmem_shared>>)
      tpu.yield
    }) : () -> ()
    %mul3A_148 = arith.constant 640 : i32
    %mul3A_149 = arith.muli %arg1, %mul3A_148 : i32
    %add3A_150 = arith.constant 512 : i32
    %add3A_151 = arith.addi %mul3A_149, %add3A_150 : i32
    %run_scoped3A_152 = arith.constant 0 : i32
    "tpu.region"() ({
      %run_scoped3A_193 = tpu.sem_alloc : memref<!tpu.dma_semaphore, #tpu.memory_space<semaphore_mem>>
      %dma_start3A_194 = arith.constant 0 : i32
      %dma_start3A_195 = tpu.memref_slice %arg10[%run_scoped3A_152, %dma_start3A_194] : memref<128x128xf32, #tpu.memory_space<vmem>> -> memref<1x128xf32, #tpu.memory_space<vmem>>
      %dma_start3A_196 = tpu.memref_squeeze %dma_start3A_195 : memref<1x128xf32, #tpu.memory_space<vmem>> -> memref<128xf32, #tpu.memory_space<vmem>>
      %dma_start3A_197 = tpu.memref_slice %arg14[%add3A_151] : memref<10240xf32, #tpu.memory_space<vmem_shared>> -> memref<128xf32, #tpu.memory_space<vmem_shared>>
      %dma_start3A_198 = tpu.memref_slice %arg14[%add3A_151] : memref<10240xf32, #tpu.memory_space<vmem_shared>> -> memref<128xf32, #tpu.memory_space<vmem_shared>>
      %dma_start3A_199 = arith.constant 0 : i32
      %dma_start3A_200 = tpu.memref_slice %arg10[%run_scoped3A_152, %dma_start3A_199] : memref<128x128xf32, #tpu.memory_space<vmem>> -> memref<1x128xf32, #tpu.memory_space<vmem>>
      %dma_start3A_201 = tpu.memref_squeeze %dma_start3A_200 : memref<1x128xf32, #tpu.memory_space<vmem>> -> memref<128xf32, #tpu.memory_space<vmem>>
      tpu.enqueue_dma source(%dma_start3A_201 : memref<128xf32, #tpu.memory_space<vmem>>) target(%dma_start3A_198 : memref<128xf32, #tpu.memory_space<vmem_shared>>) target_semaphore(%run_scoped3A_193 : memref<!tpu.dma_semaphore, #tpu.memory_space<semaphore_mem>>)
      %dma_wait3A_202 = arith.constant 0 : i32
      %dma_wait3A_203 = tpu.memref_slice %arg10[%run_scoped3A_152, %dma_wait3A_202] : memref<128x128xf32, #tpu.memory_space<vmem>> -> memref<1x128xf32, #tpu.memory_space<vmem>>
      %dma_wait3A_204 = tpu.memref_squeeze %dma_wait3A_203 : memref<1x128xf32, #tpu.memory_space<vmem>> -> memref<128xf32, #tpu.memory_space<vmem>>
      %dma_wait3A_205 = tpu.memref_slice %arg14[%add3A_151] : memref<10240xf32, #tpu.memory_space<vmem_shared>> -> memref<128xf32, #tpu.memory_space<vmem_shared>>
      %dma_wait3A_206 = tpu.memref_slice %arg14[%add3A_151] : memref<10240xf32, #tpu.memory_space<vmem_shared>> -> memref<128xf32, #tpu.memory_space<vmem_shared>>
      %dma_wait3A_207 = arith.constant 0 : i32
      %dma_wait3A_208 = tpu.memref_slice %arg10[%run_scoped3A_152, %dma_wait3A_207] : memref<128x128xf32, #tpu.memory_space<vmem>> -> memref<1x128xf32, #tpu.memory_space<vmem>>
      %dma_wait3A_209 = tpu.memref_squeeze %dma_wait3A_208 : memref<1x128xf32, #tpu.memory_space<vmem>> -> memref<128xf32, #tpu.memory_space<vmem>>
      tpu.wait_dma2 semaphore(%run_scoped3A_193 : memref<!tpu.dma_semaphore, #tpu.memory_space<semaphore_mem>>) src(%dma_wait3A_209 : memref<128xf32, #tpu.memory_space<vmem>>) dst(%dma_wait3A_206 : memref<128xf32, #tpu.memory_space<vmem_shared>>)
      tpu.yield
    }) : () -> ()
    %barrier3A = arith.constant 0 : index
    tpu.barrier barrier_id(%barrier3A)
    %dma_start3A = arith.constant 0 : i32
    %dma_start3A_153 = arith.constant 0 : i32
    %dma_start3A_154 = tpu.memref_slice %arg8[%dma_start3A, %dma_start3A_153] : memref<81x128xi32, #tpu.memory_space<vmem>> -> memref<1x128xi32, #tpu.memory_space<vmem>>
    %dma_start3A_155 = tpu.memref_squeeze %dma_start3A_154 : memref<1x128xi32, #tpu.memory_space<vmem>> -> memref<128xi32, #tpu.memory_space<vmem>>
    %dma_start3A_156 = arith.constant 0 : i32
    %dma_start3A_157 = arith.constant 0 : i32
    %dma_start3A_158 = tpu.memref_slice %arg2[%dma_start3A_156, %dma_start3A_157] : memref<10000x128xf32, #tpu.memory_space<hbm>> -> memref<10000x128xf32, #tpu.memory_space<hbm>>
    tpu.enqueue_indirect_dma source(%dma_start3A_158 : memref<10000x128xf32, #tpu.memory_space<hbm>>) target(%arg10 : memref<128x128xf32, #tpu.memory_space<vmem>>) offsets(%dma_start3A_155 : memref<128xi32, #tpu.memory_space<vmem>>) semaphore(%arg15 : memref<!tpu.dma_semaphore, #tpu.memory_space<semaphore_mem>>)
    %scan3A_159 = arith.constant 0 : i32
    %scan3A_160 = arith.constant 0 : i32
    %scan3A_161 = arith.constant 20 : i32
    %scan3A_162 = arith.addi %scan3A_160, %scan3A_161 : i32
    %scan3A_163 = arith.constant 1 : i32
    scf.for %scan3A_193 = %scan3A_160 to %scan3A_162 step %scan3A_163  : i32 {
      %mul3A_194 = arith.constant 2 : i32
      %mul3A_195 = arith.muli %mul3A_194, %scan3A_193 : i32
      %add3A_196 = arith.constant 1 : i32
      %add3A_197 = arith.addi %mul3A_195, %add3A_196 : i32
      %dma_start3A_198 = arith.constant 0 : i32
      %dma_start3A_199 = tpu.memref_slice %arg8[%add3A_197, %dma_start3A_198] : memref<81x128xi32, #tpu.memory_space<vmem>> -> memref<1x128xi32, #tpu.memory_space<vmem>>
      %dma_start3A_200 = tpu.memref_squeeze %dma_start3A_199 : memref<1x128xi32, #tpu.memory_space<vmem>> -> memref<128xi32, #tpu.memory_space<vmem>>
      %dma_start3A_201 = arith.constant 0 : i32
      %dma_start3A_202 = arith.constant 0 : i32
      %dma_start3A_203 = tpu.memref_slice %arg2[%dma_start3A_201, %dma_start3A_202] : memref<10000x128xf32, #tpu.memory_space<hbm>> -> memref<10000x128xf32, #tpu.memory_space<hbm>>
      tpu.enqueue_indirect_dma source(%dma_start3A_203 : memref<10000x128xf32, #tpu.memory_space<hbm>>) target(%arg11 : memref<128x128xf32, #tpu.memory_space<vmem>>) offsets(%dma_start3A_200 : memref<128xi32, #tpu.memory_space<vmem>>) semaphore(%arg16 : memref<!tpu.dma_semaphore, #tpu.memory_space<semaphore_mem>>)
      %dma_wait3A_204 = arith.constant 0 : i32
      %dma_wait3A_205 = tpu.memref_slice %arg8[%mul3A_195, %dma_wait3A_204] : memref<81x128xi32, #tpu.memory_space<vmem>> -> memref<1x128xi32, #tpu.memory_space<vmem>>
      %dma_wait3A_206 = tpu.memref_squeeze %dma_wait3A_205 : memref<1x128xi32, #tpu.memory_space<vmem>> -> memref<128xi32, #tpu.memory_space<vmem>>
      %dma_wait3A_207 = arith.constant 0 : i32
      %dma_wait3A_208 = arith.constant 0 : i32
      %dma_wait3A_209 = tpu.memref_slice %arg2[%dma_wait3A_207, %dma_wait3A_208] : memref<10000x128xf32, #tpu.memory_space<hbm>> -> memref<10000x128xf32, #tpu.memory_space<hbm>>
      tpu.wait_indirect_dma semaphore(%arg15 : memref<!tpu.dma_semaphore, #tpu.memory_space<semaphore_mem>>) src(%dma_wait3A_209 : memref<10000x128xf32, #tpu.memory_space<hbm>>) dst(%arg10 : memref<128x128xf32, #tpu.memory_space<vmem>>)
      %sub3A_210 = arith.constant 0 : i32
      %sub3A_211 = arith.subi %mul3A_195, %sub3A_210 : i32
      "tpu.region"() ({
        %run_scoped3A_238 = tpu.sem_alloc : memref<!tpu.dma_semaphore, #tpu.memory_space<semaphore_mem>>
        %dma_start3A_239 = arith.constant 0 : i32
        %dma_start3A_240 = tpu.memref_slice %arg9[%sub3A_211, %dma_start3A_239] : memref<40x128xi32, #tpu.memory_space<vmem>> -> memref<1x128xi32, #tpu.memory_space<vmem>>
        %dma_start3A_241 = tpu.memref_squeeze %dma_start3A_240 : memref<1x128xi32, #tpu.memory_space<vmem>> -> memref<128xi32, #tpu.memory_space<vmem>>
        %dma_start3A_242 = arith.constant 0 : i32
        %dma_start3A_243 = arith.constant 0 : i32
        %dma_start3A_244 = tpu.memref_slice %arg13[%dma_start3A_242, %dma_start3A_243] : memref<10112x128xf32, #tpu.memory_space<vmem_shared>> -> memref<10112x128xf32, #tpu.memory_space<vmem_shared>>
        tpu.enqueue_indirect_dma source(%arg10 : memref<128x128xf32, #tpu.memory_space<vmem>>) target(%dma_start3A_244 : memref<10112x128xf32, #tpu.memory_space<vmem_shared>>) offsets(%dma_start3A_241 : memref<128xi32, #tpu.memory_space<vmem>>) semaphore(%run_scoped3A_238 : memref<!tpu.dma_semaphore, #tpu.memory_space<semaphore_mem>>) {add = true}
        %dma_wait3A_245 = arith.constant 0 : i32
        %dma_wait3A_246 = tpu.memref_slice %arg9[%sub3A_211, %dma_wait3A_245] : memref<40x128xi32, #tpu.memory_space<vmem>> -> memref<1x128xi32, #tpu.memory_space<vmem>>
        %dma_wait3A_247 = tpu.memref_squeeze %dma_wait3A_246 : memref<1x128xi32, #tpu.memory_space<vmem>> -> memref<128xi32, #tpu.memory_space<vmem>>
        %dma_wait3A_248 = arith.constant 0 : i32
        %dma_wait3A_249 = arith.constant 0 : i32
        %dma_wait3A_250 = tpu.memref_slice %arg13[%dma_wait3A_248, %dma_wait3A_249] : memref<10112x128xf32, #tpu.memory_space<vmem_shared>> -> memref<10112x128xf32, #tpu.memory_space<vmem_shared>>
        tpu.wait_indirect_dma semaphore(%run_scoped3A_238 : memref<!tpu.dma_semaphore, #tpu.memory_space<semaphore_mem>>) src(%arg10 : memref<128x128xf32, #tpu.memory_space<vmem>>) dst(%dma_wait3A_250 : memref<10112x128xf32, #tpu.memory_space<vmem_shared>>)
        tpu.yield
      }) : () -> ()
      %sub3A_212 = arith.constant 0 : i32
      %sub3A_213 = arith.subi %mul3A_195, %sub3A_212 : i32
      "tpu.region"() ({
        %run_scoped3A_238 = tpu.sem_alloc : memref<!tpu.dma_semaphore, #tpu.memory_space<semaphore_mem>>
        %dma_start3A_239 = arith.constant 0 : i32
        %dma_start3A_240 = tpu.memref_slice %arg9[%sub3A_213, %dma_start3A_239] : memref<40x128xi32, #tpu.memory_space<vmem>> -> memref<1x128xi32, #tpu.memory_space<vmem>>
        %dma_start3A_241 = tpu.memref_squeeze %dma_start3A_240 : memref<1x128xi32, #tpu.memory_space<vmem>> -> memref<128xi32, #tpu.memory_space<vmem>>
        %dma_start3A_242 = arith.constant 0 : i32
        %dma_start3A_243 = tpu.memref_slice %arg14[%dma_start3A_242] : memref<10240xf32, #tpu.memory_space<vmem_shared>> -> memref<10240xf32, #tpu.memory_space<vmem_shared>>
        tpu.enqueue_indirect_dma source(%arg12 : memref<128xf32, #tpu.memory_space<vmem>>) target(%dma_start3A_243 : memref<10240xf32, #tpu.memory_space<vmem_shared>>) offsets(%dma_start3A_241 : memref<128xi32, #tpu.memory_space<vmem>>) semaphore(%run_scoped3A_238 : memref<!tpu.dma_semaphore, #tpu.memory_space<semaphore_mem>>) {add = true}
        %dma_wait3A_244 = arith.constant 0 : i32
        %dma_wait3A_245 = tpu.memref_slice %arg9[%sub3A_213, %dma_wait3A_244] : memref<40x128xi32, #tpu.memory_space<vmem>> -> memref<1x128xi32, #tpu.memory_space<vmem>>
        %dma_wait3A_246 = tpu.memref_squeeze %dma_wait3A_245 : memref<1x128xi32, #tpu.memory_space<vmem>> -> memref<128xi32, #tpu.memory_space<vmem>>
        %dma_wait3A_247 = arith.constant 0 : i32
        %dma_wait3A_248 = tpu.memref_slice %arg14[%dma_wait3A_247] : memref<10240xf32, #tpu.memory_space<vmem_shared>> -> memref<10240xf32, #tpu.memory_space<vmem_shared>>
        tpu.wait_indirect_dma semaphore(%run_scoped3A_238 : memref<!tpu.dma_semaphore, #tpu.memory_space<semaphore_mem>>) src(%arg12 : memref<128xf32, #tpu.memory_space<vmem>>) dst(%dma_wait3A_248 : memref<10240xf32, #tpu.memory_space<vmem_shared>>)
        tpu.yield
      }) : () -> ()
      %add3A_214 = arith.constant 2 : i32
      %add3A_215 = arith.addi %mul3A_195, %add3A_214 : i32
      %dma_start3A_216 = arith.constant 0 : i32
      %dma_start3A_217 = tpu.memref_slice %arg8[%add3A_215, %dma_start3A_216] : memref<81x128xi32, #tpu.memory_space<vmem>> -> memref<1x128xi32, #tpu.memory_space<vmem>>
      %dma_start3A_218 = tpu.memref_squeeze %dma_start3A_217 : memref<1x128xi32, #tpu.memory_space<vmem>> -> memref<128xi32, #tpu.memory_space<vmem>>
      %dma_start3A_219 = arith.constant 0 : i32
      %dma_start3A_220 = arith.constant 0 : i32
      %dma_start3A_221 = tpu.memref_slice %arg2[%dma_start3A_219, %dma_start3A_220] : memref<10000x128xf32, #tpu.memory_space<hbm>> -> memref<10000x128xf32, #tpu.memory_space<hbm>>
      tpu.enqueue_indirect_dma source(%dma_start3A_221 : memref<10000x128xf32, #tpu.memory_space<hbm>>) target(%arg10 : memref<128x128xf32, #tpu.memory_space<vmem>>) offsets(%dma_start3A_218 : memref<128xi32, #tpu.memory_space<vmem>>) semaphore(%arg15 : memref<!tpu.dma_semaphore, #tpu.memory_space<semaphore_mem>>)
      %add3A_222 = arith.constant 1 : i32
      %add3A_223 = arith.addi %mul3A_195, %add3A_222 : i32
      %dma_wait3A_224 = arith.constant 0 : i32
      %dma_wait3A_225 = tpu.memref_slice %arg8[%add3A_223, %dma_wait3A_224] : memref<81x128xi32, #tpu.memory_space<vmem>> -> memref<1x128xi32, #tpu.memory_space<vmem>>
      %dma_wait3A_226 = tpu.memref_squeeze %dma_wait3A_225 : memref<1x128xi32, #tpu.memory_space<vmem>> -> memref<128xi32, #tpu.memory_space<vmem>>
      %dma_wait3A_227 = arith.constant 0 : i32
      %dma_wait3A_228 = arith.constant 0 : i32
      %dma_wait3A_229 = tpu.memref_slice %arg2[%dma_wait3A_227, %dma_wait3A_228] : memref<10000x128xf32, #tpu.memory_space<hbm>> -> memref<10000x128xf32, #tpu.memory_space<hbm>>
      tpu.wait_indirect_dma semaphore(%arg16 : memref<!tpu.dma_semaphore, #tpu.memory_space<semaphore_mem>>) src(%dma_wait3A_229 : memref<10000x128xf32, #tpu.memory_space<hbm>>) dst(%arg11 : memref<128x128xf32, #tpu.memory_space<vmem>>)
      %add3A_230 = arith.constant 1 : i32
      %add3A_231 = arith.addi %mul3A_195, %add3A_230 : i32
      %sub3A_232 = arith.constant 0 : i32
      %sub3A_233 = arith.subi %add3A_231, %sub3A_232 : i32
      "tpu.region"() ({
        %run_scoped3A_238 = tpu.sem_alloc : memref<!tpu.dma_semaphore, #tpu.memory_space<semaphore_mem>>
        %dma_start3A_239 = arith.constant 0 : i32
        %dma_start3A_240 = tpu.memref_slice %arg9[%sub3A_233, %dma_start3A_239] : memref<40x128xi32, #tpu.memory_space<vmem>> -> memref<1x128xi32, #tpu.memory_space<vmem>>
        %dma_start3A_241 = tpu.memref_squeeze %dma_start3A_240 : memref<1x128xi32, #tpu.memory_space<vmem>> -> memref<128xi32, #tpu.memory_space<vmem>>
        %dma_start3A_242 = arith.constant 0 : i32
        %dma_start3A_243 = arith.constant 0 : i32
        %dma_start3A_244 = tpu.memref_slice %arg13[%dma_start3A_242, %dma_start3A_243] : memref<10112x128xf32, #tpu.memory_space<vmem_shared>> -> memref<10112x128xf32, #tpu.memory_space<vmem_shared>>
        tpu.enqueue_indirect_dma source(%arg11 : memref<128x128xf32, #tpu.memory_space<vmem>>) target(%dma_start3A_244 : memref<10112x128xf32, #tpu.memory_space<vmem_shared>>) offsets(%dma_start3A_241 : memref<128xi32, #tpu.memory_space<vmem>>) semaphore(%run_scoped3A_238 : memref<!tpu.dma_semaphore, #tpu.memory_space<semaphore_mem>>) {add = true}
        %dma_wait3A_245 = arith.constant 0 : i32
        %dma_wait3A_246 = tpu.memref_slice %arg9[%sub3A_233, %dma_wait3A_245] : memref<40x128xi32, #tpu.memory_space<vmem>> -> memref<1x128xi32, #tpu.memory_space<vmem>>
        %dma_wait3A_247 = tpu.memref_squeeze %dma_wait3A_246 : memref<1x128xi32, #tpu.memory_space<vmem>> -> memref<128xi32, #tpu.memory_space<vmem>>
        %dma_wait3A_248 = arith.constant 0 : i32
        %dma_wait3A_249 = arith.constant 0 : i32
        %dma_wait3A_250 = tpu.memref_slice %arg13[%dma_wait3A_248, %dma_wait3A_249] : memref<10112x128xf32, #tpu.memory_space<vmem_shared>> -> memref<10112x128xf32, #tpu.memory_space<vmem_shared>>
        tpu.wait_indirect_dma semaphore(%run_scoped3A_238 : memref<!tpu.dma_semaphore, #tpu.memory_space<semaphore_mem>>) src(%arg11 : memref<128x128xf32, #tpu.memory_space<vmem>>) dst(%dma_wait3A_250 : memref<10112x128xf32, #tpu.memory_space<vmem_shared>>)
        tpu.yield
      }) : () -> ()
      %add3A_234 = arith.constant 1 : i32
      %add3A_235 = arith.addi %mul3A_195, %add3A_234 : i32
      %sub3A_236 = arith.constant 0 : i32
      %sub3A_237 = arith.subi %add3A_235, %sub3A_236 : i32
      "tpu.region"() ({
        %run_scoped3A_238 = tpu.sem_alloc : memref<!tpu.dma_semaphore, #tpu.memory_space<semaphore_mem>>
        %dma_start3A_239 = arith.constant 0 : i32
        %dma_start3A_240 = tpu.memref_slice %arg9[%sub3A_237, %dma_start3A_239] : memref<40x128xi32, #tpu.memory_space<vmem>> -> memref<1x128xi32, #tpu.memory_space<vmem>>
        %dma_start3A_241 = tpu.memref_squeeze %dma_start3A_240 : memref<1x128xi32, #tpu.memory_space<vmem>> -> memref<128xi32, #tpu.memory_space<vmem>>
        %dma_start3A_242 = arith.constant 0 : i32
        %dma_start3A_243 = tpu.memref_slice %arg14[%dma_start3A_242] : memref<10240xf32, #tpu.memory_space<vmem_shared>> -> memref<10240xf32, #tpu.memory_space<vmem_shared>>
        tpu.enqueue_indirect_dma source(%arg12 : memref<128xf32, #tpu.memory_space<vmem>>) target(%dma_start3A_243 : memref<10240xf32, #tpu.memory_space<vmem_shared>>) offsets(%dma_start3A_241 : memref<128xi32, #tpu.memory_space<vmem>>) semaphore(%run_scoped3A_238 : memref<!tpu.dma_semaphore, #tpu.memory_space<semaphore_mem>>) {add = true}
        %dma_wait3A_244 = arith.constant 0 : i32
        %dma_wait3A_245 = tpu.memref_slice %arg9[%sub3A_237, %dma_wait3A_244] : memref<40x128xi32, #tpu.memory_space<vmem>> -> memref<1x128xi32, #tpu.memory_space<vmem>>
        %dma_wait3A_246 = tpu.memref_squeeze %dma_wait3A_245 : memref<1x128xi32, #tpu.memory_space<vmem>> -> memref<128xi32, #tpu.memory_space<vmem>>
        %dma_wait3A_247 = arith.constant 0 : i32
        %dma_wait3A_248 = tpu.memref_slice %arg14[%dma_wait3A_247] : memref<10240xf32, #tpu.memory_space<vmem_shared>> -> memref<10240xf32, #tpu.memory_space<vmem_shared>>
        tpu.wait_indirect_dma semaphore(%run_scoped3A_238 : memref<!tpu.dma_semaphore, #tpu.memory_space<semaphore_mem>>) src(%arg12 : memref<128xf32, #tpu.memory_space<vmem>>) dst(%dma_wait3A_248 : memref<10240xf32, #tpu.memory_space<vmem_shared>>)
        tpu.yield
      }) : () -> ()
    }
    %scan3A_164 = arith.constant 20 : i32
    %mul3A_165 = arith.constant 80 : i32
    %mul3A_166 = arith.muli %add3A, %mul3A_165 : i32
    %add3A_167 = arith.constant 40 : i32
    %add3A_168 = arith.addi %mul3A_166, %add3A_167 : i32
    "tpu.region"() ({
      %run_scoped3A_193 = tpu.sem_alloc : memref<!tpu.dma_semaphore, #tpu.memory_space<semaphore_mem>>
      %dma_start3A_194 = arith.constant 0 : i32
      %dma_start3A_195 = tpu.memref_slice %arg4[%add3A_168, %dma_start3A_194] : memref<2560x128xi32, #tpu.memory_space<hbm>> -> memref<40x128xi32, #tpu.memory_space<hbm>>
      %dma_start3A_196 = arith.constant 0 : i32
      %dma_start3A_197 = tpu.memref_slice %arg4[%add3A_168, %dma_start3A_196] : memref<2560x128xi32, #tpu.memory_space<hbm>> -> memref<40x128xi32, #tpu.memory_space<hbm>>
      tpu.enqueue_dma source(%dma_start3A_197 : memref<40x128xi32, #tpu.memory_space<hbm>>) target(%arg9 : memref<40x128xi32, #tpu.memory_space<vmem>>) target_semaphore(%run_scoped3A_193 : memref<!tpu.dma_semaphore, #tpu.memory_space<semaphore_mem>>)
      %dma_wait3A_198 = arith.constant 0 : i32
      %dma_wait3A_199 = tpu.memref_slice %arg4[%add3A_168, %dma_wait3A_198] : memref<2560x128xi32, #tpu.memory_space<hbm>> -> memref<40x128xi32, #tpu.memory_space<hbm>>
      %dma_wait3A_200 = arith.constant 0 : i32
      %dma_wait3A_201 = tpu.memref_slice %arg4[%add3A_168, %dma_wait3A_200] : memref<2560x128xi32, #tpu.memory_space<hbm>> -> memref<40x128xi32, #tpu.memory_space<hbm>>
      tpu.wait_dma2 semaphore(%run_scoped3A_193 : memref<!tpu.dma_semaphore, #tpu.memory_space<semaphore_mem>>) src(%dma_wait3A_201 : memref<40x128xi32, #tpu.memory_space<hbm>>) dst(%arg9 : memref<40x128xi32, #tpu.memory_space<vmem>>)
      tpu.yield
    }) : () -> ()
    %scan3A_169 = arith.constant 0 : i32
    %scan3A_170 = arith.constant 20 : i32
    %scan3A_171 = arith.constant 20 : i32
    %scan3A_172 = arith.addi %scan3A_170, %scan3A_171 : i32
    %scan3A_173 = arith.constant 1 : i32
    scf.for %scan3A_193 = %scan3A_170 to %scan3A_172 step %scan3A_173  : i32 {
      %mul3A_194 = arith.constant 2 : i32
      %mul3A_195 = arith.muli %mul3A_194, %scan3A_193 : i32
      %add3A_196 = arith.constant 1 : i32
      %add3A_197 = arith.addi %mul3A_195, %add3A_196 : i32
      %dma_start3A_198 = arith.constant 0 : i32
      %dma_start3A_199 = tpu.memref_slice %arg8[%add3A_197, %dma_start3A_198] : memref<81x128xi32, #tpu.memory_space<vmem>> -> memref<1x128xi32, #tpu.memory_space<vmem>>
      %dma_start3A_200 = tpu.memref_squeeze %dma_start3A_199 : memref<1x128xi32, #tpu.memory_space<vmem>> -> memref<128xi32, #tpu.memory_space<vmem>>
      %dma_start3A_201 = arith.constant 0 : i32
      %dma_start3A_202 = arith.constant 0 : i32
      %dma_start3A_203 = tpu.memref_slice %arg2[%dma_start3A_201, %dma_start3A_202] : memref<10000x128xf32, #tpu.memory_space<hbm>> -> memref<10000x128xf32, #tpu.memory_space<hbm>>
      tpu.enqueue_indirect_dma source(%dma_start3A_203 : memref<10000x128xf32, #tpu.memory_space<hbm>>) target(%arg11 : memref<128x128xf32, #tpu.memory_space<vmem>>) offsets(%dma_start3A_200 : memref<128xi32, #tpu.memory_space<vmem>>) semaphore(%arg16 : memref<!tpu.dma_semaphore, #tpu.memory_space<semaphore_mem>>)
      %dma_wait3A_204 = arith.constant 0 : i32
      %dma_wait3A_205 = tpu.memref_slice %arg8[%mul3A_195, %dma_wait3A_204] : memref<81x128xi32, #tpu.memory_space<vmem>> -> memref<1x128xi32, #tpu.memory_space<vmem>>
      %dma_wait3A_206 = tpu.memref_squeeze %dma_wait3A_205 : memref<1x128xi32, #tpu.memory_space<vmem>> -> memref<128xi32, #tpu.memory_space<vmem>>
      %dma_wait3A_207 = arith.constant 0 : i32
      %dma_wait3A_208 = arith.constant 0 : i32
      %dma_wait3A_209 = tpu.memref_slice %arg2[%dma_wait3A_207, %dma_wait3A_208] : memref<10000x128xf32, #tpu.memory_space<hbm>> -> memref<10000x128xf32, #tpu.memory_space<hbm>>
      tpu.wait_indirect_dma semaphore(%arg15 : memref<!tpu.dma_semaphore, #tpu.memory_space<semaphore_mem>>) src(%dma_wait3A_209 : memref<10000x128xf32, #tpu.memory_space<hbm>>) dst(%arg10 : memref<128x128xf32, #tpu.memory_space<vmem>>)
      %sub3A_210 = arith.constant 40 : i32
      %sub3A_211 = arith.subi %mul3A_195, %sub3A_210 : i32
      "tpu.region"() ({
        %run_scoped3A_238 = tpu.sem_alloc : memref<!tpu.dma_semaphore, #tpu.memory_space<semaphore_mem>>
        %dma_start3A_239 = arith.constant 0 : i32
        %dma_start3A_240 = tpu.memref_slice %arg9[%sub3A_211, %dma_start3A_239] : memref<40x128xi32, #tpu.memory_space<vmem>> -> memref<1x128xi32, #tpu.memory_space<vmem>>
        %dma_start3A_241 = tpu.memref_squeeze %dma_start3A_240 : memref<1x128xi32, #tpu.memory_space<vmem>> -> memref<128xi32, #tpu.memory_space<vmem>>
        %dma_start3A_242 = arith.constant 0 : i32
        %dma_start3A_243 = arith.constant 0 : i32
        %dma_start3A_244 = tpu.memref_slice %arg13[%dma_start3A_242, %dma_start3A_243] : memref<10112x128xf32, #tpu.memory_space<vmem_shared>> -> memref<10112x128xf32, #tpu.memory_space<vmem_shared>>
        tpu.enqueue_indirect_dma source(%arg10 : memref<128x128xf32, #tpu.memory_space<vmem>>) target(%dma_start3A_244 : memref<10112x128xf32, #tpu.memory_space<vmem_shared>>) offsets(%dma_start3A_241 : memref<128xi32, #tpu.memory_space<vmem>>) semaphore(%run_scoped3A_238 : memref<!tpu.dma_semaphore, #tpu.memory_space<semaphore_mem>>) {add = true}
        %dma_wait3A_245 = arith.constant 0 : i32
        %dma_wait3A_246 = tpu.memref_slice %arg9[%sub3A_211, %dma_wait3A_245] : memref<40x128xi32, #tpu.memory_space<vmem>> -> memref<1x128xi32, #tpu.memory_space<vmem>>
        %dma_wait3A_247 = tpu.memref_squeeze %dma_wait3A_246 : memref<1x128xi32, #tpu.memory_space<vmem>> -> memref<128xi32, #tpu.memory_space<vmem>>
        %dma_wait3A_248 = arith.constant 0 : i32
        %dma_wait3A_249 = arith.constant 0 : i32
        %dma_wait3A_250 = tpu.memref_slice %arg13[%dma_wait3A_248, %dma_wait3A_249] : memref<10112x128xf32, #tpu.memory_space<vmem_shared>> -> memref<10112x128xf32, #tpu.memory_space<vmem_shared>>
        tpu.wait_indirect_dma semaphore(%run_scoped3A_238 : memref<!tpu.dma_semaphore, #tpu.memory_space<semaphore_mem>>) src(%arg10 : memref<128x128xf32, #tpu.memory_space<vmem>>) dst(%dma_wait3A_250 : memref<10112x128xf32, #tpu.memory_space<vmem_shared>>)
        tpu.yield
      }) : () -> ()
      %sub3A_212 = arith.constant 40 : i32
      %sub3A_213 = arith.subi %mul3A_195, %sub3A_212 : i32
      "tpu.region"() ({
        %run_scoped3A_238 = tpu.sem_alloc : memref<!tpu.dma_semaphore, #tpu.memory_space<semaphore_mem>>
        %dma_start3A_239 = arith.constant 0 : i32
        %dma_start3A_240 = tpu.memref_slice %arg9[%sub3A_213, %dma_start3A_239] : memref<40x128xi32, #tpu.memory_space<vmem>> -> memref<1x128xi32, #tpu.memory_space<vmem>>
        %dma_start3A_241 = tpu.memref_squeeze %dma_start3A_240 : memref<1x128xi32, #tpu.memory_space<vmem>> -> memref<128xi32, #tpu.memory_space<vmem>>
        %dma_start3A_242 = arith.constant 0 : i32
        %dma_start3A_243 = tpu.memref_slice %arg14[%dma_start3A_242] : memref<10240xf32, #tpu.memory_space<vmem_shared>> -> memref<10240xf32, #tpu.memory_space<vmem_shared>>
        tpu.enqueue_indirect_dma source(%arg12 : memref<128xf32, #tpu.memory_space<vmem>>) target(%dma_start3A_243 : memref<10240xf32, #tpu.memory_space<vmem_shared>>) offsets(%dma_start3A_241 : memref<128xi32, #tpu.memory_space<vmem>>) semaphore(%run_scoped3A_238 : memref<!tpu.dma_semaphore, #tpu.memory_space<semaphore_mem>>) {add = true}
        %dma_wait3A_244 = arith.constant 0 : i32
        %dma_wait3A_245 = tpu.memref_slice %arg9[%sub3A_213, %dma_wait3A_244] : memref<40x128xi32, #tpu.memory_space<vmem>> -> memref<1x128xi32, #tpu.memory_space<vmem>>
        %dma_wait3A_246 = tpu.memref_squeeze %dma_wait3A_245 : memref<1x128xi32, #tpu.memory_space<vmem>> -> memref<128xi32, #tpu.memory_space<vmem>>
        %dma_wait3A_247 = arith.constant 0 : i32
        %dma_wait3A_248 = tpu.memref_slice %arg14[%dma_wait3A_247] : memref<10240xf32, #tpu.memory_space<vmem_shared>> -> memref<10240xf32, #tpu.memory_space<vmem_shared>>
        tpu.wait_indirect_dma semaphore(%run_scoped3A_238 : memref<!tpu.dma_semaphore, #tpu.memory_space<semaphore_mem>>) src(%arg12 : memref<128xf32, #tpu.memory_space<vmem>>) dst(%dma_wait3A_248 : memref<10240xf32, #tpu.memory_space<vmem_shared>>)
        tpu.yield
      }) : () -> ()
      %add3A_214 = arith.constant 2 : i32
      %add3A_215 = arith.addi %mul3A_195, %add3A_214 : i32
      %dma_start3A_216 = arith.constant 0 : i32
      %dma_start3A_217 = tpu.memref_slice %arg8[%add3A_215, %dma_start3A_216] : memref<81x128xi32, #tpu.memory_space<vmem>> -> memref<1x128xi32, #tpu.memory_space<vmem>>
      %dma_start3A_218 = tpu.memref_squeeze %dma_start3A_217 : memref<1x128xi32, #tpu.memory_space<vmem>> -> memref<128xi32, #tpu.memory_space<vmem>>
      %dma_start3A_219 = arith.constant 0 : i32
      %dma_start3A_220 = arith.constant 0 : i32
      %dma_start3A_221 = tpu.memref_slice %arg2[%dma_start3A_219, %dma_start3A_220] : memref<10000x128xf32, #tpu.memory_space<hbm>> -> memref<10000x128xf32, #tpu.memory_space<hbm>>
      tpu.enqueue_indirect_dma source(%dma_start3A_221 : memref<10000x128xf32, #tpu.memory_space<hbm>>) target(%arg10 : memref<128x128xf32, #tpu.memory_space<vmem>>) offsets(%dma_start3A_218 : memref<128xi32, #tpu.memory_space<vmem>>) semaphore(%arg15 : memref<!tpu.dma_semaphore, #tpu.memory_space<semaphore_mem>>)
      %add3A_222 = arith.constant 1 : i32
      %add3A_223 = arith.addi %mul3A_195, %add3A_222 : i32
      %dma_wait3A_224 = arith.constant 0 : i32
      %dma_wait3A_225 = tpu.memref_slice %arg8[%add3A_223, %dma_wait3A_224] : memref<81x128xi32, #tpu.memory_space<vmem>> -> memref<1x128xi32, #tpu.memory_space<vmem>>
      %dma_wait3A_226 = tpu.memref_squeeze %dma_wait3A_225 : memref<1x128xi32, #tpu.memory_space<vmem>> -> memref<128xi32, #tpu.memory_space<vmem>>
      %dma_wait3A_227 = arith.constant 0 : i32
      %dma_wait3A_228 = arith.constant 0 : i32
      %dma_wait3A_229 = tpu.memref_slice %arg2[%dma_wait3A_227, %dma_wait3A_228] : memref<10000x128xf32, #tpu.memory_space<hbm>> -> memref<10000x128xf32, #tpu.memory_space<hbm>>
      tpu.wait_indirect_dma semaphore(%arg16 : memref<!tpu.dma_semaphore, #tpu.memory_space<semaphore_mem>>) src(%dma_wait3A_229 : memref<10000x128xf32, #tpu.memory_space<hbm>>) dst(%arg11 : memref<128x128xf32, #tpu.memory_space<vmem>>)
      %add3A_230 = arith.constant 1 : i32
      %add3A_231 = arith.addi %mul3A_195, %add3A_230 : i32
      %sub3A_232 = arith.constant 40 : i32
      %sub3A_233 = arith.subi %add3A_231, %sub3A_232 : i32
      "tpu.region"() ({
        %run_scoped3A_238 = tpu.sem_alloc : memref<!tpu.dma_semaphore, #tpu.memory_space<semaphore_mem>>
        %dma_start3A_239 = arith.constant 0 : i32
        %dma_start3A_240 = tpu.memref_slice %arg9[%sub3A_233, %dma_start3A_239] : memref<40x128xi32, #tpu.memory_space<vmem>> -> memref<1x128xi32, #tpu.memory_space<vmem>>
        %dma_start3A_241 = tpu.memref_squeeze %dma_start3A_240 : memref<1x128xi32, #tpu.memory_space<vmem>> -> memref<128xi32, #tpu.memory_space<vmem>>
        %dma_start3A_242 = arith.constant 0 : i32
        %dma_start3A_243 = arith.constant 0 : i32
        %dma_start3A_244 = tpu.memref_slice %arg13[%dma_start3A_242, %dma_start3A_243] : memref<10112x128xf32, #tpu.memory_space<vmem_shared>> -> memref<10112x128xf32, #tpu.memory_space<vmem_shared>>
        tpu.enqueue_indirect_dma source(%arg11 : memref<128x128xf32, #tpu.memory_space<vmem>>) target(%dma_start3A_244 : memref<10112x128xf32, #tpu.memory_space<vmem_shared>>) offsets(%dma_start3A_241 : memref<128xi32, #tpu.memory_space<vmem>>) semaphore(%run_scoped3A_238 : memref<!tpu.dma_semaphore, #tpu.memory_space<semaphore_mem>>) {add = true}
        %dma_wait3A_245 = arith.constant 0 : i32
        %dma_wait3A_246 = tpu.memref_slice %arg9[%sub3A_233, %dma_wait3A_245] : memref<40x128xi32, #tpu.memory_space<vmem>> -> memref<1x128xi32, #tpu.memory_space<vmem>>
        %dma_wait3A_247 = tpu.memref_squeeze %dma_wait3A_246 : memref<1x128xi32, #tpu.memory_space<vmem>> -> memref<128xi32, #tpu.memory_space<vmem>>
        %dma_wait3A_248 = arith.constant 0 : i32
        %dma_wait3A_249 = arith.constant 0 : i32
        %dma_wait3A_250 = tpu.memref_slice %arg13[%dma_wait3A_248, %dma_wait3A_249] : memref<10112x128xf32, #tpu.memory_space<vmem_shared>> -> memref<10112x128xf32, #tpu.memory_space<vmem_shared>>
        tpu.wait_indirect_dma semaphore(%run_scoped3A_238 : memref<!tpu.dma_semaphore, #tpu.memory_space<semaphore_mem>>) src(%arg11 : memref<128x128xf32, #tpu.memory_space<vmem>>) dst(%dma_wait3A_250 : memref<10112x128xf32, #tpu.memory_space<vmem_shared>>)
        tpu.yield
      }) : () -> ()
      %add3A_234 = arith.constant 1 : i32
      %add3A_235 = arith.addi %mul3A_195, %add3A_234 : i32
      %sub3A_236 = arith.constant 40 : i32
      %sub3A_237 = arith.subi %add3A_235, %sub3A_236 : i32
      "tpu.region"() ({
        %run_scoped3A_238 = tpu.sem_alloc : memref<!tpu.dma_semaphore, #tpu.memory_space<semaphore_mem>>
        %dma_start3A_239 = arith.constant 0 : i32
        %dma_start3A_240 = tpu.memref_slice %arg9[%sub3A_237, %dma_start3A_239] : memref<40x128xi32, #tpu.memory_space<vmem>> -> memref<1x128xi32, #tpu.memory_space<vmem>>
        %dma_start3A_241 = tpu.memref_squeeze %dma_start3A_240 : memref<1x128xi32, #tpu.memory_space<vmem>> -> memref<128xi32, #tpu.memory_space<vmem>>
        %dma_start3A_242 = arith.constant 0 : i32
        %dma_start3A_243 = tpu.memref_slice %arg14[%dma_start3A_242] : memref<10240xf32, #tpu.memory_space<vmem_shared>> -> memref<10240xf32, #tpu.memory_space<vmem_shared>>
        tpu.enqueue_indirect_dma source(%arg12 : memref<128xf32, #tpu.memory_space<vmem>>) target(%dma_start3A_243 : memref<10240xf32, #tpu.memory_space<vmem_shared>>) offsets(%dma_start3A_241 : memref<128xi32, #tpu.memory_space<vmem>>) semaphore(%run_scoped3A_238 : memref<!tpu.dma_semaphore, #tpu.memory_space<semaphore_mem>>) {add = true}
        %dma_wait3A_244 = arith.constant 0 : i32
        %dma_wait3A_245 = tpu.memref_slice %arg9[%sub3A_237, %dma_wait3A_244] : memref<40x128xi32, #tpu.memory_space<vmem>> -> memref<1x128xi32, #tpu.memory_space<vmem>>
        %dma_wait3A_246 = tpu.memref_squeeze %dma_wait3A_245 : memref<1x128xi32, #tpu.memory_space<vmem>> -> memref<128xi32, #tpu.memory_space<vmem>>
        %dma_wait3A_247 = arith.constant 0 : i32
        %dma_wait3A_248 = tpu.memref_slice %arg14[%dma_wait3A_247] : memref<10240xf32, #tpu.memory_space<vmem_shared>> -> memref<10240xf32, #tpu.memory_space<vmem_shared>>
        tpu.wait_indirect_dma semaphore(%run_scoped3A_238 : memref<!tpu.dma_semaphore, #tpu.memory_space<semaphore_mem>>) src(%arg12 : memref<128xf32, #tpu.memory_space<vmem>>) dst(%dma_wait3A_248 : memref<10240xf32, #tpu.memory_space<vmem_shared>>)
        tpu.yield
      }) : () -> ()
    }
    %scan3A_174 = arith.constant 20 : i32
    %dma_wait3A = arith.constant 80 : i32
    %dma_wait3A_175 = arith.constant 0 : i32
    %dma_wait3A_176 = tpu.memref_slice %arg8[%dma_wait3A, %dma_wait3A_175] : memref<81x128xi32, #tpu.memory_space<vmem>> -> memref<1x128xi32, #tpu.memory_space<vmem>>
    %dma_wait3A_177 = tpu.memref_squeeze %dma_wait3A_176 : memref<1x128xi32, #tpu.memory_space<vmem>> -> memref<128xi32, #tpu.memory_space<vmem>>
    %dma_wait3A_178 = arith.constant 0 : i32
    %dma_wait3A_179 = arith.constant 0 : i32
    %dma_wait3A_180 = tpu.memref_slice %arg2[%dma_wait3A_178, %dma_wait3A_179] : memref<10000x128xf32, #tpu.memory_space<hbm>> -> memref<10000x128xf32, #tpu.memory_space<hbm>>
    tpu.wait_indirect_dma semaphore(%arg15 : memref<!tpu.dma_semaphore, #tpu.memory_space<semaphore_mem>>) src(%dma_wait3A_180 : memref<10000x128xf32, #tpu.memory_space<hbm>>) dst(%arg10 : memref<128x128xf32, #tpu.memory_space<vmem>>)
    %barrier3A_181 = arith.constant 0 : index
    tpu.barrier barrier_id(%barrier3A_181)
    %mul3A_182 = arith.constant 632 : i32
    %mul3A_183 = arith.muli %arg1, %mul3A_182 : i32
    %mul3A_184 = arith.constant 632 : i32
    %mul3A_185 = arith.muli %arg1, %mul3A_184 : i32
    "tpu.region"() ({
      %run_scoped3A_193 = tpu.sem_alloc : memref<!tpu.dma_semaphore, #tpu.memory_space<semaphore_mem>>
      %dma_start3A_194 = arith.constant 0 : i32
      %dma_start3A_195 = tpu.memref_slice %arg5[%arg0, %mul3A_185, %dma_start3A_194] : memref<2x10112x128xf32, #tpu.memory_space<hbm>> -> memref<1x632x128xf32, #tpu.memory_space<hbm>>
      %dma_start3A_196 = tpu.memref_squeeze %dma_start3A_195 : memref<1x632x128xf32, #tpu.memory_space<hbm>> -> memref<632x128xf32, #tpu.memory_space<hbm>>
      %dma_start3A_197 = arith.constant 0 : i32
      %dma_start3A_198 = tpu.memref_slice %arg13[%mul3A_183, %dma_start3A_197] : memref<10112x128xf32, #tpu.memory_space<vmem_shared>> -> memref<632x128xf32, #tpu.memory_space<vmem_shared>>
      tpu.enqueue_dma source(%dma_start3A_198 : memref<632x128xf32, #tpu.memory_space<vmem_shared>>) target(%dma_start3A_196 : memref<632x128xf32, #tpu.memory_space<hbm>>) target_semaphore(%run_scoped3A_193 : memref<!tpu.dma_semaphore, #tpu.memory_space<semaphore_mem>>)
      %dma_wait3A_199 = arith.constant 0 : i32
      %dma_wait3A_200 = tpu.memref_slice %arg5[%arg0, %mul3A_185, %dma_wait3A_199] : memref<2x10112x128xf32, #tpu.memory_space<hbm>> -> memref<1x632x128xf32, #tpu.memory_space<hbm>>
      %dma_wait3A_201 = tpu.memref_squeeze %dma_wait3A_200 : memref<1x632x128xf32, #tpu.memory_space<hbm>> -> memref<632x128xf32, #tpu.memory_space<hbm>>
      %dma_wait3A_202 = arith.constant 0 : i32
      %dma_wait3A_203 = tpu.memref_slice %arg13[%mul3A_183, %dma_wait3A_202] : memref<10112x128xf32, #tpu.memory_space<vmem_shared>> -> memref<632x128xf32, #tpu.memory_space<vmem_shared>>
      tpu.wait_dma2 semaphore(%run_scoped3A_193 : memref<!tpu.dma_semaphore, #tpu.memory_space<semaphore_mem>>) src(%dma_wait3A_203 : memref<632x128xf32, #tpu.memory_space<vmem_shared>>) dst(%dma_wait3A_201 : memref<632x128xf32, #tpu.memory_space<hbm>>)
      tpu.yield
    }) : () -> ()
    %eq3A = arith.constant 0 : i32
    %eq3A_186 = arith.cmpi eq, %arg0, %eq3A : i32
    %convert_element_type3A = arith.extui %eq3A_186 : i1 to i32
    %cond3A = arith.constant 0 : i32
    %cond3A_187 = arith.cmpi ne, %convert_element_type3A, %cond3A : i32
    scf.if %cond3A_187 {
      %mul3A_193 = arith.constant 640 : i32
      %mul3A_194 = arith.muli %arg1, %mul3A_193 : i32
      %mul3A_195 = arith.constant 640 : i32
      %mul3A_196 = arith.muli %arg1, %mul3A_195 : i32
      "tpu.region"() ({
        %run_scoped3A_197 = tpu.sem_alloc : memref<!tpu.dma_semaphore, #tpu.memory_space<semaphore_mem>>
        %dma_start3A_198 = tpu.memref_slice %arg6[%mul3A_196] : memref<10240xf32, #tpu.memory_space<hbm>> -> memref<640xf32, #tpu.memory_space<hbm>>
        %dma_start3A_199 = tpu.memref_slice %arg14[%mul3A_194] : memref<10240xf32, #tpu.memory_space<vmem_shared>> -> memref<640xf32, #tpu.memory_space<vmem_shared>>
        tpu.enqueue_dma source(%dma_start3A_199 : memref<640xf32, #tpu.memory_space<vmem_shared>>) target(%dma_start3A_198 : memref<640xf32, #tpu.memory_space<hbm>>) target_semaphore(%run_scoped3A_197 : memref<!tpu.dma_semaphore, #tpu.memory_space<semaphore_mem>>)
        %dma_wait3A_200 = tpu.memref_slice %arg6[%mul3A_196] : memref<10240xf32, #tpu.memory_space<hbm>> -> memref<640xf32, #tpu.memory_space<hbm>>
        %dma_wait3A_201 = tpu.memref_slice %arg14[%mul3A_194] : memref<10240xf32, #tpu.memory_space<vmem_shared>> -> memref<640xf32, #tpu.memory_space<vmem_shared>>
        tpu.wait_dma2 semaphore(%run_scoped3A_197 : memref<!tpu.dma_semaphore, #tpu.memory_space<semaphore_mem>>) src(%dma_wait3A_201 : memref<640xf32, #tpu.memory_space<vmem_shared>>) dst(%dma_wait3A_200 : memref<640xf32, #tpu.memory_space<hbm>>)
        tpu.yield
      }) : () -> ()
    } else {
    }
    %eq3A_188 = arith.constant 1 : i32
    %eq3A_189 = arith.cmpi eq, %arg0, %eq3A_188 : i32
    %convert_element_type3A_190 = arith.extui %eq3A_189 : i1 to i32
    %cond3A_191 = arith.constant 0 : i32
    %cond3A_192 = arith.cmpi ne, %convert_element_type3A_190, %cond3A_191 : i32
    scf.if %cond3A_192 {
      %mul3A_193 = arith.constant 640 : i32
      %mul3A_194 = arith.muli %arg1, %mul3A_193 : i32
      %mul3A_195 = arith.constant 640 : i32
      %mul3A_196 = arith.muli %arg1, %mul3A_195 : i32
      "tpu.region"() ({
        %run_scoped3A_197 = tpu.sem_alloc : memref<!tpu.dma_semaphore, #tpu.memory_space<semaphore_mem>>
        %dma_start3A_198 = tpu.memref_slice %arg7[%mul3A_196] : memref<10240xf32, #tpu.memory_space<hbm>> -> memref<640xf32, #tpu.memory_space<hbm>>
        %dma_start3A_199 = tpu.memref_slice %arg14[%mul3A_194] : memref<10240xf32, #tpu.memory_space<vmem_shared>> -> memref<640xf32, #tpu.memory_space<vmem_shared>>
        tpu.enqueue_dma source(%dma_start3A_199 : memref<640xf32, #tpu.memory_space<vmem_shared>>) target(%dma_start3A_198 : memref<640xf32, #tpu.memory_space<hbm>>) target_semaphore(%run_scoped3A_197 : memref<!tpu.dma_semaphore, #tpu.memory_space<semaphore_mem>>)
        %dma_wait3A_200 = tpu.memref_slice %arg7[%mul3A_196] : memref<10240xf32, #tpu.memory_space<hbm>> -> memref<640xf32, #tpu.memory_space<hbm>>
        %dma_wait3A_201 = tpu.memref_slice %arg14[%mul3A_194] : memref<10240xf32, #tpu.memory_space<vmem_shared>> -> memref<640xf32, #tpu.memory_space<vmem_shared>>
        tpu.wait_dma2 semaphore(%run_scoped3A_197 : memref<!tpu.dma_semaphore, #tpu.memory_space<semaphore_mem>>) src(%dma_wait3A_201 : memref<640xf32, #tpu.memory_space<vmem_shared>>) dst(%dma_wait3A_200 : memref<640xf32, #tpu.memory_space<hbm>>)
        tpu.yield
      }) : () -> ()
    } else {
    }
    return
  }
}

module attributes {stable_mosaic.version = 14 : i64} {
  func.func @_k1_body(%arg0: i32, %arg1: memref<1024x128xf32, #tpu.memory_space<vmem>>, %arg2: memref<128x128xf32, #tpu.memory_space<vmem>>, %arg3: memref<128x128xf32, #tpu.memory_space<vmem>>, %arg4: memref<1x128xf32, #tpu.memory_space<vmem>>, %arg5: memref<1024x128xf32, #tpu.memory_space<vmem>>, %arg6: memref<1024x128xf32, #tpu.memory_space<vmem>>) attributes {dimension_semantics = [#tpu.dimension_semantics<arbitrary>], iteration_bounds = array<i64: 10>, scalar_prefetch = 0 : i64, scratch_operands = 0 : i64, tpu.core_type = #tpu.core_type<tc>, window_params = [{transform_indices = @transform_0, window_bounds = array<i64: 1024, 128>}, {pipeline_mode = #tpu.pipeline_mode<synchronous>, transform_indices = @transform_1, window_bounds = array<i64: 128, 128>}, {pipeline_mode = #tpu.pipeline_mode<synchronous>, transform_indices = @transform_2, window_bounds = array<i64: 128, 128>}, {pipeline_mode = #tpu.pipeline_mode<synchronous>, transform_indices = @transform_3, window_bounds = array<i64: 1, 128>}, {transform_indices = @transform_4, window_bounds = array<i64: 1024, 128>}, {transform_indices = @transform_5, window_bounds = array<i64: 1024, 128>}]} {
    %get3A = arith.constant 0 : index
    %get3A_0 = arith.constant 0 : index
    %get3A_1 = vector.load %arg1[%get3A, %get3A_0] : memref<1024x128xf32, #tpu.memory_space<vmem>>, vector<1024x128xf32>
    %get3A_2 = arith.constant 0 : index
    %get3A_3 = arith.constant 0 : index
    %get3A_4 = vector.load %arg2[%get3A_2, %get3A_3] : memref<128x128xf32, #tpu.memory_space<vmem>>, vector<128x128xf32>
    %dot_general3A = arith.constant dense<0.000000e+00> : vector<1024x128xf32>
    %dot_general3A_5 = tpu.matmul %get3A_1, %get3A_4, %dot_general3A {dimension_numbers = #tpu.dot_dimension_numbers<[1], [0], [0], [1], [0, 0, 1, 1], [], []>, transpose_lhs_hint = false} : vector<1024x128xf32>, vector<128x128xf32>, vector<1024x128xf32> -> vector<1024x128xf32>
    %swap3A = arith.constant 0 : index
    %swap3A_6 = arith.constant 0 : index
    %swap3A_7 = vector.load %arg5[%swap3A, %swap3A_6] : memref<1024x128xf32, #tpu.memory_space<vmem>>, vector<1024x128xf32>
    tpu.vector_store %arg5[%swap3A, %swap3A_6], %dot_general3A_5 {strides = array<i32>} : memref<1024x128xf32, #tpu.memory_space<vmem>>, vector<1024x128xf32>,
    %get3A_8 = arith.constant 0 : index
    %get3A_9 = arith.constant 0 : index
    %get3A_10 = vector.load %arg3[%get3A_8, %get3A_9] : memref<128x128xf32, #tpu.memory_space<vmem>>, vector<128x128xf32>
    %dot_general3A_11 = arith.constant dense<0.000000e+00> : vector<1024x128xf32>
    %dot_general3A_12 = tpu.matmul %get3A_1, %get3A_10, %dot_general3A_11 {dimension_numbers = #tpu.dot_dimension_numbers<[1], [0], [0], [1], [0, 0, 1, 1], [], []>, transpose_lhs_hint = false} : vector<1024x128xf32>, vector<128x128xf32>, vector<1024x128xf32> -> vector<1024x128xf32>
    %get3A_13 = arith.constant 0 : index
    %get3A_14 = arith.constant 0 : index
    %get3A_15 = vector.load %arg4[%get3A_13, %get3A_14] : memref<1x128xf32, #tpu.memory_space<vmem>>, vector<1x128xf32>
    %add3A = vector.broadcast %get3A_15 : vector<1x128xf32> to vector<1024x128xf32>
    %add3A_16 = arith.addf %dot_general3A_12, %add3A : vector<1024x128xf32>
    %swap3A_17 = arith.constant 0 : index
    %swap3A_18 = arith.constant 0 : index
    %swap3A_19 = vector.load %arg6[%swap3A_17, %swap3A_18] : memref<1024x128xf32, #tpu.memory_space<vmem>>, vector<1024x128xf32>
    tpu.vector_store %arg6[%swap3A_17, %swap3A_18], %add3A_16 {strides = array<i32>} : memref<1024x128xf32, #tpu.memory_space<vmem>>, vector<1024x128xf32>,
    return
  }
  func.func @transform_0(%arg0: i32) -> (i32, i32) {
    %c0_i32 = arith.constant 0 : i32
    %c0_i32_0 = arith.constant 0 : i32
    return %arg0, %c0_i32 : i32, i32
  }
  func.func @transform_1(%arg0: i32) -> (i32, i32) {
    %c0_i32 = arith.constant 0 : i32
    %c0_i32_0 = arith.constant 0 : i32
    %c0_i32_1 = arith.constant 0 : i32
    return %c0_i32, %c0_i32_0 : i32, i32
  }
  func.func @transform_2(%arg0: i32) -> (i32, i32) {
    %c0_i32 = arith.constant 0 : i32
    %c0_i32_0 = arith.constant 0 : i32
    %c0_i32_1 = arith.constant 0 : i32
    return %c0_i32, %c0_i32_0 : i32, i32
  }
  func.func @transform_3(%arg0: i32) -> (i32, i32) {
    %c0_i32 = arith.constant 0 : i32
    %c0_i32_0 = arith.constant 0 : i32
    %c0_i32_1 = arith.constant 0 : i32
    return %c0_i32, %c0_i32_0 : i32, i32
  }
  func.func @transform_4(%arg0: i32) -> (i32, i32) {
    %c0_i32 = arith.constant 0 : i32
    %c0_i32_0 = arith.constant 0 : i32
    return %arg0, %c0_i32 : i32, i32
  }
  func.func @transform_5(%arg0: i32) -> (i32, i32) {
    %c0_i32 = arith.constant 0 : i32
    %c0_i32_0 = arith.constant 0 : i32
    return %arg0, %c0_i32 : i32, i32
  }
}

module attributes {stable_mosaic.version = 14 : i64} {
  func.func @_k2_body(%arg0: i32, %arg1: memref<2x1024x128xf32, #tpu.memory_space<vmem>>, %arg2: memref<2x1024xf32, #tpu.memory_space<vmem>>, %arg3: memref<1024x128xf32, #tpu.memory_space<vmem>>, %arg4: memref<128x128xf32, #tpu.memory_space<vmem>>, %arg5: memref<128x128xf32, #tpu.memory_space<vmem>>, %arg6: memref<1x128xf32, #tpu.memory_space<vmem>>, %arg7: memref<1024x128xf32, #tpu.memory_space<vmem>>, %arg8: memref<1024x128xf32, #tpu.memory_space<vmem>>, %arg9: memref<1024x128xf32, #tpu.memory_space<vmem>>) attributes {dimension_semantics = [#tpu.dimension_semantics<arbitrary>], iteration_bounds = array<i64: 10>, scalar_prefetch = 0 : i64, scratch_operands = 0 : i64, tpu.core_type = #tpu.core_type<tc>, window_params = [{transform_indices = @transform_0, window_bounds = array<i64: 2, 1024, 128>}, {transform_indices = @transform_1, window_bounds = array<i64: 2, 1024>}, {transform_indices = @transform_2, window_bounds = array<i64: 1024, 128>}, {pipeline_mode = #tpu.pipeline_mode<synchronous>, transform_indices = @transform_3, window_bounds = array<i64: 128, 128>}, {pipeline_mode = #tpu.pipeline_mode<synchronous>, transform_indices = @transform_4, window_bounds = array<i64: 128, 128>}, {pipeline_mode = #tpu.pipeline_mode<synchronous>, transform_indices = @transform_5, window_bounds = array<i64: 1, 128>}, {transform_indices = @transform_6, window_bounds = array<i64: 1024, 128>}, {transform_indices = @transform_7, window_bounds = array<i64: 1024, 128>}, {transform_indices = @transform_8, window_bounds = array<i64: 1024, 128>}]} {
    %get3A = arith.constant 0 : index
    %get3A_0 = arith.constant 0 : index
    %get3A_1 = vector.load %arg2[%get3A, %get3A_0] : memref<2x1024xf32, #tpu.memory_space<vmem>>, vector<1x1024xf32>
    %get3A_2 = arith.constant 1 : index
    %get3A_3 = arith.constant 0 : index
    %get3A_4 = vector.load %arg2[%get3A_2, %get3A_3] : memref<2x1024xf32, #tpu.memory_space<vmem>>, vector<1x1024xf32>
    %add3A = arith.addf %get3A_1, %get3A_4 : vector<1x1024xf32>
    %max3A = arith.constant 1.000000e+00 : f32
    %max3A_5 = vector.broadcast %max3A : f32 to vector<1x1024xf32>
    %max3A_6 = arith.maximumf %add3A, %max3A_5 : vector<1x1024xf32>
    %div3A = arith.constant 1.000000e+00 : f32
    %div3A_7 = vector.broadcast %div3A : f32 to vector<1x1024xf32>
    %div3A_8 = arith.divf %div3A_7, %max3A_6 : vector<1x1024xf32>
    %transpose3A = tpu.transpose %div3A_8, [1, 0] : vector<1x1024xf32> -> vector<1024x1xf32>
    %get3A_9 = arith.constant 0 : index
    %get3A_10 = arith.constant 0 : index
    %get3A_11 = arith.constant 0 : index
    %get3A_12 = vector.load %arg1[%get3A_9, %get3A_10, %get3A_11] : memref<2x1024x128xf32, #tpu.memory_space<vmem>>, vector<1x1024x128xf32>
    %get3A_13 = vector.shape_cast %get3A_12 : vector<1x1024x128xf32> to vector<1024x128xf32>
    %get3A_14 = arith.constant 1 : index
    %get3A_15 = arith.constant 0 : index
    %get3A_16 = arith.constant 0 : index
    %get3A_17 = vector.load %arg1[%get3A_14, %get3A_15, %get3A_16] : memref<2x1024x128xf32, #tpu.memory_space<vmem>>, vector<1x1024x128xf32>
    %get3A_18 = vector.shape_cast %get3A_17 : vector<1x1024x128xf32> to vector<1024x128xf32>
    %add3A_19 = arith.addf %get3A_13, %get3A_18 : vector<1024x128xf32>
    %mul3A = vector.broadcast %transpose3A : vector<1024x1xf32> to vector<1024x128xf32>
    %mul3A_20 = arith.mulf %add3A_19, %mul3A : vector<1024x128xf32>
    %get3A_21 = arith.constant 0 : index
    %get3A_22 = arith.constant 0 : index
    %get3A_23 = vector.load %arg3[%get3A_21, %get3A_22] : memref<1024x128xf32, #tpu.memory_space<vmem>>, vector<1024x128xf32>
    %add3A_24 = arith.addf %mul3A_20, %get3A_23 : vector<1024x128xf32>
    %max3A_25 = arith.constant 0.000000e+00 : f32
    %max3A_26 = vector.broadcast %max3A_25 : f32 to vector<1024x128xf32>
    %max3A_27 = arith.maximumf %add3A_24, %max3A_26 : vector<1024x128xf32>
    %get3A_28 = arith.constant 0 : index
    %get3A_29 = arith.constant 0 : index
    %get3A_30 = vector.load %arg4[%get3A_28, %get3A_29] : memref<128x128xf32, #tpu.memory_space<vmem>>, vector<128x128xf32>
    %dot_general3A = arith.constant dense<0.000000e+00> : vector<1024x128xf32>
    %dot_general3A_31 = tpu.matmul %max3A_27, %get3A_30, %dot_general3A {dimension_numbers = #tpu.dot_dimension_numbers<[1], [0], [0], [1], [0, 0, 1, 1], [], []>, transpose_lhs_hint = false} : vector<1024x128xf32>, vector<128x128xf32>, vector<1024x128xf32> -> vector<1024x128xf32>
    %swap3A = arith.constant 0 : index
    %swap3A_32 = arith.constant 0 : index
    %swap3A_33 = vector.load %arg7[%swap3A, %swap3A_32] : memref<1024x128xf32, #tpu.memory_space<vmem>>, vector<1024x128xf32>
    tpu.vector_store %arg7[%swap3A, %swap3A_32], %dot_general3A_31 {strides = array<i32>} : memref<1024x128xf32, #tpu.memory_space<vmem>>, vector<1024x128xf32>,
    %get3A_34 = arith.constant 0 : index
    %get3A_35 = arith.constant 0 : index
    %get3A_36 = vector.load %arg5[%get3A_34, %get3A_35] : memref<128x128xf32, #tpu.memory_space<vmem>>, vector<128x128xf32>
    %dot_general3A_37 = arith.constant dense<0.000000e+00> : vector<1024x128xf32>
    %dot_general3A_38 = tpu.matmul %max3A_27, %get3A_36, %dot_general3A_37 {dimension_numbers = #tpu.dot_dimension_numbers<[1], [0], [0], [1], [0, 0, 1, 1], [], []>, transpose_lhs_hint = false} : vector<1024x128xf32>, vector<128x128xf32>, vector<1024x128xf32> -> vector<1024x128xf32>
    %get3A_39 = arith.constant 0 : index
    %get3A_40 = arith.constant 0 : index
    %get3A_41 = vector.load %arg6[%get3A_39, %get3A_40] : memref<1x128xf32, #tpu.memory_space<vmem>>, vector<1x128xf32>
    %add3A_42 = vector.broadcast %get3A_41 : vector<1x128xf32> to vector<1024x128xf32>
    %add3A_43 = arith.addf %dot_general3A_38, %add3A_42 : vector<1024x128xf32>
    %swap3A_44 = arith.constant 0 : index
    %swap3A_45 = arith.constant 0 : index
    %swap3A_46 = vector.load %arg8[%swap3A_44, %swap3A_45] : memref<1024x128xf32, #tpu.memory_space<vmem>>, vector<1024x128xf32>
    tpu.vector_store %arg8[%swap3A_44, %swap3A_45], %add3A_43 {strides = array<i32>} : memref<1024x128xf32, #tpu.memory_space<vmem>>, vector<1024x128xf32>,
    %broadcast_in_dim3A = vector.shape_cast %transpose3A : vector<1024x1xf32> to vector<1024x1xf32>
    %broadcast_in_dim3A_47 = vector.broadcast %broadcast_in_dim3A : vector<1024x1xf32> to vector<1024x128xf32>
    %swap3A_48 = arith.constant 0 : index
    %swap3A_49 = arith.constant 0 : index
    %swap3A_50 = vector.load %arg9[%swap3A_48, %swap3A_49] : memref<1024x128xf32, #tpu.memory_space<vmem>>, vector<1024x128xf32>
    tpu.vector_store %arg9[%swap3A_48, %swap3A_49], %broadcast_in_dim3A_47 {strides = array<i32>} : memref<1024x128xf32, #tpu.memory_space<vmem>>, vector<1024x128xf32>,
    return
  }
  func.func @transform_0(%arg0: i32) -> (i32, i32, i32) {
    %c0_i32 = arith.constant 0 : i32
    %c0_i32_0 = arith.constant 0 : i32
    %c0_i32_1 = arith.constant 0 : i32
    return %c0_i32, %arg0, %c0_i32_0 : i32, i32, i32
  }
  func.func @transform_1(%arg0: i32) -> (i32, i32) {
    %c0_i32 = arith.constant 0 : i32
    %c0_i32_0 = arith.constant 0 : i32
    return %c0_i32, %arg0 : i32, i32
  }
  func.func @transform_2(%arg0: i32) -> (i32, i32) {
    %c0_i32 = arith.constant 0 : i32
    %c0_i32_0 = arith.constant 0 : i32
    return %arg0, %c0_i32 : i32, i32
  }
  func.func @transform_3(%arg0: i32) -> (i32, i32) {
    %c0_i32 = arith.constant 0 : i32
    %c0_i32_0 = arith.constant 0 : i32
    %c0_i32_1 = arith.constant 0 : i32
    return %c0_i32, %c0_i32_0 : i32, i32
  }
  func.func @transform_4(%arg0: i32) -> (i32, i32) {
    %c0_i32 = arith.constant 0 : i32
    %c0_i32_0 = arith.constant 0 : i32
    %c0_i32_1 = arith.constant 0 : i32
    return %c0_i32, %c0_i32_0 : i32, i32
  }
  func.func @transform_5(%arg0: i32) -> (i32, i32) {
    %c0_i32 = arith.constant 0 : i32
    %c0_i32_0 = arith.constant 0 : i32
    %c0_i32_1 = arith.constant 0 : i32
    return %c0_i32, %c0_i32_0 : i32, i32
  }
  func.func @transform_6(%arg0: i32) -> (i32, i32) {
    %c0_i32 = arith.constant 0 : i32
    %c0_i32_0 = arith.constant 0 : i32
    return %arg0, %c0_i32 : i32, i32
  }
  func.func @transform_7(%arg0: i32) -> (i32, i32) {
    %c0_i32 = arith.constant 0 : i32
    %c0_i32_0 = arith.constant 0 : i32
    return %arg0, %c0_i32 : i32, i32
  }
  func.func @transform_8(%arg0: i32) -> (i32, i32) {
    %c0_i32 = arith.constant 0 : i32
    %c0_i32_0 = arith.constant 0 : i32
    return %arg0, %c0_i32 : i32, i32
  }
}

module attributes {stable_mosaic.version = 14 : i64} {
  func.func @_k3_body(%arg0: i32, %arg1: memref<2x1024x128xf32, #tpu.memory_space<vmem>>, %arg2: memref<1024x128xf32, #tpu.memory_space<vmem>>, %arg3: memref<1024x128xf32, #tpu.memory_space<vmem>>, %arg4: memref<1024x128xf32, #tpu.memory_space<vmem>>) attributes {dimension_semantics = [#tpu.dimension_semantics<arbitrary>], iteration_bounds = array<i64: 10>, scalar_prefetch = 0 : i64, scratch_operands = 0 : i64, tpu.core_type = #tpu.core_type<tc>, window_params = [{transform_indices = @transform_0, window_bounds = array<i64: 2, 1024, 128>}, {transform_indices = @transform_1, window_bounds = array<i64: 1024, 128>}, {transform_indices = @transform_2, window_bounds = array<i64: 1024, 128>}, {transform_indices = @transform_3, window_bounds = array<i64: 1024, 128>}]} {
    %get3A = arith.constant 0 : index
    %get3A_0 = arith.constant 0 : index
    %get3A_1 = arith.constant 0 : index
    %get3A_2 = vector.load %arg1[%get3A, %get3A_0, %get3A_1] : memref<2x1024x128xf32, #tpu.memory_space<vmem>>, vector<1x1024x128xf32>
    %get3A_3 = vector.shape_cast %get3A_2 : vector<1x1024x128xf32> to vector<1024x128xf32>
    %get3A_4 = arith.constant 1 : index
    %get3A_5 = arith.constant 0 : index
    %get3A_6 = arith.constant 0 : index
    %get3A_7 = vector.load %arg1[%get3A_4, %get3A_5, %get3A_6] : memref<2x1024x128xf32, #tpu.memory_space<vmem>>, vector<1x1024x128xf32>
    %get3A_8 = vector.shape_cast %get3A_7 : vector<1x1024x128xf32> to vector<1024x128xf32>
    %add3A = arith.addf %get3A_3, %get3A_8 : vector<1024x128xf32>
    %get3A_9 = arith.constant 0 : index
    %get3A_10 = arith.constant 0 : index
    %get3A_11 = vector.load %arg3[%get3A_9, %get3A_10] : memref<1024x128xf32, #tpu.memory_space<vmem>>, vector<1024x128xf32>
    %mul3A = arith.mulf %add3A, %get3A_11 : vector<1024x128xf32>
    %get3A_12 = arith.constant 0 : index
    %get3A_13 = arith.constant 0 : index
    %get3A_14 = vector.load %arg2[%get3A_12, %get3A_13] : memref<1024x128xf32, #tpu.memory_space<vmem>>, vector<1024x128xf32>
    %add3A_15 = arith.addf %mul3A, %get3A_14 : vector<1024x128xf32>
    %swap3A = arith.constant 0 : index
    %swap3A_16 = arith.constant 0 : index
    %swap3A_17 = vector.load %arg4[%swap3A, %swap3A_16] : memref<1024x128xf32, #tpu.memory_space<vmem>>, vector<1024x128xf32>
    tpu.vector_store %arg4[%swap3A, %swap3A_16], %add3A_15 {strides = array<i32>} : memref<1024x128xf32, #tpu.memory_space<vmem>>, vector<1024x128xf32>,
    return
  }
  func.func @transform_0(%arg0: i32) -> (i32, i32, i32) {
    %c0_i32 = arith.constant 0 : i32
    %c0_i32_0 = arith.constant 0 : i32
    %c0_i32_1 = arith.constant 0 : i32
    return %c0_i32, %arg0, %c0_i32_0 : i32, i32, i32
  }
  func.func @transform_1(%arg0: i32) -> (i32, i32) {
    %c0_i32 = arith.constant 0 : i32
    %c0_i32_0 = arith.constant 0 : i32
    return %arg0, %c0_i32 : i32, i32
  }
  func.func @transform_2(%arg0: i32) -> (i32, i32) {
    %c0_i32 = arith.constant 0 : i32
    %c0_i32_0 = arith.constant 0 : i32
    return %arg0, %c0_i32 : i32, i32
  }
  func.func @transform_3(%arg0: i32) -> (i32, i32) {
    %c0_i32 = arith.constant 0 : i32
    %c0_i32_0 = arith.constant 0 : i32
    return %arg0, %c0_i32 : i32, i32
  }
}

</mosaic_0001>

<sc_bundles>
// kernel: kernel.10.cloned.1.call-start
scs
__scs_entry_jumppad:
0x0: {  	(pc) =	sbr.rel $0x88, $3  }
0x1: {  	(tag) =	ssettag $0x0;
	lr =	simm.s32 $0x1  }
0x2: {  	[smem:$0x3F99] =	sst lr;
	_ =	strace $0xD0000000  }
0x3: {  	_ = 	snop  }
0x4: {  	_ = 	snop  }
0x5: {  	_ = 	snop  }
0x6: {  	_ = 	snop  }
0x7: {  	_ = 	snop  }
__scs_overlays_trampoline_lowered:
0x8: {  	[smem:$0x3FA8] =	sst s0  }
0x9: {  	[smem:$0x3FA9] =	sst s1  }
0xa: {  	[smem:$0x3FAA] =	sst s2  }
0xb: {  	[smem:$0x3FAB] =	sst s3  }
0xc: {  	[smem:$0x3FAC] =	sst s4  }
0xd: {  	[smem:$0x3FAD] =	sst s5  }
0xe: {  	[smem:$0x3FAE] =	sst s6  }
0xf: {  	[smem:$0x3FAF] =	sst s7  }
0x10: {  	[smem:$0x3FB0] =	sst s8  }
0x11: {  	[smem:$0x3FB1] =	sst s9;
	s0 =	simm.s32 @!p0 $0x0  }
0x12: {  	s1 =	sld [smem:$0x3F97];
	s0 =	simm.s32 @p0 $0x1  }
0x13: {  	[smem:$0x3FB2] =	sst s0;
	s0 =	simm.s32 @!p1 $0x0  }
0x14: {  	s2 =	sld [smem:$0x3F96];
	s0 =	simm.s32 @p1 $0x1  }
0x15: {  	[smem:$0x3FB3] =	sst s0;
	s0 =	simm.s32 @!p2 $0x0  }
0x16: {  	s3 =	sld [smem:$0x3FDB];
	s0 =	simm.s32 @p2 $0x1  }
0x17: {  	s4 =	simm.s32 $0x1BF5;
	[smem:$0x3FB5] =	sst s0  }
0x18: {  	s0 =	sld [smem:$0x3F98];
	_ =	swait.ge [sflag:s4], $0x0  }
0x19: {  	s7 =	sld [smem:$0x3F99]  }
0x1a: {  	s8 =	sadd.s32 $0xFFFFE003, lr  }
0x1b: {  	s9 =	sadd.s32 $0xFFFFFEF7, lr;
	s5 =	simm.s32 $0xFFFFFFFF;
	p2 =	slt.u32 s8, $0xFFFFF086  }
0x1c: {  	p1 =	slt.u32 s9, $0xF7A;
	s5 =	simm.s32 @!p2 $0x0  }
0x1d: {  	s5 =	simm.s32 @p1 $0x1;
	p0 =	seq.s32 s7, s2  }
0x1e: {  	s7 =	smul.u32 @!p0 $0xF7A, s2;
	p2 =	seq.s32 @!p0 s5, $0x0  }
0x1f: {  	s9 =	smul.u32 $0xF7A, s1;
	s8 =	simm.s32 @!p0 $0x1BF5;
	p2 =	por !p2, p0  }
0x20: {  	[sflag:s8] =	ssyncset.s32 @!p0 $0xFFFFF086;
	s6 =	sadd.s32 @!p0 s3, s7;
	s7 =	simm.s32 @!p0 $0x108  }
0x21: {  	s3 =	sadd.s32 s3, s9;
	s6 =	sadd.s32 @!p0 $0x88, s6;
	s7 =	simm.s32 @p2 $0x1082  }
0x22: {  	[simem:s7], [sflag:s8] =	dma.local @!p0 [hbm:s6], $0xF7A  }
0x23: {  	s9 =	sor.u32 $0xD0000000, s2;
	s6 =	simm.s32 $0x108;
	_ =	swait.ge @!p0 [sflag:s8], $0x0  }
0x24: {  	s3 =	sadd.s32 $0x88, s3;
	s6 =	simm.s32 @!p1 $0x1082;
	[sflag:s4] =	ssyncset.s32 $0xFFFFF086  }
0x25: {  	[simem:s6], [sflag:s4] =	dma.local [hbm:s3], $0xF7A  }
0x26: {  	[smem:$0x3F99] =	sst s1;
	(tag) =	ssettag s2;
	_ =	strace s9  }
0x27: {  	s1 =	sld [smem:$0x3FA9]  }
0x28: {  	s2 =	sld [smem:$0x3FAA]  }
0x29: {  	s4 =	sld [smem:$0x3FAC]  }
0x2a: {  	p0 =	seq.s32 s5, $0x0;
	s5 =	sld [smem:$0x3FAD]  }
0x2b: {  	s6 =	sld [smem:$0x3FAE]  }
0x2c: {  	s7 =	sld [smem:$0x3FAF]  }
0x2d: {  	s3 =	simm.s32 $0x108;
	s8 =	sld [smem:$0x3FB0]  }
0x2e: {  	s3 =	simm.s32 @!p0 $0x1082;
	s9 =	sld [smem:$0x3FB1]  }
0x2f: {  	lr =	sadd.s32 s0, s3;
	s0 =	sld [smem:$0x3FA8]  }
0x30: {  	s3 =	sld [smem:$0x3FAB]  }
0x31: {  	[smem:$0x3FB4] =	sst s10  }
0x32: {  	s10 =	sld [smem:$0x3FB2];
	_ =	sdelay $0x3  }
0x33: {  	p0 =	seq.s32 s10, $0x1;
	s10 =	sld [smem:$0x3FB4];
	_ =	sdelay $0x3  }
0x34: {  	[smem:$0x3FB4] =	sst s10  }
0x35: {  	s10 =	sld [smem:$0x3FB3];
	_ =	sdelay $0x3  }
0x36: {  	p1 =	seq.s32 s10, $0x1;
	s10 =	sld [smem:$0x3FB4];
	_ =	sdelay $0x3  }
0x37: {  	[smem:$0x3FB4] =	sst s10  }
0x38: {  	s10 =	sld [smem:$0x3FB5]  }
0x39: {  	_ = 	snop;
	(pc) =	sbr.ind lr, $3  }
0x3a: {  	_ = 	snop  }
0x3b: {  	_ = 	snop  }
0x3c: {  	p2 =	seq.s32 s10, $0x1;
	s10 =	sld [smem:$0x3FB4]  }
0x3d: {  	_ =	shalt  }
0x3e: {  	_ =	shalt  }
0x3f: {  	_ =	shalt  }
0x40: {  	_ =	shalt  }
0x41: {  	_ =	shalt  }
0x42: {  	_ =	shalt  }
0x43: {  	_ =	shalt  }
0x44: {  	_ =	shalt  }
0x45: {  	_ =	shalt  }
0x46: {  	_ =	shalt  }
0x47: {  	_ =	shalt  }
0x48: {  	_ =	shalt  }
0x49: {  	_ =	shalt  }
0x4a: {  	_ =	shalt  }
0x4b: {  	_ =	shalt  }
0x4c: {  	_ =	shalt  }
0x4d: {  	_ =	shalt  }
0x4e: {  	_ =	shalt  }
0x4f: {  	_ =	shalt  }
0x50: {  	_ =	shalt  }
0x51: {  	_ =	shalt  }
0x52: {  	_ =	shalt  }
0x53: {  	_ =	shalt  }
0x54: {  	_ =	shalt  }
0x55: {  	_ =	shalt  }
0x56: {  	_ =	shalt  }
0x57: {  	_ =	shalt  }
0x58: {  	_ =	shalt  }
0x59: {  	_ =	shalt  }
0x5a: {  	_ =	shalt  }
0x5b: {  	_ =	shalt  }
0x5c: {  	_ =	shalt  }
0x5d: {  	_ =	shalt  }
0x5e: {  	_ =	shalt  }
0x5f: {  	_ =	shalt  }
0x60: {  	_ =	shalt  }
0x61: {  	_ =	shalt  }
0x62: {  	_ =	shalt  }
0x63: {  	_ =	shalt  }
0x64: {  	_ =	shalt  }
0x65: {  	_ =	shalt  }
0x66: {  	_ =	shalt  }
0x67: {  	_ =	shalt  }
0x68: {  	_ =	shalt  }
0x69: {  	_ =	shalt  }
0x6a: {  	_ =	shalt  }
0x6b: {  	_ =	shalt  }
0x6c: {  	_ =	shalt  }
0x6d: {  	_ =	shalt  }
0x6e: {  	_ =	shalt  }
0x6f: {  	_ =	shalt  }
0x70: {  	_ =	shalt  }
0x71: {  	_ =	shalt  }
0x72: {  	_ =	shalt  }
0x73: {  	_ =	shalt  }
0x74: {  	_ =	shalt  }
0x75: {  	_ =	shalt  }
0x76: {  	_ =	shalt  }
0x77: {  	_ =	shalt  }
0x78: {  	_ =	shalt  }
0x79: {  	_ =	shalt  }
0x7a: {  	_ =	shalt  }
0x7b: {  	_ =	shalt  }
0x7c: {  	_ =	shalt  }
0x7d: {  	_ =	shalt  }
0x7e: {  	_ =	shalt  }
0x7f: {  	_ =	shalt  }
0x80: {  	_ =	shalt  }
0x81: {  	_ =	shalt  }
0x82: {  	_ =	shalt  }
0x83: {  	_ =	shalt  }
0x84: {  	_ =	shalt  }
0x85: {  	_ =	shalt  }
0x86: {  	_ =	shalt  }
0x87: {  	_ =	shalt  }
.Lfunc_end0:
.L_simem_size_0:
called_computation.1_lowered:
.L_overlay_start_0:
0x88: {  	s2 =	sld [smem:$0x3FD9]  }
0x89: {  	s3 =	sld [smem:$0x3FFE];
	_ =	sdelay $0x1  }
0x8a: {  	s1 =	srdreg.scid  }
0x8b: {  	s0 =	sand.u32 $0x1, s1  }
0x8c: {  	s17 =	sshll.u32 s0, $0xA;
	s2 =	sadd.s32 s3, s2  }
0x8d: {  	s2 =	sadd.s32 s2, s17  }
0x8e: {  	[smem:$0x3FC0] =	sst s2  }
0x8f: {  	_ = 	snop  }
0x90: {  	s2 =	sld [smem:$0x3FD0];
	(tm) =	ssettm $0x1  }
0x91: {  	s18 =	sld [smem:$0x3FFB];
	_ =	sdelay $0x3  }
0x92: {  	_ =	strace s18  }
0x93: {  	s3 =	sld [smem:$0x3FFC];
	_ =	sdelay $0x3  }
0x94: {  	_ =	strace s3  }
0x95: {  	s3 =	sld [smem:$0x3FFD];
	_ =	sdelay $0x3  }
0x96: {  	_ =	strace s3  }
0x97: {  	_ =	strace $0x8FFFFFFF  }
0x98: {  	s19 =	sld [smem:$0x3FDB];
	_ =	sdelay $0x1  }
0x99: {  	s4 =	simm.s32 $_scs_section_size  }
0x9a: {  	s5 =	simm.s32 $_size__tile_overlayer_lowered;
	s6 =	simm.s32 $_tile_overlayer_lowered  }
0x9b: {  	s22 =	simm.s32 $0x1BFF;
	s21 =	sshll.u32 s6, $0x1;
	s3 =	sadd.s32 s4, s19  }
0x9c: {  	s7 =	simm.s32 $0x0;
	s20 =	sshll.u32 s5, $0x1;
	s5 =	sadd.s32 s21, s3  }
0x9d: {  	[timem:s7], [sflag:s22] =	dma.local [hbm:s5], s20  }
0x9e: {  	_ =	swait.ge [sflag:s22], s20  }
0x9f: {  	s4 =	ssub.s32 $0x0, s20;
	[sflag:s22] =	ssyncset.done $0x0  }
0xa0: {  	[sflag:s22] =	ssyncadd.s32 s4;
	_ =	sdelay $0x1  }
0xa1: {  	s23 =	simm.s32 $0x1B8B  }
0xa2: {  	_ =	swait.ge [sflag:s23], $0x1  }
0xa3: {  	[sflag:s23] =	ssyncset.done $0x0  }
0xa4: {  	s25 =	simm.s32 $0x1B8E;
	s24 =	sld [smem:$0x3FFE];
	[sflag:s23] =	ssyncadd.s32 $0xFFFFFFFF  }
0xa5: {  	s26 =	simm.s32 $execute0_lowered;
	[smem:$0x3FD2] =	sst s25  }
0xa6: {  	s5 =	sshll.u32 s26, $0x1;
	_ =	strace $0x80000049;
	[dreg:$0x1] =	wrdreg $0xFFFFFFFF  }
0xa7: {  	s28 =	simm.s32 $_size_execute0_lowered;
	s3 =	sadd.s32 s3, s5;
	[dreg:$0x0] =	wrdreg $0x0  }
0xa8: {  	s5 =	sshll.u32 s28, $0x1;
	[dreg:$0x2] =	wrdreg s3  }
0xa9: {  	[dreg:$0x3] =	wrdreg s5  }
0xaa: {  	[dreg:$0x4] =	wrdreg $0xC0  }
0xab: {  	_ =	task [dreg:s7], $0x5FFFF  }
0xac: {  	[dreg:$0x1] =	wrdreg $0xFFFFFFFF  }
0xad: {  	[dreg:$0x0] =	wrdreg $0x60  }
0xae: {  	[dreg:$0x2] =	wrdreg s2  }
0xaf: {  	[dreg:$0x3] =	wrdreg s24  }
0xb0: {  	[dreg:$0x4] =	wrdreg $0xC0000  }
0xb1: {  	[dreg:$0x5] =	wrdreg $0x9  }
0xb2: {  	_ =	task.clear_ibuf [dreg:s7], $0x6FFFF;
	_ =	strace $0x90000049  }
0xb3: {  	s29 =	simm.s32 $0x9;
	_ =	strace $0x8000004B  }
0xb4: {  	_ =	swait.ge [sflag:s29], $0x1  }
0xb5: {  	[sflag:s29] =	ssyncadd.s32 $0xFFFFFFFF  }
0xb6: {  	_ =	strace $0x9000004B  }
0xb7: {  	_ =	sfence  }
0xb8: {  	s30 =	sld [smem:$0x0];
	_ =	sdelay $0x2  }
0xb9: {  	s31 =	sshll.u32 s1, $0xD;
	s1 =	sshrl.u32 s1, $0x2  }
0xba: {  	s3 =	sand.u32 $0x4000, s31;
	s1 =	sadd.s32 s1, s30  }
0xbb: {  	s0 =	sor.u32 s3, s0;
	s1 =	sshll.u32 s1, $0x11  }
0xbc: {  	s0 =	sor.u32 s1, s0  }
0xbd: {  	s0 =	sadd.s32 $0x8F2B, s0  }
0xbe: {  	[sflag:s0] =	ssyncadd.remote.s32 $0x1  }
0xbf: {  	_ =	sfence.sel $0xFFFF  }
0xc0: {  	[dreg:$0x0] =	wrdreg $0xFFFFFFFF;
	(pc) =	sbr.abs _section_cstart, $3  }
0xc1: {  	[dreg:$0x1] =	wrdreg $0xFFFFFFFF  }
0xc2: {  	_ =	task.clear_ibuf [dreg:s7], $0x2FFFF;
	_ =	strace $0x9FFFFFFF  }
0xc3: {  	(tm) =	ssettm $0x7FFFFFFF  }
tec
execute0_lowered:
.L_overlay_start_1:
0x0: {  	(tag) =	ssettag $0x1  }
0x1: {  	s1 =	rddreg [dreg:$0x0]  }
0x2: {  	s5 =	rddreg [dreg:$0x1]  }
0x3: {  	s3 =	rddreg [dreg:$0x2];
	s2 =	srdreg.scid  }
0x4: {  	s0 =	rddreg [dreg:$0x3];
	s4 =	simm.s32 $0x0;
	s15 =	simm.s32 $0x3  }
0x5: {  	s16 =	simm.s32 $0x2C00;
	s17 =	simm.s32 $0x4000;
	s18 =	simm.s32 $0x80  }
0x6: {  	s19 =	simm.s32 $0x8000;
	s20 =	simm.s32 $0x1;
	s21 =	simm.s32 $0x2  }
0x7: {  	s22 =	simm.s32 $0x0;
	s6 =	sand.u32 $0x1, s2;
	s2 =	stileid.u32  }
0x8: {  	[smem:$0x7FF] =	sst s4;
	s12 =	sadd.s32 $0xBE00, s5;
	s8 =	smul.u32 $0x13C000, s6  }
0x9: {  	s7 =	sshll.u32 s6, $0x4;
	s9 =	smul.u32 $0x13C00, s2;
	_ =	strace $0x8000004A  }
0xa: {  	s11 =	smul.u32 $0x4F000, s2;
	s29 =	ssub.s32 $0x2, s6;
	s7 =	sor.u32 s2, s7  }
0xb: {  	s6 =	sshrl.u32 s29, $0x1;
	s10 =	smul.u32 $0x500, s7;
	s8 =	sadd.s32 s9, s8  }
0xc: {  	s30 =	sshrl.u32 s11, $0x2;
	s31 =	smul.u32 $0x2800, s7;
	s14 =	ssub.s32 s29, s6  }
0xd: {  	s8 =	sshrl.u32 s8, $0x3;
	s6 =	sadd.s32 s30, s3;
	s14 =	smax.u32 s14, $0x1  }
0xe: {  	s28 =	sadd.s32 s10, s5;
	s13 =	sadd.s32 s8, s5;
	s7 =	sadd.s32 s12, s10  }
0xf: {  	s8 =	sadd.s32 $0x4000, s6;
	s11 =	sshrl.u32 s31, $0x3;
	s9 =	sadd.s32 $0x8000, s6  }
0x10: {  	s10 =	sadd.s32 $0xC000, s6;
	s5 =	sadd.s32 $0x1E00, s28;
	s12 =	sadd.s32 s12, s11  }
0x11: {  	v0 =	vimm.s32 $0x0;
	v1 =	vimm.f32 $0.0e+00;
	s11 =	sadd.s32 $0xFC00, s6;
	s13 =	sadd.s32 $0x15E00, s13;
	s12 =	sadd.s32 $0x280, s12  }
.LBB2_1:
0x12: {  	[tilespmem:s4], [sflag:$0x3] =	stream.linear.gather [hbm4b:s5+s4], $0x2800, $0x38;
	[tilespmem:$0x1FC00] =	vst v63  }
0x13: {  	_ =	swait.ge [sflag:s15], $0x2800  }
0x14: {  	[sflag:s15] =	ssyncset.done $0x0  }
0x15: {  	[sflag:s15] =	ssyncadd.s32 $0xFFFFD800  }
0x16: {  	[tilespmem:s16], [sflag:$0x3] =	stream.linear.gather [hbm4b:s7+s4], $0x1400, $0x38;
	[tilespmem:$0x1FC00] =	vst v63  }
0x17: {  	_ =	swait.ge [sflag:s15], $0x1400  }
0x18: {  	[sflag:s15] =	ssyncset.done $0x0  }
0x19: {  	[sflag:s15] =	ssyncadd.s32 $0xFFFFEC00  }
0x1a: {  	[tilespmem:$0x2800] =	vst v0  }
0x1b: {  	[tilespmem:$0x2810] =	vst v0  }
0x1c: {  	[tilespmem:$0x2820] =	vst v0  }
0x1d: {  	[tilespmem:$0x2830] =	vst v0  }
0x1e: {  	[tilespmem:$0x2840] =	vst v0  }
0x1f: {  	[tilespmem:$0x2850] =	vst v0  }
0x20: {  	[tilespmem:$0x2860] =	vst v0  }
0x21: {  	s23 =	simm.s32 $0x0;
	s24 =	simm.s32 $0x200;
	[tilespmem:$0x2870] =	vst v0  }
.LBB2_2:
0x22: {  	p0 =	sne.s32 s24, $0xFE00;
	[tilespmem:s23+$0x4070] =	vst v1  }
0x23: {  	[tilespmem:s23+$0x4000] =	vst v1  }
0x24: {  	[tilespmem:s23+$0x4010] =	vst v1  }
.Ltmp0:
0x25: {  	[tilespmem:s23+$0x4020] =	vst v1;
	(pc) =	sbr.rel @p0 .LBB2_2-.Ltmp0, $4  }
0x26: {  	[tilespmem:s23+$0x4030] =	vst v1  }
0x27: {  	[tilespmem:s23+$0x4040] =	vst v1  }
0x28: {  	[tilespmem:s23+$0x4050] =	vst v1  }
0x29: {  	[tilespmem:s23+$0x4060] =	vst v1;
	s23 =	sshra.s32 s24, $0x2;
	s24 =	sadd.s32 $0x200, s24  }
0x2a: {  	[tilespmem:s23+$0x4070] =	vst v1  }
0x2b: {  	[tilespmem:s23+$0x4000] =	vst v1  }
0x2c: {  	[tilespmem:s23+$0x4010] =	vst v1  }
0x2d: {  	[tilespmem:s23+$0x4020] =	vst v1  }
0x2e: {  	[tilespmem:s23+$0x4030] =	vst v1  }
0x2f: {  	[tilespmem:s23+$0x4040] =	vst v1  }
0x30: {  	[tilespmem:s23+$0x4050] =	vst v1  }
0x31: {  	[tilespmem:s23+$0x4060] =	vst v1  }
0x32: {  	[spmem:s6] =	stream.linear.scatter [tilespmem:s17], [sflag:$0x3], $0x4000, $0x38;
	[tilespmem:$0x1FC00] =	vst v63  }
0x33: {  	_ =	swait.ge [sflag:s15], $0x4000  }
0x34: {  	[sflag:s15] =	ssyncset.done $0x0  }
0x35: {  	[sflag:s15] =	ssyncadd.s32 $0xFFFFC000  }
0x36: {  	[spmem:s8] =	stream.linear.scatter [tilespmem:s17], [sflag:$0x3], $0x4000, $0x38;
	[tilespmem:$0x1FC00] =	vst v63  }
0x37: {  	_ =	swait.ge [sflag:s15], $0x4000  }
0x38: {  	[sflag:s15] =	ssyncset.done $0x0  }
0x39: {  	[sflag:s15] =	ssyncadd.s32 $0xFFFFC000  }
0x3a: {  	[spmem:s9] =	stream.linear.scatter [tilespmem:s17], [sflag:$0x3], $0x4000, $0x38;
	[tilespmem:$0x1FC00] =	vst v63  }
0x3b: {  	_ =	swait.ge [sflag:s15], $0x4000  }
0x3c: {  	[sflag:s15] =	ssyncset.done $0x0  }
0x3d: {  	[sflag:s15] =	ssyncadd.s32 $0xFFFFC000  }
0x3e: {  	[spmem:s10] =	stream.linear.scatter [tilespmem:s17], [sflag:$0x3], $0x4000, $0x38;
	[tilespmem:$0x1FC00] =	vst v63  }
0x3f: {  	_ =	swait.ge [sflag:s15], $0x4000  }
0x40: {  	[sflag:s15] =	ssyncset.done $0x0  }
0x41: {  	[sflag:s15] =	ssyncadd.s32 $0xFFFFC000  }
0x42: {  	[spmem:s11] =	stream.linear.scatter [tilespmem:s17], [sflag:$0x3], $0x4000, $0x38;
	[tilespmem:$0x1FC00] =	vst v63  }
0x43: {  	_ =	swait.ge [sflag:s15], $0x4000  }
0x44: {  	[sflag:s15] =	ssyncset.done $0x0  }
0x45: {  	[sflag:s15] =	ssyncadd.s32 $0xFFFFC000  }
0x46: {  	s26 =	simm.s32 $0x0;
	[bflag:$0x0] =	sbarrier.arrive $0xFFFF  }
0x47: {  	[tilespmem:s17], [sflag:$0x1] =	stream.indirect.gather [hbm4b:s1+s18], $0x80, s26, s18, $0xb8;
	[tilespmem:$0x1FC00] =	vst v63  }
0x48: {  	s28 =	simm.s32 $0x80  }
0x49: {  	[tilespmem:s19], [sflag:$0x2] =	stream.indirect.gather [hbm4b:s1+s18], $0x80, s28, s18, $0xb8;
	[tilespmem:$0x1FC00] =	vst v63  }
0x4a: {  	_ =	swait.ge [sflag:s20], $0x4000  }
0x4b: {  	[sflag:s20] =	ssyncset.done $0x0  }
0x4c: {  	s29 =	simm.s32 $0x2C00;
	[sflag:s20] =	ssyncadd.s32 $0xFFFFC000  }
0x4d: {  	[spmem:s3] =	stream.indirect.scatter.add.f32 [tilespmem:s17], [sflag:$0x3], $0x80, s29, s18, $0xb8;
	[tilespmem:$0x1FC00] =	vst v63  }
0x4e: {  	_ =	swait.ge [sflag:s15], $0x4000  }
0x4f: {  	[sflag:s15] =	ssyncset.done $0x0  }
0x50: {  	s30 =	simm.s32 $0x100;
	[sflag:s15] =	ssyncadd.s32 $0xFFFFC000  }
0x51: {  	[tilespmem:s17], [sflag:$0x1] =	stream.indirect.gather [hbm4b:s1+s18], $0x80, s30, s18, $0xb8;
	[tilespmem:$0x1FC00] =	vst v63  }
0x52: {  	_ =	swait.ge [sflag:s21], $0x4000  }
0x53: {  	[sflag:s21] =	ssyncset.done $0x0  }
0x54: {  	s31 =	simm.s32 $0x2C80;
	[sflag:s21] =	ssyncadd.s32 $0xFFFFC000  }
0x55: {  	[spmem:s3] =	stream.indirect.scatter.add.f32 [tilespmem:s19], [sflag:$0x3], $0x80, s31, s18, $0xb8;
	[tilespmem:$0x1FC00] =	vst v63  }
0x56: {  	_ =	swait.ge [sflag:s15], $0x4000  }
0x57: {  	s24 =	simm.s32 $0x800;
	s23 =	simm.s32 $0x100;
	[sflag:s15] =	ssyncset.done $0x0  }
.LBB2_4:
0x58: {  	s25 =	sadd.s32 $0x80, s23  }
0x59: {  	[sflag:s15] =	ssyncadd.s32 $0xFFFFC000;
	s26 =	smov.u32 s24;
	s28 =	sadd.s32 $0x400, s24  }
0x5a: {  	[tilespmem:s19], [sflag:$0x2] =	stream.indirect.gather [hbm4b:s1+s18], $0x80, s25, s18, $0xb8;
	[tilespmem:$0x1FC00] =	vst v63  }
0x5b: {  	p0 =	sne.s32 s24, $0x4C00;
	_ =	swait.ge [sflag:s20], $0x4000  }
0x5c: {  	[sflag:s20] =	ssyncset.done $0x0  }
0x5d: {  	s24 =	sadd.s32 $0x2C00, s23;
	[sflag:s20] =	ssyncadd.s32 $0xFFFFC000  }
0x5e: {  	[spmem:s3] =	stream.indirect.scatter.add.f32 [tilespmem:s17], [sflag:$0x3], $0x80, s24, s18, $0xb8;
	[tilespmem:$0x1FC00] =	vst v63  }
0x5f: {  	_ =	swait.ge [sflag:s15], $0x4000  }
0x60: {  	[sflag:s15] =	ssyncset.done $0x0  }
0x61: {  	s24 =	sadd.s32 $0x100, s23;
	[sflag:s15] =	ssyncadd.s32 $0xFFFFC000  }
0x62: {  	[tilespmem:s17], [sflag:$0x1] =	stream.indirect.gather [hbm4b:s1+s18], $0x80, s24, s18, $0xb8;
	[tilespmem:$0x1FC00] =	vst v63  }
0x63: {  	_ =	swait.ge [sflag:s21], $0x4000  }
.Ltmp1:
0x64: {  	[sflag:s21] =	ssyncset.done $0x0;
	(pc) =	sbr.rel @p0 .LBB2_4-.Ltmp1, $4  }
0x65: {  	s23 =	sadd.s32 $0x2C80, s23;
	[sflag:s21] =	ssyncadd.s32 $0xFFFFC000  }
0x66: {  	[spmem:s3] =	stream.indirect.scatter.add.f32 [tilespmem:s19], [sflag:$0x3], $0x80, s23, s18, $0xb8;
	[tilespmem:$0x1FC00] =	vst v63  }
0x67: {  	_ =	swait.ge [sflag:s15], $0x4000  }
0x68: {  	s24 =	smov.u32 s28;
	s23 =	sshra.s32 s26, $0x2;
	[sflag:s15] =	ssyncset.done $0x0  }
0x69: {  	s24 =	sadd.s32 $0x80, s23;
	[sflag:s15] =	ssyncadd.s32 $0xFFFFC000  }
0x6a: {  	[tilespmem:s19], [sflag:$0x2] =	stream.indirect.gather [hbm4b:s1+s18], $0x80, s24, s18, $0xb8;
	[tilespmem:$0x1FC00] =	vst v63  }
0x6b: {  	_ =	swait.ge [sflag:s20], $0x4000  }
0x6c: {  	[sflag:s20] =	ssyncset.done $0x0  }
0x6d: {  	s30 =	sadd.s32 $0x2C00, s23;
	[sflag:s20] =	ssyncadd.s32 $0xFFFFC000  }
0x6e: {  	[spmem:s3] =	stream.indirect.scatter.add.f32 [tilespmem:s17], [sflag:$0x3], $0x80, s30, s18, $0xb8;
	[tilespmem:$0x1FC00] =	vst v63  }
0x6f: {  	_ =	swait.ge [sflag:s15], $0x4000  }
0x70: {  	[sflag:s15] =	ssyncset.done $0x0  }
0x71: {  	s31 =	sadd.s32 $0x100, s23;
	[sflag:s15] =	ssyncadd.s32 $0xFFFFC000  }
0x72: {  	[tilespmem:s17], [sflag:$0x1] =	stream.indirect.gather [hbm4b:s1+s18], $0x80, s31, s18, $0xb8;
	[tilespmem:$0x1FC00] =	vst v63  }
0x73: {  	_ =	swait.ge [sflag:s21], $0x4000  }
0x74: {  	[sflag:s21] =	ssyncset.done $0x0  }
0x75: {  	s25 =	sadd.s32 $0x2C80, s23;
	[sflag:s21] =	ssyncadd.s32 $0xFFFFC000  }
0x76: {  	[spmem:s3] =	stream.indirect.scatter.add.f32 [tilespmem:s19], [sflag:$0x3], $0x80, s25, s18, $0xb8;
	[tilespmem:$0x1FC00] =	vst v63  }
0x77: {  	_ =	swait.ge [sflag:s15], $0x4000  }
0x78: {  	[sflag:s15] =	ssyncset.done $0x0  }
0x79: {  	s26 =	simm.s32 $0x0;
	[sflag:s15] =	ssyncadd.s32 $0xFFFFC000  }
0x7a: {  	[tilespmem:s16], [sflag:$0x3] =	stream.linear.gather [hbm4b:s12+s26], $0x1400, $0x38;
	[tilespmem:$0x1FC00] =	vst v63  }
0x7b: {  	_ =	swait.ge [sflag:s15], $0x1400  }
0x7c: {  	[sflag:s15] =	ssyncset.done $0x0  }
0x7d: {  	s28 =	simm.s32 $0x1480;
	[sflag:s15] =	ssyncadd.s32 $0xFFFFEC00  }
0x7e: {  	[tilespmem:s19], [sflag:$0x2] =	stream.indirect.gather [hbm4b:s1+s18], $0x80, s28, s18, $0xb8;
	[tilespmem:$0x1FC00] =	vst v63  }
0x7f: {  	_ =	swait.ge [sflag:s20], $0x4000  }
0x80: {  	[sflag:s20] =	ssyncset.done $0x0  }
0x81: {  	s29 =	simm.s32 $0x2C00;
	[sflag:s20] =	ssyncadd.s32 $0xFFFFC000  }
0x82: {  	[spmem:s3] =	stream.indirect.scatter.add.f32 [tilespmem:s17], [sflag:$0x3], $0x80, s29, s18, $0xb8;
	[tilespmem:$0x1FC00] =	vst v63  }
0x83: {  	_ =	swait.ge [sflag:s15], $0x4000  }
0x84: {  	[sflag:s15] =	ssyncset.done $0x0  }
0x85: {  	s30 =	simm.s32 $0x1500;
	[sflag:s15] =	ssyncadd.s32 $0xFFFFC000  }
0x86: {  	[tilespmem:s17], [sflag:$0x1] =	stream.indirect.gather [hbm4b:s1+s18], $0x80, s30, s18, $0xb8;
	[tilespmem:$0x1FC00] =	vst v63  }
0x87: {  	_ =	swait.ge [sflag:s21], $0x4000  }
0x88: {  	[sflag:s21] =	ssyncset.done $0x0  }
0x89: {  	s31 =	simm.s32 $0x2C80;
	[sflag:s21] =	ssyncadd.s32 $0xFFFFC000  }
0x8a: {  	[spmem:s3] =	stream.indirect.scatter.add.f32 [tilespmem:s19], [sflag:$0x3], $0x80, s31, s18, $0xb8;
	[tilespmem:$0x1FC00] =	vst v63  }
0x8b: {  	_ =	swait.ge [sflag:s15], $0x4000  }
0x8c: {  	s23 =	simm.s32 $0x100;
	s24 =	simm.s32 $0x800;
	[sflag:s15] =	ssyncset.done $0x0  }
.LBB2_6:
0x8d: {  	s25 =	sadd.s32 $0x1480, s23  }
0x8e: {  	[sflag:s15] =	ssyncadd.s32 $0xFFFFC000;
	s26 =	smov.u32 s24;
	s28 =	sadd.s32 $0x400, s24  }
0x8f: {  	[tilespmem:s19], [sflag:$0x2] =	stream.indirect.gather [hbm4b:s1+s18], $0x80, s25, s18, $0xb8;
	[tilespmem:$0x1FC00] =	vst v63  }
0x90: {  	p0 =	sne.s32 s24, $0x4C00;
	_ =	swait.ge [sflag:s20], $0x4000  }
0x91: {  	[sflag:s20] =	ssyncset.done $0x0  }
0x92: {  	s24 =	sadd.s32 $0x2C00, s23;
	[sflag:s20] =	ssyncadd.s32 $0xFFFFC000  }
0x93: {  	[spmem:s3] =	stream.indirect.scatter.add.f32 [tilespmem:s17], [sflag:$0x3], $0x80, s24, s18, $0xb8;
	[tilespmem:$0x1FC00] =	vst v63  }
0x94: {  	_ =	swait.ge [sflag:s15], $0x4000  }
0x95: {  	[sflag:s15] =	ssyncset.done $0x0  }
0x96: {  	s24 =	sadd.s32 $0x1500, s23;
	[sflag:s15] =	ssyncadd.s32 $0xFFFFC000  }
0x97: {  	[tilespmem:s17], [sflag:$0x1] =	stream.indirect.gather [hbm4b:s1+s18], $0x80, s24, s18, $0xb8;
	[tilespmem:$0x1FC00] =	vst v63  }
0x98: {  	_ =	swait.ge [sflag:s21], $0x4000  }
.Ltmp2:
0x99: {  	[sflag:s21] =	ssyncset.done $0x0;
	(pc) =	sbr.rel @p0 .LBB2_6-.Ltmp2, $4  }
0x9a: {  	s23 =	sadd.s32 $0x2C80, s23;
	[sflag:s21] =	ssyncadd.s32 $0xFFFFC000  }
0x9b: {  	[spmem:s3] =	stream.indirect.scatter.add.f32 [tilespmem:s19], [sflag:$0x3], $0x80, s23, s18, $0xb8;
	[tilespmem:$0x1FC00] =	vst v63  }
0x9c: {  	_ =	swait.ge [sflag:s15], $0x4000  }
0x9d: {  	s24 =	smov.u32 s28;
	s23 =	sshra.s32 s26, $0x2;
	[sflag:s15] =	ssyncset.done $0x0  }
0x9e: {  	s24 =	sadd.s32 $0x1480, s23;
	[sflag:s15] =	ssyncadd.s32 $0xFFFFC000  }
0x9f: {  	[tilespmem:s19], [sflag:$0x2] =	stream.indirect.gather [hbm4b:s1+s18], $0x80, s24, s18, $0xb8;
	[tilespmem:$0x1FC00] =	vst v63  }
0xa0: {  	_ =	swait.ge [sflag:s20], $0x4000  }
0xa1: {  	[sflag:s20] =	ssyncset.done $0x0  }
0xa2: {  	s26 =	sadd.s32 $0x2C00, s23;
	[sflag:s20] =	ssyncadd.s32 $0xFFFFC000  }
0xa3: {  	[spmem:s3] =	stream.indirect.scatter.add.f32 [tilespmem:s17], [sflag:$0x3], $0x80, s26, s18, $0xb8;
	[tilespmem:$0x1FC00] =	vst v63  }
0xa4: {  	_ =	swait.ge [sflag:s15], $0x4000  }
0xa5: {  	[sflag:s15] =	ssyncset.done $0x0  }
0xa6: {  	s28 =	sadd.s32 $0x1500, s23;
	[sflag:s15] =	ssyncadd.s32 $0xFFFFC000  }
0xa7: {  	[tilespmem:s17], [sflag:$0x1] =	stream.indirect.gather [hbm4b:s1+s18], $0x80, s28, s18, $0xb8;
	[tilespmem:$0x1FC00] =	vst v63  }
0xa8: {  	_ =	swait.ge [sflag:s21], $0x4000  }
0xa9: {  	[sflag:s21] =	ssyncset.done $0x0  }
0xaa: {  	s29 =	sadd.s32 $0x2C80, s23;
	[sflag:s21] =	ssyncadd.s32 $0xFFFFC000  }
0xab: {  	[spmem:s3] =	stream.indirect.scatter.add.f32 [tilespmem:s19], [sflag:$0x3], $0x80, s29, s18, $0xb8;
	[tilespmem:$0x1FC00] =	vst v63  }
0xac: {  	_ =	swait.ge [sflag:s15], $0x4000  }
0xad: {  	[sflag:s15] =	ssyncset.done $0x0  }
0xae: {  	[sflag:s15] =	ssyncadd.s32 $0xFFFFC000  }
0xaf: {  	_ =	swait.ge [sflag:s20], $0x4000  }
0xb0: {  	s30 =	sshll.u32 s2, $0x6;
	s22 =	sadd.s32 $0x1, s22;
	[sflag:s20] =	ssyncset.done $0x0  }
0xb1: {  	s31 =	sshrl.u32 s6, $0x3;
	p0 =	sne.s32 s22, s14;
	[sflag:s20] =	ssyncadd.s32 $0xFFFFC000  }
.Ltmp3:
0xb2: {  	s23 =	sor.u32 $0x1C03, s30;
	[bflag:$0x0] =	sbarrier.arrive $0xFFFF;
	(pc) =	sbr.rel @p0 .LBB2_1-.Ltmp3, $4  }
0xb3: {  	[hbm:s13], [sflag:s23] =	dma.local [spmem:s31], $0x2780  }
0xb4: {  	_ =	swait.ge [sflag:s15], $0x2780  }
0xb5: {  	[sflag:s15] =	ssyncset.done $0x0  }
0xb6: {  	[sflag:s15] =	ssyncadd.s32 $0xFFFFD880  }
0xb7: {  	_ =	sfence.sel $0x180000  }
0xb8: {  	[bflag:$0x0] =	sbarrier.arrive $0xFFFF  }
0xb9: {  	p0 =	sne.s32 s2, $0x0;
	_ =	strace $0x9000004A  }
0xba: {  	s0 =	sadd.s32 @!p0 $0x100000, s0;
	[bflag:$0x2] =	sbarrier.arrive $0xFFFF  }
0xbb: {  	[sflag:s0] =	ssyncadd.tile.s32 @!p0 $0x1;
	_ =	shalt  }
.Lfunc_end2:
_tile_overlayer_lowered:
.L_overlay_start_2:
0xbc: {  	(tag) =	ssettag $0x2  }
0xbd: {  	s0 =	rddreg [dreg:$0x0];
	s2 =	stileid.u32  }
0xbe: {  	s1 =	rddreg [dreg:$0x1];
	p0 =	sne.s32 s2, $0x0  }
0xbf: {  	s3 =	rddreg [dreg:$0x2];
	[bflag:$0x3] =	sbarrier.arrive $0xFFFF;
	s2 =	simm.s32 @!p0 $0x1C03  }
0xc0: {  	[timem:s3], [sflag:s2] =	dma.local @!p0 [hbm:s0], s1  }
0xc1: {  	s0 =	simm.s32 @!p0 $0x3  }
0xc2: {  	_ =	swait.ge @!p0 [sflag:s0], s1  }
0xc3: {  	s1 =	ssub.s32 @!p0 $0x0, s1;
	[sflag:s0] =	ssyncset.done @!p0 $0x0  }
0xc4: {  	[sflag:s0] =	ssyncadd.s32 @!p0 s1  }
0xc5: {  	[bflag:$0x3] =	sbarrier.arrive $0xFFFF  }
0xc6: {  	_ =	shalt  }

// kernel: kernel.7.cloned.1.call-start
scs
__scs_entry_jumppad:
0x0: {  	(pc) =	sbr.rel $0x88, $3  }
0x1: {  	(tag) =	ssettag $0x0;
	lr =	simm.s32 $0x1  }
0x2: {  	[smem:$0x3F99] =	sst lr;
	_ =	strace $0xD0000000  }
0x3: {  	_ = 	snop  }
0x4: {  	_ = 	snop  }
0x5: {  	_ = 	snop  }
0x6: {  	_ = 	snop  }
0x7: {  	_ = 	snop  }
__scs_overlays_trampoline_lowered:
0x8: {  	[smem:$0x3FA8] =	sst s0  }
0x9: {  	[smem:$0x3FA9] =	sst s1  }
0xa: {  	[smem:$0x3FAA] =	sst s2  }
0xb: {  	[smem:$0x3FAB] =	sst s3  }
0xc: {  	[smem:$0x3FAC] =	sst s4  }
0xd: {  	[smem:$0x3FAD] =	sst s5  }
0xe: {  	[smem:$0x3FAE] =	sst s6  }
0xf: {  	[smem:$0x3FAF] =	sst s7  }
0x10: {  	[smem:$0x3FB0] =	sst s8  }
0x11: {  	[smem:$0x3FB1] =	sst s9;
	s0 =	simm.s32 @!p0 $0x0  }
0x12: {  	s1 =	sld [smem:$0x3F97];
	s0 =	simm.s32 @p0 $0x1  }
0x13: {  	[smem:$0x3FB2] =	sst s0;
	s0 =	simm.s32 @!p1 $0x0  }
0x14: {  	s2 =	sld [smem:$0x3F96];
	s0 =	simm.s32 @p1 $0x1  }
0x15: {  	[smem:$0x3FB3] =	sst s0;
	s0 =	simm.s32 @!p2 $0x0  }
0x16: {  	s3 =	sld [smem:$0x3FDB];
	s0 =	simm.s32 @p2 $0x1  }
0x17: {  	s4 =	simm.s32 $0x1BF5;
	[smem:$0x3FB5] =	sst s0  }
0x18: {  	s0 =	sld [smem:$0x3F98];
	_ =	swait.ge [sflag:s4], $0x0  }
0x19: {  	s7 =	sld [smem:$0x3F99]  }
0x1a: {  	s8 =	sadd.s32 $0xFFFFE003, lr  }
0x1b: {  	s9 =	sadd.s32 $0xFFFFFEF7, lr;
	s5 =	simm.s32 $0xFFFFFFFF;
	p2 =	slt.u32 s8, $0xFFFFF086  }
0x1c: {  	p1 =	slt.u32 s9, $0xF7A;
	s5 =	simm.s32 @!p2 $0x0  }
0x1d: {  	s5 =	simm.s32 @p1 $0x1;
	p0 =	seq.s32 s7, s2  }
0x1e: {  	s7 =	smul.u32 @!p0 $0xF7A, s2;
	p2 =	seq.s32 @!p0 s5, $0x0  }
0x1f: {  	s9 =	smul.u32 $0xF7A, s1;
	s8 =	simm.s32 @!p0 $0x1BF5;
	p2 =	por !p2, p0  }
0x20: {  	[sflag:s8] =	ssyncset.s32 @!p0 $0xFFFFF086;
	s6 =	sadd.s32 @!p0 s3, s7;
	s7 =	simm.s32 @!p0 $0x108  }
0x21: {  	s3 =	sadd.s32 s3, s9;
	s6 =	sadd.s32 @!p0 $0x88, s6;
	s7 =	simm.s32 @p2 $0x1082  }
0x22: {  	[simem:s7], [sflag:s8] =	dma.local @!p0 [hbm:s6], $0xF7A  }
0x23: {  	s9 =	sor.u32 $0xD0000000, s2;
	s6 =	simm.s32 $0x108;
	_ =	swait.ge @!p0 [sflag:s8], $0x0  }
0x24: {  	s3 =	sadd.s32 $0x88, s3;
	s6 =	simm.s32 @!p1 $0x1082;
	[sflag:s4] =	ssyncset.s32 $0xFFFFF086  }
0x25: {  	[simem:s6], [sflag:s4] =	dma.local [hbm:s3], $0xF7A  }
0x26: {  	[smem:$0x3F99] =	sst s1;
	(tag) =	ssettag s2;
	_ =	strace s9  }
0x27: {  	s1 =	sld [smem:$0x3FA9]  }
0x28: {  	s2 =	sld [smem:$0x3FAA]  }
0x29: {  	s4 =	sld [smem:$0x3FAC]  }
0x2a: {  	p0 =	seq.s32 s5, $0x0;
	s5 =	sld [smem:$0x3FAD]  }
0x2b: {  	s6 =	sld [smem:$0x3FAE]  }
0x2c: {  	s7 =	sld [smem:$0x3FAF]  }
0x2d: {  	s3 =	simm.s32 $0x108;
	s8 =	sld [smem:$0x3FB0]  }
0x2e: {  	s3 =	simm.s32 @!p0 $0x1082;
	s9 =	sld [smem:$0x3FB1]  }
0x2f: {  	lr =	sadd.s32 s0, s3;
	s0 =	sld [smem:$0x3FA8]  }
0x30: {  	s3 =	sld [smem:$0x3FAB]  }
0x31: {  	[smem:$0x3FB4] =	sst s10  }
0x32: {  	s10 =	sld [smem:$0x3FB2];
	_ =	sdelay $0x3  }
0x33: {  	p0 =	seq.s32 s10, $0x1;
	s10 =	sld [smem:$0x3FB4];
	_ =	sdelay $0x3  }
0x34: {  	[smem:$0x3FB4] =	sst s10  }
0x35: {  	s10 =	sld [smem:$0x3FB3];
	_ =	sdelay $0x3  }
0x36: {  	p1 =	seq.s32 s10, $0x1;
	s10 =	sld [smem:$0x3FB4];
	_ =	sdelay $0x3  }
0x37: {  	[smem:$0x3FB4] =	sst s10  }
0x38: {  	s10 =	sld [smem:$0x3FB5]  }
0x39: {  	_ = 	snop;
	(pc) =	sbr.ind lr, $3  }
0x3a: {  	_ = 	snop  }
0x3b: {  	_ = 	snop  }
0x3c: {  	p2 =	seq.s32 s10, $0x1;
	s10 =	sld [smem:$0x3FB4]  }
0x3d: {  	_ =	shalt  }
0x3e: {  	_ =	shalt  }
0x3f: {  	_ =	shalt  }
0x40: {  	_ =	shalt  }
0x41: {  	_ =	shalt  }
0x42: {  	_ =	shalt  }
0x43: {  	_ =	shalt  }
0x44: {  	_ =	shalt  }
0x45: {  	_ =	shalt  }
0x46: {  	_ =	shalt  }
0x47: {  	_ =	shalt  }
0x48: {  	_ =	shalt  }
0x49: {  	_ =	shalt  }
0x4a: {  	_ =	shalt  }
0x4b: {  	_ =	shalt  }
0x4c: {  	_ =	shalt  }
0x4d: {  	_ =	shalt  }
0x4e: {  	_ =	shalt  }
0x4f: {  	_ =	shalt  }
0x50: {  	_ =	shalt  }
0x51: {  	_ =	shalt  }
0x52: {  	_ =	shalt  }
0x53: {  	_ =	shalt  }
0x54: {  	_ =	shalt  }
0x55: {  	_ =	shalt  }
0x56: {  	_ =	shalt  }
0x57: {  	_ =	shalt  }
0x58: {  	_ =	shalt  }
0x59: {  	_ =	shalt  }
0x5a: {  	_ =	shalt  }
0x5b: {  	_ =	shalt  }
0x5c: {  	_ =	shalt  }
0x5d: {  	_ =	shalt  }
0x5e: {  	_ =	shalt  }
0x5f: {  	_ =	shalt  }
0x60: {  	_ =	shalt  }
0x61: {  	_ =	shalt  }
0x62: {  	_ =	shalt  }
0x63: {  	_ =	shalt  }
0x64: {  	_ =	shalt  }
0x65: {  	_ =	shalt  }
0x66: {  	_ =	shalt  }
0x67: {  	_ =	shalt  }
0x68: {  	_ =	shalt  }
0x69: {  	_ =	shalt  }
0x6a: {  	_ =	shalt  }
0x6b: {  	_ =	shalt  }
0x6c: {  	_ =	shalt  }
0x6d: {  	_ =	shalt  }
0x6e: {  	_ =	shalt  }
0x6f: {  	_ =	shalt  }
0x70: {  	_ =	shalt  }
0x71: {  	_ =	shalt  }
0x72: {  	_ =	shalt  }
0x73: {  	_ =	shalt  }
0x74: {  	_ =	shalt  }
0x75: {  	_ =	shalt  }
0x76: {  	_ =	shalt  }
0x77: {  	_ =	shalt  }
0x78: {  	_ =	shalt  }
0x79: {  	_ =	shalt  }
0x7a: {  	_ =	shalt  }
0x7b: {  	_ =	shalt  }
0x7c: {  	_ =	shalt  }
0x7d: {  	_ =	shalt  }
0x7e: {  	_ =	shalt  }
0x7f: {  	_ =	shalt  }
0x80: {  	_ =	shalt  }
0x81: {  	_ =	shalt  }
0x82: {  	_ =	shalt  }
0x83: {  	_ =	shalt  }
0x84: {  	_ =	shalt  }
0x85: {  	_ =	shalt  }
0x86: {  	_ =	shalt  }
0x87: {  	_ =	shalt  }
.Lfunc_end0:
.L_simem_size_0:
called_computation_lowered:
.L_overlay_start_0:
0x88: {  	s2 =	sld [smem:$0x3FD9]  }
0x89: {  	s3 =	sld [smem:$0x3FFE];
	_ =	sdelay $0x1  }
0x8a: {  	s1 =	srdreg.scid  }
0x8b: {  	s0 =	sand.u32 $0x1, s1  }
0x8c: {  	s17 =	sshll.u32 s0, $0xA;
	s2 =	sadd.s32 s3, s2  }
0x8d: {  	s2 =	sadd.s32 s2, s17  }
0x8e: {  	[smem:$0x3FC0] =	sst s2  }
0x8f: {  	_ = 	snop  }
0x90: {  	s2 =	sld [smem:$0x3FD0];
	(tm) =	ssettm $0x1  }
0x91: {  	s18 =	sld [smem:$0x3FFB];
	_ =	sdelay $0x3  }
0x92: {  	_ =	strace s18  }
0x93: {  	s3 =	sld [smem:$0x3FFC];
	_ =	sdelay $0x3  }
0x94: {  	_ =	strace s3  }
0x95: {  	s3 =	sld [smem:$0x3FFD];
	_ =	sdelay $0x3  }
0x96: {  	_ =	strace s3  }
0x97: {  	_ =	strace $0x8FFFFFFF  }
0x98: {  	s19 =	sld [smem:$0x3FDB];
	_ =	sdelay $0x1  }
0x99: {  	s4 =	simm.s32 $_scs_section_size  }
0x9a: {  	s5 =	simm.s32 $_size__tile_overlayer_lowered;
	s6 =	simm.s32 $_tile_overlayer_lowered  }
0x9b: {  	s22 =	simm.s32 $0x1BFF;
	s21 =	sshll.u32 s6, $0x1;
	s3 =	sadd.s32 s4, s19  }
0x9c: {  	s7 =	simm.s32 $0x0;
	s20 =	sshll.u32 s5, $0x1;
	s5 =	sadd.s32 s21, s3  }
0x9d: {  	[timem:s7], [sflag:s22] =	dma.local [hbm:s5], s20  }
0x9e: {  	_ =	swait.ge [sflag:s22], s20  }
0x9f: {  	s4 =	ssub.s32 $0x0, s20;
	[sflag:s22] =	ssyncset.done $0x0  }
0xa0: {  	[sflag:s22] =	ssyncadd.s32 s4;
	_ =	sdelay $0x1  }
0xa1: {  	s23 =	simm.s32 $0x1B8B  }
0xa2: {  	_ =	swait.ge [sflag:s23], $0x1  }
0xa3: {  	[sflag:s23] =	ssyncset.done $0x0  }
0xa4: {  	s25 =	simm.s32 $0x1B8E;
	s24 =	sld [smem:$0x3FFE];
	[sflag:s23] =	ssyncadd.s32 $0xFFFFFFFF  }
0xa5: {  	s26 =	simm.s32 $execute0_lowered;
	[smem:$0x3FD2] =	sst s25  }
0xa6: {  	s5 =	sshll.u32 s26, $0x1;
	_ =	strace $0x80000046;
	[dreg:$0x1] =	wrdreg $0xFFFFFFFF  }
0xa7: {  	s28 =	simm.s32 $_size_execute0_lowered;
	s3 =	sadd.s32 s3, s5;
	[dreg:$0x0] =	wrdreg $0x0  }
0xa8: {  	s5 =	sshll.u32 s28, $0x1;
	[dreg:$0x2] =	wrdreg s3  }
0xa9: {  	[dreg:$0x3] =	wrdreg s5  }
0xaa: {  	[dreg:$0x4] =	wrdreg $0xC0  }
0xab: {  	_ =	task [dreg:s7], $0x5FFFF  }
0xac: {  	[dreg:$0x1] =	wrdreg $0xFFFFFFFF  }
0xad: {  	[dreg:$0x0] =	wrdreg $0x60  }
0xae: {  	[dreg:$0x2] =	wrdreg s2  }
0xaf: {  	[dreg:$0x3] =	wrdreg s24  }
0xb0: {  	[dreg:$0x4] =	wrdreg $0xC0800  }
0xb1: {  	[dreg:$0x5] =	wrdreg $0x1FC800  }
0xb2: {  	[dreg:$0x6] =	wrdreg $0x9  }
0xb3: {  	_ =	task.clear_ibuf [dreg:s7], $0x7FFFF;
	_ =	strace $0x90000046  }
0xb4: {  	s29 =	simm.s32 $0x9;
	_ =	strace $0x80000048  }
0xb5: {  	_ =	swait.ge [sflag:s29], $0x1  }
0xb6: {  	[sflag:s29] =	ssyncadd.s32 $0xFFFFFFFF  }
0xb7: {  	_ =	strace $0x90000048  }
0xb8: {  	_ =	sfence  }
0xb9: {  	s30 =	sld [smem:$0x0];
	_ =	sdelay $0x2  }
0xba: {  	s31 =	sshll.u32 s1, $0xD;
	s1 =	sshrl.u32 s1, $0x2  }
0xbb: {  	s3 =	sand.u32 $0x4000, s31;
	s1 =	sadd.s32 s1, s30  }
0xbc: {  	s0 =	sor.u32 s3, s0;
	s1 =	sshll.u32 s1, $0x11  }
0xbd: {  	s0 =	sor.u32 s1, s0  }
0xbe: {  	s0 =	sadd.s32 $0x8F2B, s0  }
0xbf: {  	[sflag:s0] =	ssyncadd.remote.s32 $0x1  }
0xc0: {  	_ =	sfence.sel $0xFFFF  }
0xc1: {  	[dreg:$0x0] =	wrdreg $0xFFFFFFFF;
	(pc) =	sbr.abs _section_cstart, $3  }
0xc2: {  	[dreg:$0x1] =	wrdreg $0xFFFFFFFF  }
0xc3: {  	_ =	task.clear_ibuf [dreg:s7], $0x2FFFF;
	_ =	strace $0x9FFFFFFF  }
0xc4: {  	(tm) =	ssettm $0x7FFFFFFF  }
0xc5: {  	_ =	shalt  }
tec
execute0_lowered:
.L_overlay_start_1:
0x0: {  	(tag) =	ssettag $0x1  }
0x1: {  	s1 =	rddreg [dreg:$0x0]  }
0x2: {  	s19 =	rddreg [dreg:$0x1]  }
0x3: {  	s0 =	srdreg.scid;
	s3 =	rddreg [dreg:$0x2]  }
0x4: {  	s5 =	stileid.u32;
	s4 =	rddreg [dreg:$0x3];
	s9 =	simm.s32 $0x0  }
0x5: {  	s28 =	simm.s32 $0x1;
	s29 =	simm.s32 $0xC000;
	s30 =	simm.s32 $0x2  }
0x6: {  	s31 =	simm.s32 $0x0;
	s0 =	sand.u32 $0x1, s0;
	s8 =	smul.u32 $0x13C00, s5  }
0x7: {  	[smem:$0x7FF] =	sst s9;
	s10 =	smul.u32 $0x4F000, s5;
	s18 =	sadd.s32 $0xBE00, s19  }
0x8: {  	s2 =	sshll.u32 s0, $0x4;
	s6 =	smul.u32 $0x13C000, s0;
	_ =	strace $0x80000047  }
0x9: {  	s21 =	ssub.s32 $0x2, s0;
	p0 =	seq.s32 s0, $0x1;
	s0 =	simm.s32 $0x16400  }
0xa: {  	s2 =	sor.u32 s5, s2;
	s22 =	sshrl.u32 s21, $0x1;
	s24 =	sshrl.u32 s10, $0x2  }
0xb: {  	s0 =	simm.s32 @!p0 $0x15E00;
	s7 =	smul.u32 $0x500, s2;
	s6 =	sadd.s32 s8, s6  }
0xc: {  	s21 =	ssub.s32 s21, s22;
	s8 =	sadd.s32 s24, s3;
	s22 =	smul.u32 $0x280, s5  }
0xd: {  	s2 =	smul.u32 $0x2800, s2;
	s0 =	sadd.s32 s0, s19;
	s24 =	simm.s32 $0x4000  }
0xe: {  	s6 =	sshrl.u32 s6, $0x3;
	s9 =	sadd.s32 $0x4000, s8;
	s10 =	sadd.s32 $0x8000, s8  }
0xf: {  	s11 =	sadd.s32 $0xC000, s8;
	s12 =	sadd.s32 $0xFC00, s8;
	s17 =	sadd.s32 s7, s19  }
0x10: {  	s20 =	sadd.s32 s6, s19;
	s25 =	sadd.s32 s18, s7;
	s13 =	sadd.s32 s22, s4  }
0x11: {  	s2 =	sshrl.u32 s2, $0x3;
	s26 =	sshrl.u32 s22, $0x3;
	s22 =	simm.s32 $0x3  }
0x12: {  	s23 =	sadd.s32 $0x1E00, s17;
	[dreg:$0x6] =	wrdreg s25;
	s14 =	sadd.s32 $0x80, s13  }
0x13: {  	s15 =	sadd.s32 $0x100, s13;
	s16 =	sadd.s32 $0x180, s13;
	s17 =	sadd.s32 $0x200, s13  }
0x14: {  	s2 =	sadd.s32 s18, s2;
	s19 =	sadd.s32 $0x16A00, s20;
	s20 =	smax.u32 s21, $0x1  }
0x15: {  	s21 =	sadd.s32 s0, s26;
	s25 =	simm.s32 $0x80;
	s26 =	simm.s32 $0x8000  }
0x16: {  	v0 =	vimm.s32 $0x0;
	v1 =	vimm.f32 $0.0e+00;
	v2 =	vimm.f32 $1.000000000e+00;
	[dreg:$0x5] =	wrdreg s23;
	s18 =	sadd.s32 $0x280, s2;
	s23 =	simm.s32 $0x2C00  }
.LBB2_1:
0x17: {  	s0 =	simm.s32 $0x0;
	s2 =	rddreg [dreg:$0x5]  }
0x18: {  	[tilespmem:s0], [sflag:$0x3] =	stream.linear.gather [hbm4b:s2+s0], $0x2800, $0x38;
	[tilespmem:$0x1FF00] =	vst v63  }
0x19: {  	_ =	swait.ge [sflag:s22], $0x2800  }
0x1a: {  	[sflag:s22] =	ssyncset.done $0x0  }
0x1b: {  	s7 =	rddreg [dreg:$0x6];
	[sflag:s22] =	ssyncadd.s32 $0xFFFFD800  }
0x1c: {  	[tilespmem:s23], [sflag:$0x3] =	stream.linear.gather [hbm4b:s7+s0], $0x1400, $0x38;
	[tilespmem:$0x1FF00] =	vst v63  }
0x1d: {  	_ =	swait.ge [sflag:s22], $0x1400  }
0x1e: {  	[sflag:s22] =	ssyncset.done $0x0  }
0x1f: {  	[sflag:s22] =	ssyncadd.s32 $0xFFFFEC00  }
0x20: {  	[tilespmem:$0x2800] =	vst v0  }
0x21: {  	[tilespmem:$0x2810] =	vst v0  }
0x22: {  	[tilespmem:$0x2820] =	vst v0  }
0x23: {  	[tilespmem:$0x2830] =	vst v0  }
0x24: {  	[tilespmem:$0x2840] =	vst v0  }
0x25: {  	[tilespmem:$0x2850] =	vst v0  }
0x26: {  	[tilespmem:$0x2860] =	vst v0  }
0x27: {  	s2 =	simm.s32 $0x0;
	s0 =	simm.s32 $0x200;
	[tilespmem:$0x2870] =	vst v0  }
.LBB2_2:
0x28: {  	p0 =	sne.s32 s0, $0xFE00;
	[tilespmem:s2+$0x4070] =	vst v1  }
0x29: {  	[tilespmem:s2+$0x4000] =	vst v1  }
0x2a: {  	[tilespmem:s2+$0x4010] =	vst v1  }
.Ltmp0:
0x2b: {  	[tilespmem:s2+$0x4020] =	vst v1;
	(pc) =	sbr.rel @p0 .LBB2_2-.Ltmp0, $4  }
0x2c: {  	[tilespmem:s2+$0x4030] =	vst v1  }
0x2d: {  	[tilespmem:s2+$0x4040] =	vst v1  }
0x2e: {  	[tilespmem:s2+$0x4050] =	vst v1  }
0x2f: {  	[tilespmem:s2+$0x4060] =	vst v1;
	s2 =	sshra.s32 s0, $0x2;
	s0 =	sadd.s32 $0x200, s0  }
0x30: {  	[tilespmem:s2+$0x4070] =	vst v1  }
0x31: {  	[tilespmem:s2+$0x4000] =	vst v1  }
0x32: {  	[tilespmem:s2+$0x4010] =	vst v1  }
0x33: {  	[tilespmem:s2+$0x4020] =	vst v1  }
0x34: {  	[tilespmem:s2+$0x4030] =	vst v1  }
0x35: {  	[tilespmem:s2+$0x4040] =	vst v1  }
0x36: {  	[tilespmem:s2+$0x4050] =	vst v1  }
0x37: {  	[tilespmem:s2+$0x4060] =	vst v1  }
0x38: {  	[tilespmem:$0xC000] =	vst v2  }
0x39: {  	[tilespmem:$0xC010] =	vst v2  }
0x3a: {  	[tilespmem:$0xC020] =	vst v2  }
0x3b: {  	[tilespmem:$0xC030] =	vst v2  }
0x3c: {  	[tilespmem:$0xC040] =	vst v2  }
0x3d: {  	[tilespmem:$0xC050] =	vst v2  }
0x3e: {  	[tilespmem:$0xC060] =	vst v2  }
0x3f: {  	[tilespmem:$0xC070] =	vst v2  }
0x40: {  	[spmem:s8] =	stream.linear.scatter [tilespmem:s24], [sflag:$0x3], $0x4000, $0x38;
	[tilespmem:$0x1FF00] =	vst v63  }
0x41: {  	_ =	swait.ge [sflag:s22], $0x4000  }
0x42: {  	[sflag:s22] =	ssyncset.done $0x0  }
0x43: {  	[sflag:s22] =	ssyncadd.s32 $0xFFFFC000  }
0x44: {  	[spmem:s9] =	stream.linear.scatter [tilespmem:s24], [sflag:$0x3], $0x4000, $0x38;
	[tilespmem:$0x1FF00] =	vst v63  }
0x45: {  	_ =	swait.ge [sflag:s22], $0x4000  }
0x46: {  	[sflag:s22] =	ssyncset.done $0x0  }
0x47: {  	[sflag:s22] =	ssyncadd.s32 $0xFFFFC000  }
0x48: {  	[spmem:s10] =	stream.linear.scatter [tilespmem:s24], [sflag:$0x3], $0x4000, $0x38;
	[tilespmem:$0x1FF00] =	vst v63  }
0x49: {  	_ =	swait.ge [sflag:s22], $0x4000  }
0x4a: {  	[sflag:s22] =	ssyncset.done $0x0  }
0x4b: {  	[sflag:s22] =	ssyncadd.s32 $0xFFFFC000  }
0x4c: {  	[spmem:s11] =	stream.linear.scatter [tilespmem:s24], [sflag:$0x3], $0x4000, $0x38;
	[tilespmem:$0x1FF00] =	vst v63  }
0x4d: {  	_ =	swait.ge [sflag:s22], $0x4000  }
0x4e: {  	[sflag:s22] =	ssyncset.done $0x0  }
0x4f: {  	[sflag:s22] =	ssyncadd.s32 $0xFFFFC000  }
0x50: {  	[spmem:s12] =	stream.linear.scatter [tilespmem:s24], [sflag:$0x3], $0x4000, $0x38;
	[tilespmem:$0x1FF00] =	vst v63  }
0x51: {  	_ =	swait.ge [sflag:s22], $0x4000  }
0x52: {  	[sflag:s22] =	ssyncset.done $0x0  }
0x53: {  	[sflag:s22] =	ssyncadd.s32 $0xFFFFC000  }
0x54: {  	[spmem:s13] =	stream.linear.scatter [tilespmem:s24], [sflag:$0x3], $0x80, $0x38;
	[tilespmem:$0x1FF00] =	vst v63  }
0x55: {  	_ =	swait.ge [sflag:s22], $0x80  }
0x56: {  	[sflag:s22] =	ssyncset.done $0x0  }
0x57: {  	[sflag:s22] =	ssyncadd.s32 $0xFFFFFF80  }
0x58: {  	[spmem:s14] =	stream.linear.scatter [tilespmem:s24], [sflag:$0x3], $0x80, $0x38;
	[tilespmem:$0x1FF00] =	vst v63  }
0x59: {  	_ =	swait.ge [sflag:s22], $0x80  }
0x5a: {  	[sflag:s22] =	ssyncset.done $0x0  }
0x5b: {  	[sflag:s22] =	ssyncadd.s32 $0xFFFFFF80  }
0x5c: {  	[spmem:s15] =	stream.linear.scatter [tilespmem:s24], [sflag:$0x3], $0x80, $0x38;
	[tilespmem:$0x1FF00] =	vst v63  }
0x5d: {  	_ =	swait.ge [sflag:s22], $0x80  }
0x5e: {  	[sflag:s22] =	ssyncset.done $0x0  }
0x5f: {  	[sflag:s22] =	ssyncadd.s32 $0xFFFFFF80  }
0x60: {  	[spmem:s16] =	stream.linear.scatter [tilespmem:s24], [sflag:$0x3], $0x80, $0x38;
	[tilespmem:$0x1FF00] =	vst v63  }
0x61: {  	_ =	swait.ge [sflag:s22], $0x80  }
0x62: {  	[sflag:s22] =	ssyncset.done $0x0  }
0x63: {  	[sflag:s22] =	ssyncadd.s32 $0xFFFFFF80  }
0x64: {  	[spmem:s17] =	stream.linear.scatter [tilespmem:s24], [sflag:$0x3], $0x80, $0x38;
	[tilespmem:$0x1FF00] =	vst v63  }
0x65: {  	_ =	swait.ge [sflag:s22], $0x80  }
0x66: {  	[sflag:s22] =	ssyncset.done $0x0  }
0x67: {  	[sflag:s22] =	ssyncadd.s32 $0xFFFFFF80  }
0x68: {  	s0 =	simm.s32 $0x0;
	[bflag:$0x0] =	sbarrier.arrive $0xFFFF  }
0x69: {  	[tilespmem:s24], [sflag:$0x1] =	stream.indirect.gather [hbm4b:s1+s25], $0x80, s0, s25, $0xb8;
	[tilespmem:$0x1FF00] =	vst v63  }
0x6a: {  	s2 =	simm.s32 $0x80  }
0x6b: {  	[tilespmem:s26], [sflag:$0x2] =	stream.indirect.gather [hbm4b:s1+s25], $0x80, s2, s25, $0xb8;
	[tilespmem:$0x1FF00] =	vst v63  }
0x6c: {  	_ =	swait.ge [sflag:s28], $0x4000  }
0x6d: {  	[sflag:s28] =	ssyncset.done $0x0  }
0x6e: {  	s5 =	simm.s32 $0x2C00;
	[sflag:s28] =	ssyncadd.s32 $0xFFFFC000  }
0x6f: {  	[spmem:s3] =	stream.indirect.scatter.add.f32 [tilespmem:s24], [sflag:$0x3], $0x80, s5, s25, $0xb8;
	[tilespmem:$0x1FF00] =	vst v63  }
0x70: {  	_ =	swait.ge [sflag:s22], $0x4000  }
0x71: {  	[sflag:s22] =	ssyncset.done $0x0  }
0x72: {  	[sflag:s22] =	ssyncadd.s32 $0xFFFFC000  }
0x73: {  	[spmem:s4] =	stream.indirect.scatter.add.f32 [tilespmem:s29], [sflag:$0x3], $0x1, s5, s25, $0xb8;
	[tilespmem:$0x1FF00] =	vst v63  }
0x74: {  	_ =	swait.ge [sflag:s22], $0x80  }
0x75: {  	[sflag:s22] =	ssyncset.done $0x0  }
0x76: {  	s6 =	simm.s32 $0x100;
	[sflag:s22] =	ssyncadd.s32 $0xFFFFFF80  }
0x77: {  	[tilespmem:s24], [sflag:$0x1] =	stream.indirect.gather [hbm4b:s1+s25], $0x80, s6, s25, $0xb8;
	[tilespmem:$0x1FF00] =	vst v63  }
0x78: {  	_ =	swait.ge [sflag:s30], $0x4000  }
0x79: {  	[sflag:s30] =	ssyncset.done $0x0  }
0x7a: {  	s7 =	simm.s32 $0x2C80;
	[sflag:s30] =	ssyncadd.s32 $0xFFFFC000  }
0x7b: {  	[spmem:s3] =	stream.indirect.scatter.add.f32 [tilespmem:s26], [sflag:$0x3], $0x80, s7, s25, $0xb8;
	[tilespmem:$0x1FF00] =	vst v63  }
0x7c: {  	_ =	swait.ge [sflag:s22], $0x4000  }
0x7d: {  	[sflag:s22] =	ssyncset.done $0x0  }
0x7e: {  	[sflag:s22] =	ssyncadd.s32 $0xFFFFC000  }
0x7f: {  	[spmem:s4] =	stream.indirect.scatter.add.f32 [tilespmem:s29], [sflag:$0x3], $0x1, s7, s25, $0xb8;
	[tilespmem:$0x1FF00] =	vst v63  }
0x80: {  	_ =	swait.ge [sflag:s22], $0x80  }
0x81: {  	s0 =	simm.s32 $0x800;
	s2 =	simm.s32 $0x100;
	[sflag:s22] =	ssyncset.done $0x0  }
.LBB2_4:
0x82: {  	s5 =	sadd.s32 $0x80, s2  }
0x83: {  	[sflag:s22] =	ssyncadd.s32 $0xFFFFFF80;
	s6 =	smov.u32 s0;
	s7 =	sadd.s32 $0x400, s0  }
0x84: {  	[tilespmem:s26], [sflag:$0x2] =	stream.indirect.gather [hbm4b:s1+s25], $0x80, s5, s25, $0xb8;
	[tilespmem:$0x1FF00] =	vst v63  }
0x85: {  	p0 =	sne.s32 s0, $0x4C00;
	_ =	swait.ge [sflag:s28], $0x4000  }
0x86: {  	[sflag:s28] =	ssyncset.done $0x0  }
0x87: {  	s0 =	sadd.s32 $0x2C00, s2;
	[sflag:s28] =	ssyncadd.s32 $0xFFFFC000  }
0x88: {  	[spmem:s3] =	stream.indirect.scatter.add.f32 [tilespmem:s24], [sflag:$0x3], $0x80, s0, s25, $0xb8;
	[tilespmem:$0x1FF00] =	vst v63  }
0x89: {  	_ =	swait.ge [sflag:s22], $0x4000  }
0x8a: {  	[sflag:s22] =	ssyncset.done $0x0  }
0x8b: {  	[sflag:s22] =	ssyncadd.s32 $0xFFFFC000  }
0x8c: {  	[spmem:s4] =	stream.indirect.scatter.add.f32 [tilespmem:s29], [sflag:$0x3], $0x1, s0, s25, $0xb8;
	[tilespmem:$0x1FF00] =	vst v63  }
0x8d: {  	_ =	swait.ge [sflag:s22], $0x80  }
0x8e: {  	[sflag:s22] =	ssyncset.done $0x0  }
0x8f: {  	s0 =	sadd.s32 $0x100, s2;
	[sflag:s22] =	ssyncadd.s32 $0xFFFFFF80  }
0x90: {  	[tilespmem:s24], [sflag:$0x1] =	stream.indirect.gather [hbm4b:s1+s25], $0x80, s0, s25, $0xb8;
	[tilespmem:$0x1FF00] =	vst v63  }
0x91: {  	_ =	swait.ge [sflag:s30], $0x4000  }
0x92: {  	[sflag:s30] =	ssyncset.done $0x0  }
0x93: {  	s0 =	sadd.s32 $0x2C80, s2;
	[sflag:s30] =	ssyncadd.s32 $0xFFFFC000  }
0x94: {  	[spmem:s3] =	stream.indirect.scatter.add.f32 [tilespmem:s26], [sflag:$0x3], $0x80, s0, s25, $0xb8;
	[tilespmem:$0x1FF00] =	vst v63  }
0x95: {  	_ =	swait.ge [sflag:s22], $0x4000  }
.Ltmp1:
0x96: {  	[sflag:s22] =	ssyncset.done $0x0;
	(pc) =	sbr.rel @p0 .LBB2_4-.Ltmp1, $4  }
0x97: {  	[sflag:s22] =	ssyncadd.s32 $0xFFFFC000  }
0x98: {  	[spmem:s4] =	stream.indirect.scatter.add.f32 [tilespmem:s29], [sflag:$0x3], $0x1, s0, s25, $0xb8;
	[tilespmem:$0x1FF00] =	vst v63  }
0x99: {  	_ =	swait.ge [sflag:s22], $0x80  }
0x9a: {  	s2 =	sshra.s32 s6, $0x2;
	s0 =	smov.u32 s7;
	[sflag:s22] =	ssyncset.done $0x0  }
0x9b: {  	s0 =	sadd.s32 $0x80, s2;
	[sflag:s22] =	ssyncadd.s32 $0xFFFFFF80  }
0x9c: {  	[tilespmem:s26], [sflag:$0x2] =	stream.indirect.gather [hbm4b:s1+s25], $0x80, s0, s25, $0xb8;
	[tilespmem:$0x1FF00] =	vst v63  }
0x9d: {  	_ =	swait.ge [sflag:s28], $0x4000  }
0x9e: {  	[sflag:s28] =	ssyncset.done $0x0  }
0x9f: {  	s7 =	sadd.s32 $0x2C00, s2;
	[sflag:s28] =	ssyncadd.s32 $0xFFFFC000  }
0xa0: {  	[spmem:s3] =	stream.indirect.scatter.add.f32 [tilespmem:s24], [sflag:$0x3], $0x80, s7, s25, $0xb8;
	[tilespmem:$0x1FF00] =	vst v63  }
0xa1: {  	_ =	swait.ge [sflag:s22], $0x4000  }
0xa2: {  	[sflag:s22] =	ssyncset.done $0x0  }
0xa3: {  	[sflag:s22] =	ssyncadd.s32 $0xFFFFC000  }
0xa4: {  	[spmem:s4] =	stream.indirect.scatter.add.f32 [tilespmem:s29], [sflag:$0x3], $0x1, s7, s25, $0xb8;
	[tilespmem:$0x1FF00] =	vst v63  }
0xa5: {  	_ =	swait.ge [sflag:s22], $0x80  }
0xa6: {  	[sflag:s22] =	ssyncset.done $0x0  }
0xa7: {  	s5 =	sadd.s32 $0x100, s2;
	[sflag:s22] =	ssyncadd.s32 $0xFFFFFF80  }
0xa8: {  	[tilespmem:s24], [sflag:$0x1] =	stream.indirect.gather [hbm4b:s1+s25], $0x80, s5, s25, $0xb8;
	[tilespmem:$0x1FF00] =	vst v63  }
0xa9: {  	_ =	swait.ge [sflag:s30], $0x4000  }
0xaa: {  	[sflag:s30] =	ssyncset.done $0x0  }
0xab: {  	s6 =	sadd.s32 $0x2C80, s2;
	[sflag:s30] =	ssyncadd.s32 $0xFFFFC000  }
0xac: {  	[spmem:s3] =	stream.indirect.scatter.add.f32 [tilespmem:s26], [sflag:$0x3], $0x80, s6, s25, $0xb8;
	[tilespmem:$0x1FF00] =	vst v63  }
0xad: {  	_ =	swait.ge [sflag:s22], $0x4000  }
0xae: {  	[sflag:s22] =	ssyncset.done $0x0  }
0xaf: {  	[sflag:s22] =	ssyncadd.s32 $0xFFFFC000  }
0xb0: {  	[spmem:s4] =	stream.indirect.scatter.add.f32 [tilespmem:s29], [sflag:$0x3], $0x1, s6, s25, $0xb8;
	[tilespmem:$0x1FF00] =	vst v63  }
0xb1: {  	_ =	swait.ge [sflag:s22], $0x80  }
0xb2: {  	[sflag:s22] =	ssyncset.done $0x0  }
0xb3: {  	s7 =	simm.s32 $0x0;
	[sflag:s22] =	ssyncadd.s32 $0xFFFFFF80  }
0xb4: {  	[tilespmem:s23], [sflag:$0x3] =	stream.linear.gather [hbm4b:s18+s7], $0x1400, $0x38;
	[tilespmem:$0x1FF00] =	vst v63  }
0xb5: {  	_ =	swait.ge [sflag:s22], $0x1400  }
0xb6: {  	[sflag:s22] =	ssyncset.done $0x0  }
0xb7: {  	s2 =	simm.s32 $0x1480;
	[sflag:s22] =	ssyncadd.s32 $0xFFFFEC00  }
0xb8: {  	[tilespmem:s26], [sflag:$0x2] =	stream.indirect.gather [hbm4b:s1+s25], $0x80, s2, s25, $0xb8;
	[tilespmem:$0x1FF00] =	vst v63  }
0xb9: {  	_ =	swait.ge [sflag:s28], $0x4000  }
0xba: {  	[sflag:s28] =	ssyncset.done $0x0  }
0xbb: {  	s5 =	simm.s32 $0x2C00;
	[sflag:s28] =	ssyncadd.s32 $0xFFFFC000  }
0xbc: {  	[spmem:s3] =	stream.indirect.scatter.add.f32 [tilespmem:s24], [sflag:$0x3], $0x80, s5, s25, $0xb8;
	[tilespmem:$0x1FF00] =	vst v63  }
0xbd: {  	_ =	swait.ge [sflag:s22], $0x4000  }
0xbe: {  	[sflag:s22] =	ssyncset.done $0x0  }
0xbf: {  	[sflag:s22] =	ssyncadd.s32 $0xFFFFC000  }
0xc0: {  	[spmem:s4] =	stream.indirect.scatter.add.f32 [tilespmem:s29], [sflag:$0x3], $0x1, s5, s25, $0xb8;
	[tilespmem:$0x1FF00] =	vst v63  }
0xc1: {  	_ =	swait.ge [sflag:s22], $0x80  }
0xc2: {  	[sflag:s22] =	ssyncset.done $0x0  }
0xc3: {  	s6 =	simm.s32 $0x1500;
	[sflag:s22] =	ssyncadd.s32 $0xFFFFFF80  }
0xc4: {  	[tilespmem:s24], [sflag:$0x1] =	stream.indirect.gather [hbm4b:s1+s25], $0x80, s6, s25, $0xb8;
	[tilespmem:$0x1FF00] =	vst v63  }
0xc5: {  	_ =	swait.ge [sflag:s30], $0x4000  }
0xc6: {  	[sflag:s30] =	ssyncset.done $0x0  }
0xc7: {  	s7 =	simm.s32 $0x2C80;
	[sflag:s30] =	ssyncadd.s32 $0xFFFFC000  }
0xc8: {  	[spmem:s3] =	stream.indirect.scatter.add.f32 [tilespmem:s26], [sflag:$0x3], $0x80, s7, s25, $0xb8;
	[tilespmem:$0x1FF00] =	vst v63  }
0xc9: {  	_ =	swait.ge [sflag:s22], $0x4000  }
0xca: {  	[sflag:s22] =	ssyncset.done $0x0  }
0xcb: {  	[sflag:s22] =	ssyncadd.s32 $0xFFFFC000  }
0xcc: {  	[spmem:s4] =	stream.indirect.scatter.add.f32 [tilespmem:s29], [sflag:$0x3], $0x1, s7, s25, $0xb8;
	[tilespmem:$0x1FF00] =	vst v63  }
0xcd: {  	_ =	swait.ge [sflag:s22], $0x80  }
0xce: {  	s0 =	simm.s32 $0x800;
	s2 =	simm.s32 $0x100;
	[sflag:s22] =	ssyncset.done $0x0  }
.LBB2_6:
0xcf: {  	s5 =	sadd.s32 $0x1480, s2  }
0xd0: {  	[sflag:s22] =	ssyncadd.s32 $0xFFFFFF80;
	s6 =	smov.u32 s0;
	s7 =	sadd.s32 $0x400, s0  }
0xd1: {  	[tilespmem:s26], [sflag:$0x2] =	stream.indirect.gather [hbm4b:s1+s25], $0x80, s5, s25, $0xb8;
	[tilespmem:$0x1FF00] =	vst v63  }
0xd2: {  	p0 =	sne.s32 s0, $0x4C00;
	_ =	swait.ge [sflag:s28], $0x4000  }
0xd3: {  	[sflag:s28] =	ssyncset.done $0x0  }
0xd4: {  	s0 =	sadd.s32 $0x2C00, s2;
	[sflag:s28] =	ssyncadd.s32 $0xFFFFC000  }
0xd5: {  	[spmem:s3] =	stream.indirect.scatter.add.f32 [tilespmem:s24], [sflag:$0x3], $0x80, s0, s25, $0xb8;
	[tilespmem:$0x1FF00] =	vst v63  }
0xd6: {  	_ =	swait.ge [sflag:s22], $0x4000  }
0xd7: {  	[sflag:s22] =	ssyncset.done $0x0  }
0xd8: {  	[sflag:s22] =	ssyncadd.s32 $0xFFFFC000  }
0xd9: {  	[spmem:s4] =	stream.indirect.scatter.add.f32 [tilespmem:s29], [sflag:$0x3], $0x1, s0, s25, $0xb8;
	[tilespmem:$0x1FF00] =	vst v63  }
0xda: {  	_ =	swait.ge [sflag:s22], $0x80  }
0xdb: {  	[sflag:s22] =	ssyncset.done $0x0  }
0xdc: {  	s0 =	sadd.s32 $0x1500, s2;
	[sflag:s22] =	ssyncadd.s32 $0xFFFFFF80  }
0xdd: {  	[tilespmem:s24], [sflag:$0x1] =	stream.indirect.gather [hbm4b:s1+s25], $0x80, s0, s25, $0xb8;
	[tilespmem:$0x1FF00] =	vst v63  }
0xde: {  	_ =	swait.ge [sflag:s30], $0x4000  }
0xdf: {  	[sflag:s30] =	ssyncset.done $0x0  }
0xe0: {  	s0 =	sadd.s32 $0x2C80, s2;
	[sflag:s30] =	ssyncadd.s32 $0xFFFFC000  }
0xe1: {  	[spmem:s3] =	stream.indirect.scatter.add.f32 [tilespmem:s26], [sflag:$0x3], $0x80, s0, s25, $0xb8;
	[tilespmem:$0x1FF00] =	vst v63  }
0xe2: {  	_ =	swait.ge [sflag:s22], $0x4000  }
.Ltmp2:
0xe3: {  	[sflag:s22] =	ssyncset.done $0x0;
	(pc) =	sbr.rel @p0 .LBB2_6-.Ltmp2, $4  }
0xe4: {  	[sflag:s22] =	ssyncadd.s32 $0xFFFFC000  }
0xe5: {  	[spmem:s4] =	stream.indirect.scatter.add.f32 [tilespmem:s29], [sflag:$0x3], $0x1, s0, s25, $0xb8;
	[tilespmem:$0x1FF00] =	vst v63  }
0xe6: {  	_ =	swait.ge [sflag:s22], $0x80  }
0xe7: {  	s2 =	sshra.s32 s6, $0x2;
	s0 =	smov.u32 s7;
	[sflag:s22] =	ssyncset.done $0x0  }
0xe8: {  	s0 =	sadd.s32 $0x1480, s2;
	[sflag:s22] =	ssyncadd.s32 $0xFFFFFF80  }
0xe9: {  	[tilespmem:s26], [sflag:$0x2] =	stream.indirect.gather [hbm4b:s1+s25], $0x80, s0, s25, $0xb8;
	[tilespmem:$0x1FF00] =	vst v63  }
0xea: {  	_ =	swait.ge [sflag:s28], $0x4000  }
0xeb: {  	[sflag:s28] =	ssyncset.done $0x0  }
0xec: {  	s6 =	sadd.s32 $0x2C00, s2;
	[sflag:s28] =	ssyncadd.s32 $0xFFFFC000  }
0xed: {  	[spmem:s3] =	stream.indirect.scatter.add.f32 [tilespmem:s24], [sflag:$0x3], $0x80, s6, s25, $0xb8;
	[tilespmem:$0x1FF00] =	vst v63  }
0xee: {  	_ =	swait.ge [sflag:s22], $0x4000  }
0xef: {  	[sflag:s22] =	ssyncset.done $0x0  }
0xf0: {  	[sflag:s22] =	ssyncadd.s32 $0xFFFFC000  }
0xf1: {  	[spmem:s4] =	stream.indirect.scatter.add.f32 [tilespmem:s29], [sflag:$0x3], $0x1, s6, s25, $0xb8;
	[tilespmem:$0x1FF00] =	vst v63  }
0xf2: {  	_ =	swait.ge [sflag:s22], $0x80  }
0xf3: {  	[sflag:s22] =	ssyncset.done $0x0  }
0xf4: {  	s7 =	sadd.s32 $0x1500, s2;
	[sflag:s22] =	ssyncadd.s32 $0xFFFFFF80  }
0xf5: {  	[tilespmem:s24], [sflag:$0x1] =	stream.indirect.gather [hbm4b:s1+s25], $0x80, s7, s25, $0xb8;
	[tilespmem:$0x1FF00] =	vst v63  }
0xf6: {  	_ =	swait.ge [sflag:s30], $0x4000  }
0xf7: {  	[sflag:s30] =	ssyncset.done $0x0  }
0xf8: {  	s2 =	sadd.s32 $0x2C80, s2;
	[sflag:s30] =	ssyncadd.s32 $0xFFFFC000  }
0xf9: {  	[spmem:s3] =	stream.indirect.scatter.add.f32 [tilespmem:s26], [sflag:$0x3], $0x80, s2, s25, $0xb8;
	[tilespmem:$0x1FF00] =	vst v63  }
0xfa: {  	_ =	swait.ge [sflag:s22], $0x4000  }
0xfb: {  	[sflag:s22] =	ssyncset.done $0x0  }
0xfc: {  	[sflag:s22] =	ssyncadd.s32 $0xFFFFC000  }
0xfd: {  	[spmem:s4] =	stream.indirect.scatter.add.f32 [tilespmem:s29], [sflag:$0x3], $0x1, s2, s25, $0xb8;
	[tilespmem:$0x1FF00] =	vst v63  }
0xfe: {  	_ =	swait.ge [sflag:s22], $0x80  }
0xff: {  	[sflag:s22] =	ssyncset.done $0x0  }
0x100: {  	[sflag:s22] =	ssyncadd.s32 $0xFFFFFF80  }
0x101: {  	_ =	swait.ge [sflag:s28], $0x4000  }
0x102: {  	s5 =	stileid.u32;
	[sflag:s28] =	ssyncset.done $0x0  }
0x103: {  	s0 =	sshll.u32 s5, $0x6;
	[sflag:s28] =	ssyncadd.s32 $0xFFFFC000  }
0x104: {  	s0 =	sor.u32 $0x1C03, s0;
	s6 =	sshrl.u32 s8, $0x3;
	[bflag:$0x0] =	sbarrier.arrive $0xFFFF  }
0x105: {  	[hbm:s19], [sflag:s0] =	dma.local [spmem:s6], $0x2780  }
0x106: {  	s31 =	sadd.s32 $0x1, s31;
	_ =	swait.ge [sflag:s22], $0x2780  }
0x107: {  	p0 =	sne.s32 s31, s20;
	[sflag:s22] =	ssyncset.done $0x0  }
.Ltmp3:
0x108: {  	s7 =	sshrl.u32 s13, $0x3;
	[sflag:s22] =	ssyncadd.s32 $0xFFFFD880;
	(pc) =	sbr.rel @p0 .LBB2_1-.Ltmp3, $4  }
0x109: {  	[hbm:s21], [sflag:s0] =	dma.local [spmem:s7], $0x50  }
0x10a: {  	_ =	swait.ge [sflag:s22], $0x50  }
0x10b: {  	[sflag:s22] =	ssyncset.done $0x0  }
0x10c: {  	[sflag:s22] =	ssyncadd.s32 $0xFFFFFFB0  }
0x10d: {  	_ =	sfence.sel $0x180000  }
0x10e: {  	[bflag:$0x0] =	sbarrier.arrive $0xFFFF  }
0x10f: {  	_ =	strace $0x90000047  }
0x110: {  	s0 =	stileid.u32;
	[bflag:$0x2] =	sbarrier.arrive $0xFFFF  }
0x111: {  	p0 =	sne.s32 s0, $0x0;
	s0 =	rddreg [dreg:$0x4]  }
0x112: {  	s0 =	sadd.s32 @!p0 $0x100000, s0  }
0x113: {  	[sflag:s0] =	ssyncadd.tile.s32 @!p0 $0x1;
	_ =	shalt  }
.Lfunc_end2:
_tile_overlayer_lowered:
.L_overlay_start_2:
0x114: {  	(tag) =	ssettag $0x2  }
0x115: {  	s0 =	rddreg [dreg:$0x0];
	s2 =	stileid.u32  }
0x116: {  	s1 =	rddreg [dreg:$0x1];
	p0 =	sne.s32 s2, $0x0  }
0x117: {  	s3 =	rddreg [dreg:$0x2];
	[bflag:$0x3] =	sbarrier.arrive $0xFFFF;
	s2 =	simm.s32 @!p0 $0x1C03  }
0x118: {  	[timem:s3], [sflag:s2] =	dma.local @!p0 [hbm:s0], s1  }
0x119: {  	s0 =	simm.s32 @!p0 $0x3  }
0x11a: {  	_ =	swait.ge @!p0 [sflag:s0], s1  }
0x11b: {  	s1 =	ssub.s32 @!p0 $0x0, s1;
	[sflag:s0] =	ssyncset.done @!p0 $0x0  }
0x11c: {  	[sflag:s0] =	ssyncadd.s32 @!p0 s1  }
0x11d: {  	[bflag:$0x3] =	sbarrier.arrive $0xFFFF  }
0x11e: {  	_ =	shalt  }

</sc_bundles>
